<compile_context>
chip_gen: v7x
topology: tpu7x:2x2x1
jax: 0.10.2.dev20260603
libtpu: 0.0.44.dev20260713+nightly
codegen_flags: <defaults>
</compile_context>

<pallas_src>
import functools

import jax
import jax.numpy as jnp
from jax import lax
from jax.experimental import pallas as pl
from jax.experimental.pallas import tpu as pltpu
from jax.experimental.pallas import tpu_sc as plsc

N_NODES = 10000
N_PAD = 10240
IN_DIM = 128
HID_DIM = 128
OUT_DIM = 64
N_EDGES = 320000
EDGE_BLOCK = 128
N_WORKERS = 32
BLOCKS_PER_W = 80
N_BLOCKS = N_WORKERS * BLOCKS_PER_W
IDX_CHUNK = 16
E_PAD = N_BLOCKS * EDGE_BLOCK
ROWS_PER_TILE = N_PAD // 16

_MESH = plsc.VectorSubcoreMesh(core_axis_name="c", subcore_axis_name="s")


def _zero_vmem_2d(ref, nrows, d):
    z = jnp.zeros((16,), jnp.float32)

    def body(r, carry):
        for k in range(d // 16):
            ref[r, pl.ds(k * 16, 16)] = z
        return carry

    lax.fori_loop(0, nrows, body, 0)


def _deg_kernel_body(dstb_hbm, out_hbm, dst_slab, ones_v, stage, acc, sem):
    c = lax.axis_index("c")
    s = lax.axis_index("s")
    wid = c * 16 + s

    pltpu.sync_copy(dstb_hbm.at[pl.ds(wid * BLOCKS_PER_W, BLOCKS_PER_W)], dst_slab)

    one = jnp.ones((16,), jnp.float32)
    zero = jnp.zeros((16,), jnp.float32)
    for k in range(EDGE_BLOCK // 16):
        ones_v[pl.ds(k * 16, 16)] = one

    def zbody(r, carry):
        stage[pl.ds(r * 16, 16)] = zero
        return carry

    lax.fori_loop(0, ROWS_PER_TILE // 16, zbody, 0)
    pltpu.sync_copy(stage, acc.at[pl.ds(s * ROWS_PER_TILE, ROWS_PER_TILE)])
    plsc.subcore_barrier()

    def ebody(j, carry):
        pltpu.sync_copy(ones_v, acc.at[dst_slab.at[j]], add=True)
        return carry

    lax.fori_loop(0, BLOCKS_PER_W, ebody, 0)
    plsc.subcore_barrier()

    pltpu.sync_copy(acc.at[pl.ds(s * ROWS_PER_TILE, ROWS_PER_TILE)], stage)
    pltpu.sync_copy(
        stage, out_hbm.at[pl.ds(c * N_PAD + s * ROWS_PER_TILE, ROWS_PER_TILE)])


def _sc_degree(dst_blocks):
    return pl.kernel(
        _deg_kernel_body,
        out_type=jax.ShapeDtypeStruct((2 * N_PAD,), jnp.float32),
        mesh=_MESH,
        scratch_types=[
            pltpu.VMEM((BLOCKS_PER_W, EDGE_BLOCK), jnp.int32),
            pltpu.VMEM((EDGE_BLOCK,), jnp.float32),
            pltpu.VMEM((ROWS_PER_TILE,), jnp.float32),
            pltpu.VMEM_SHARED((N_PAD,), jnp.float32),
            pltpu.SemaphoreType.DMA,
        ],
    )(dst_blocks)


def _agg_kernel_body(d, g_hbm, srcb_hbm, dstb_hbm, out_hbm,
                     src_slab, dst_slab, buf0, buf1, acc, sem0, sem1):
    stage = buf0
    c = lax.axis_index("c")
    s = lax.axis_index("s")
    wid = c * 16 + s

    _zero_vmem_2d(stage, EDGE_BLOCK, d)
    for t in range(ROWS_PER_TILE // EDGE_BLOCK):
        pltpu.sync_copy(
            stage, acc.at[pl.ds(s * ROWS_PER_TILE + t * EDGE_BLOCK, EDGE_BLOCK)])
    plsc.subcore_barrier()

    def chunk_body(ci, carry):
        base = wid * BLOCKS_PER_W + ci * IDX_CHUNK
        pltpu.sync_copy(srcb_hbm.at[pl.ds(base, IDX_CHUNK)], src_slab)
        pltpu.sync_copy(dstb_hbm.at[pl.ds(base, IDX_CHUNK)], dst_slab)

        pltpu.async_copy(g_hbm.at[src_slab.at[0]], buf0, sem0)

        def ebody2(i, c2):
            j0 = 2 * i
            pltpu.async_copy(g_hbm.at[src_slab.at[j0 + 1]], buf1, sem1)

            pltpu.make_async_copy(g_hbm.at[src_slab.at[j0]], buf0, sem0).wait()
            pltpu.sync_copy(buf0, acc.at[dst_slab.at[j0]], add=True)
            jn = jnp.minimum(j0 + 2, IDX_CHUNK - 1)
            pltpu.async_copy(g_hbm.at[src_slab.at[jn]], buf0, sem0)

            pltpu.make_async_copy(g_hbm.at[src_slab.at[j0 + 1]], buf1, sem1).wait()
            pltpu.sync_copy(buf1, acc.at[dst_slab.at[j0 + 1]], add=True)
            return c2

        lax.fori_loop(0, IDX_CHUNK // 2, ebody2, 0)
        pltpu.make_async_copy(g_hbm.at[src_slab.at[0]], buf0, sem0).wait()
        return carry

    lax.fori_loop(0, BLOCKS_PER_W // IDX_CHUNK, chunk_body, 0)
    plsc.subcore_barrier()

    for t in range(ROWS_PER_TILE // EDGE_BLOCK):
        r = s * ROWS_PER_TILE + t * EDGE_BLOCK
        pltpu.sync_copy(acc.at[pl.ds(r, EDGE_BLOCK)], stage)
        pltpu.sync_copy(stage, out_hbm.at[c, pl.ds(r, EDGE_BLOCK)])


def _sc_aggregate(g, src_blocks, dst_blocks, d):
    return pl.kernel(
        functools.partial(_agg_kernel_body, d),
        out_type=jax.ShapeDtypeStruct((2, N_PAD, d), jnp.float32),
        mesh=_MESH,
        scratch_types=[
            pltpu.VMEM((IDX_CHUNK, EDGE_BLOCK), jnp.int32),
            pltpu.VMEM((IDX_CHUNK, EDGE_BLOCK), jnp.int32),
            pltpu.VMEM((EDGE_BLOCK, d), jnp.float32),
            pltpu.VMEM((EDGE_BLOCK, d), jnp.float32),
            pltpu.VMEM_SHARED((N_PAD, d), jnp.float32),
            pltpu.SemaphoreType.DMA,
            pltpu.SemaphoreType.DMA,
        ],
    )(g, src_blocks, dst_blocks)


_TC_GRID = 8
_TC_ROWS = N_PAD // _TC_GRID


def _tc_b_body(d0, d1, x, w1, g1):
    dinv = lax.rsqrt(d0[...] + d1[...] + 1.0)
    h = jnp.dot(x[...], w1[...], preferred_element_type=jnp.float32)
    g1[...] = dinv * h


def _tc_d_body(d0, d1, a0, a1, g1, b1, w2, g2):
    dinv = lax.rsqrt(d0[...] + d1[...] + 1.0)
    out1 = dinv * (a0[...] + a1[...] + g1[...]) + b1[...]
    h = jnp.maximum(out1, 0.0)
    mm = dinv * jnp.dot(h, w2[...], preferred_element_type=jnp.float32)
    g2[...] = jnp.concatenate(
        [mm, jnp.zeros((mm.shape[0], HID_DIM - OUT_DIM), jnp.float32)], axis=1)


def _tc_f_body(d0, d1, a0, a1, g2, b2, y):
    dinv = lax.rsqrt(d0[...] + d1[...] + 1.0)
    o = (dinv * (a0[...] + a1[...] + g2[...]))[:, :OUT_DIM] + b2[...]
    m = jnp.max(o, axis=1, keepdims=True)
    e = jnp.exp(o - m)
    y[...] = (o - m) - jnp.log(jnp.sum(e, axis=1, keepdims=True))


def _col_spec():
    return pl.BlockSpec((_TC_ROWS, 1), lambda i: (i, 0))


def _mat_spec(d):
    return pl.BlockSpec((_TC_ROWS, d), lambda i: (i, 0))


def _full_spec(r, c):
    return pl.BlockSpec((r, c), lambda i: (0, 0))


def kernel(x, edge_index, W1, b1, W2, b2):
    x = x.astype(jnp.float32)
    src = edge_index[0].astype(jnp.int32)
    dst = edge_index[1].astype(jnp.int32)

    n_fill = E_PAD - N_EDGES
    src_blocks = jnp.concatenate(
        [src, jnp.zeros((n_fill,), jnp.int32)]).reshape(N_BLOCKS, EDGE_BLOCK)
    dst_blocks = jnp.concatenate(
        [dst, jnp.full((n_fill,), N_PAD - 1, jnp.int32)]).reshape(N_BLOCKS, EDGE_BLOCK)

    x_pad = jnp.concatenate(
        [x, jnp.zeros((N_PAD - N_NODES, IN_DIM), jnp.float32)])

    deg_p = _sc_degree(dst_blocks).reshape(2, N_PAD)
    d0 = deg_p[0].reshape(N_PAD, 1)
    d1 = deg_p[1].reshape(N_PAD, 1)

    g1 = pl.pallas_call(
        _tc_b_body,
        grid=(_TC_GRID,),
        in_specs=[_col_spec(), _col_spec(), _mat_spec(IN_DIM),
                  _full_spec(IN_DIM, HID_DIM)],
        out_specs=_mat_spec(HID_DIM),
        out_shape=jax.ShapeDtypeStruct((N_PAD, HID_DIM), jnp.float32),
    )(d0, d1, x_pad, W1)

    agg1 = _sc_aggregate(g1, src_blocks, dst_blocks, HID_DIM)

    g2 = pl.pallas_call(
        _tc_d_body,
        grid=(_TC_GRID,),
        in_specs=[_col_spec(), _col_spec(), _mat_spec(HID_DIM),
                  _mat_spec(HID_DIM), _mat_spec(HID_DIM),
                  _full_spec(1, HID_DIM), _full_spec(HID_DIM, OUT_DIM)],
        out_specs=_mat_spec(HID_DIM),
        out_shape=jax.ShapeDtypeStruct((N_PAD, HID_DIM), jnp.float32),
    )(d0, d1, agg1[0], agg1[1], g1, b1.reshape(1, HID_DIM), W2)

    agg2 = _sc_aggregate(g2, src_blocks, dst_blocks, HID_DIM)

    y = pl.pallas_call(
        _tc_f_body,
        grid=(_TC_GRID,),
        in_specs=[_col_spec(), _col_spec(), _mat_spec(HID_DIM),
                  _mat_spec(HID_DIM), _mat_spec(HID_DIM),
                  _full_spec(1, OUT_DIM)],
        out_specs=_mat_spec(OUT_DIM),
        out_shape=jax.ShapeDtypeStruct((N_PAD, OUT_DIM), jnp.float32),
    )(d0, d1, agg2[0], agg2[1], g2, b2.reshape(1, OUT_DIM))

    return y[:N_NODES]

# --- scband reference (transcript-rebuilt; emitter-appended) ---
"""Pipeline reference for scband-gnn-16389595201742 (READ-ONLY COPY).

The authoritative reference and input builder live on the scoring server;
editing this copy changes nothing except your own understanding.
"""

import jax, jax.numpy as jnp
import numpy as np

N_NODES = 10000
IN_DIM = 128
HID_DIM = 128
OUT_DIM = 64
N_EDGES = 320000


def setup_inputs(seed: int = 0) -> dict:
    key = jax.random.key(seed)
    k1, k2, k3, k4, k5, k6 = jax.random.split(key, 6)
    x = jax.random.normal(k1, (N_NODES, IN_DIM), dtype=jnp.float32)
    edge_index = jax.random.randint(k2, (2, N_EDGES), 0, N_NODES, dtype=jnp.int64)
    # Glorot init per GCNConv defaults
    W1 = jax.random.normal(k3, (IN_DIM, HID_DIM), dtype=jnp.float32) * (2.0 / (IN_DIM + HID_DIM)) ** 0.5
    b1 = jnp.zeros((HID_DIM,), dtype=jnp.float32)
    W2 = jax.random.normal(k4, (HID_DIM, OUT_DIM), dtype=jnp.float32) * (2.0 / (HID_DIM + OUT_DIM)) ** 0.5
    b2 = jnp.zeros((OUT_DIM,), dtype=jnp.float32)
    return {"x": x, "edge_index": edge_index, "W1": W1, "b1": b1, "W2": W2, "b2": b2}


def _gcn_conv(x, src, dst, W, b, num_nodes):
    # symmetric normalization with self-loops already appended to src/dst
    deg = jnp.zeros((num_nodes,), dtype=x.dtype).at[dst].add(1.0)
    dinv = jnp.where(deg > 0, deg ** -0.5, 0.0)
    norm = dinv[src] * dinv[dst]
    h = x @ W
    msg = h[src] * norm[:, None]
    out = jnp.zeros((num_nodes, W.shape[1]), dtype=x.dtype).at[dst].add(msg)
    return out + b


def reference(x, edge_index, W1, b1, W2, b2):
    num_nodes = x.shape[0]
    loop = jnp.arange(num_nodes, dtype=edge_index.dtype)
    src = jnp.concatenate([edge_index[0], loop])
    dst = jnp.concatenate([edge_index[1], loop])
    h = _gcn_conv(x, src, dst, W1, b1, num_nodes)
    h = jax.nn.relu(h)
    h = _gcn_conv(h, src, dst, W2, b2, num_nodes)
    return jax.nn.log_softmax(h, axis=1)

if __name__ == "__main__":
    import jax
    _d = setup_inputs()
    print(jax.jit(kernel)(*tuple(_d.values())))

</pallas_src>

<mosaic_0001>
#map = affine_map<(d0, d1) -> (0, 0)>
#map1 = affine_map<(d0, d1) -> (0, 0, 0)>
module attributes {stable_mosaic.version = 14 : i64} {
  func.func @_agg_kernel_body(%arg0: i32, %arg1: i32, %arg2: memref<10240x128xf32, #tpu.memory_space<hbm>>, %arg3: memref<2560x128xi32, #tpu.memory_space<hbm>>, %arg4: memref<2560x128xi32, #tpu.memory_space<hbm>>, %arg5: memref<2x10240x128xf32, #tpu.memory_space<hbm>>, %arg6: memref<16x128xi32, #tpu.memory_space<vmem>>, %arg7: memref<16x128xi32, #tpu.memory_space<vmem>>, %arg8: memref<128x128xf32, #tpu.memory_space<vmem>>, %arg9: memref<128x128xf32, #tpu.memory_space<vmem>>, %arg10: memref<10240x128xf32, #tpu.memory_space<vmem_shared>>, %arg11: memref<!tpu.dma_semaphore, #tpu.memory_space<semaphore_mem>>, %arg12: memref<!tpu.dma_semaphore, #tpu.memory_space<semaphore_mem>>) attributes {dimension_semantics = [#tpu.dimension_semantics<core_parallel>, #tpu.dimension_semantics<subcore_parallel>], iteration_bounds = array<i64: 2, 16>, scalar_prefetch = 0 : i64, scratch_operands = 7 : i64, tpu.core_type = #tpu.core_type<sc_vector_subcore>, window_params = [{transform_indices = #map}, {transform_indices = #map}, {transform_indices = #map}, {transform_indices = #map1}]} {
    %mul3A = arith.constant 16 : i32
    %mul3A_0 = arith.muli %arg0, %mul3A : i32
    %add3A = arith.addi %mul3A_0, %arg1 : i32
    %broadcast_in_dim3A = arith.constant 0.000000e+00 : f32
    %broadcast_in_dim3A_1 = vector.broadcast %broadcast_in_dim3A : f32 to vector<16xf32>
    %scan3A = arith.constant 0 : i32
    %scan3A_2 = arith.constant 0 : i32
    %scan3A_3 = arith.constant 128 : i32
    %scan3A_4 = arith.addi %scan3A_2, %scan3A_3 : i32
    %scan3A_5 = arith.constant 1 : i32
    scf.for %scan3A_54 = %scan3A_2 to %scan3A_4 step %scan3A_5  : i32 {
      %swap3A = arith.index_cast %scan3A_54 : i32 to index
      %swap3A_55 = arith.constant 0 : index
      %swap3A_56 = tpu.vector_load %arg8[%swap3A, %swap3A_55] {strides = array<i32>} : memref<128x128xf32, #tpu.memory_space<vmem>>, vector<1x16xf32>,
      %swap3A_57 = vector.shape_cast %swap3A_56 : vector<1x16xf32> to vector<16xf32>
      %swap3A_58 = vector.shape_cast %broadcast_in_dim3A_1 : vector<16xf32> to vector<1x16xf32>
      tpu.vector_store %arg8[%swap3A, %swap3A_55], %swap3A_58 {strides = array<i32>} : memref<128x128xf32, #tpu.memory_space<vmem>>, vector<1x16xf32>,
      %swap3A_59 = arith.index_cast %scan3A_54 : i32 to index
      %swap3A_60 = arith.constant 16 : index
      %swap3A_61 = tpu.vector_load %arg8[%swap3A_59, %swap3A_60] {strides = array<i32>} : memref<128x128xf32, #tpu.memory_space<vmem>>, vector<1x16xf32>,
      %swap3A_62 = vector.shape_cast %swap3A_61 : vector<1x16xf32> to vector<16xf32>
      %swap3A_63 = vector.shape_cast %broadcast_in_dim3A_1 : vector<16xf32> to vector<1x16xf32>
      tpu.vector_store %arg8[%swap3A_59, %swap3A_60], %swap3A_63 {strides = array<i32>} : memref<128x128xf32, #tpu.memory_space<vmem>>, vector<1x16xf32>,
      %swap3A_64 = arith.index_cast %scan3A_54 : i32 to index
      %swap3A_65 = arith.constant 32 : index
      %swap3A_66 = tpu.vector_load %arg8[%swap3A_64, %swap3A_65] {strides = array<i32>} : memref<128x128xf32, #tpu.memory_space<vmem>>, vector<1x16xf32>,
      %swap3A_67 = vector.shape_cast %swap3A_66 : vector<1x16xf32> to vector<16xf32>
      %swap3A_68 = vector.shape_cast %broadcast_in_dim3A_1 : vector<16xf32> to vector<1x16xf32>
      tpu.vector_store %arg8[%swap3A_64, %swap3A_65], %swap3A_68 {strides = array<i32>} : memref<128x128xf32, #tpu.memory_space<vmem>>, vector<1x16xf32>,
      %swap3A_69 = arith.index_cast %scan3A_54 : i32 to index
      %swap3A_70 = arith.constant 48 : index
      %swap3A_71 = tpu.vector_load %arg8[%swap3A_69, %swap3A_70] {strides = array<i32>} : memref<128x128xf32, #tpu.memory_space<vmem>>, vector<1x16xf32>,
      %swap3A_72 = vector.shape_cast %swap3A_71 : vector<1x16xf32> to vector<16xf32>
      %swap3A_73 = vector.shape_cast %broadcast_in_dim3A_1 : vector<16xf32> to vector<1x16xf32>
      tpu.vector_store %arg8[%swap3A_69, %swap3A_70], %swap3A_73 {strides = array<i32>} : memref<128x128xf32, #tpu.memory_space<vmem>>, vector<1x16xf32>,
      %swap3A_74 = arith.index_cast %scan3A_54 : i32 to index
      %swap3A_75 = arith.constant 64 : index
      %swap3A_76 = tpu.vector_load %arg8[%swap3A_74, %swap3A_75] {strides = array<i32>} : memref<128x128xf32, #tpu.memory_space<vmem>>, vector<1x16xf32>,
      %swap3A_77 = vector.shape_cast %swap3A_76 : vector<1x16xf32> to vector<16xf32>
      %swap3A_78 = vector.shape_cast %broadcast_in_dim3A_1 : vector<16xf32> to vector<1x16xf32>
      tpu.vector_store %arg8[%swap3A_74, %swap3A_75], %swap3A_78 {strides = array<i32>} : memref<128x128xf32, #tpu.memory_space<vmem>>, vector<1x16xf32>,
      %swap3A_79 = arith.index_cast %scan3A_54 : i32 to index
      %swap3A_80 = arith.constant 80 : index
      %swap3A_81 = tpu.vector_load %arg8[%swap3A_79, %swap3A_80] {strides = array<i32>} : memref<128x128xf32, #tpu.memory_space<vmem>>, vector<1x16xf32>,
      %swap3A_82 = vector.shape_cast %swap3A_81 : vector<1x16xf32> to vector<16xf32>
      %swap3A_83 = vector.shape_cast %broadcast_in_dim3A_1 : vector<16xf32> to vector<1x16xf32>
      tpu.vector_store %arg8[%swap3A_79, %swap3A_80], %swap3A_83 {strides = array<i32>} : memref<128x128xf32, #tpu.memory_space<vmem>>, vector<1x16xf32>,
      %swap3A_84 = arith.index_cast %scan3A_54 : i32 to index
      %swap3A_85 = arith.constant 96 : index
      %swap3A_86 = tpu.vector_load %arg8[%swap3A_84, %swap3A_85] {strides = array<i32>} : memref<128x128xf32, #tpu.memory_space<vmem>>, vector<1x16xf32>,
      %swap3A_87 = vector.shape_cast %swap3A_86 : vector<1x16xf32> to vector<16xf32>
      %swap3A_88 = vector.shape_cast %broadcast_in_dim3A_1 : vector<16xf32> to vector<1x16xf32>
      tpu.vector_store %arg8[%swap3A_84, %swap3A_85], %swap3A_88 {strides = array<i32>} : memref<128x128xf32, #tpu.memory_space<vmem>>, vector<1x16xf32>,
      %swap3A_89 = arith.index_cast %scan3A_54 : i32 to index
      %swap3A_90 = arith.constant 112 : index
      %swap3A_91 = tpu.vector_load %arg8[%swap3A_89, %swap3A_90] {strides = array<i32>} : memref<128x128xf32, #tpu.memory_space<vmem>>, vector<1x16xf32>,
      %swap3A_92 = vector.shape_cast %swap3A_91 : vector<1x16xf32> to vector<16xf32>
      %swap3A_93 = vector.shape_cast %broadcast_in_dim3A_1 : vector<16xf32> to vector<1x16xf32>
      tpu.vector_store %arg8[%swap3A_89, %swap3A_90], %swap3A_93 {strides = array<i32>} : memref<128x128xf32, #tpu.memory_space<vmem>>, vector<1x16xf32>,
    }
    %scan3A_6 = arith.constant 128 : i32
    %mul3A_7 = arith.constant 640 : i32
    %mul3A_8 = arith.muli %arg1, %mul3A_7 : i32
    %add3A_9 = arith.constant 0 : i32
    %add3A_10 = arith.addi %mul3A_8, %add3A_9 : i32
    "tpu.region"() ({
      %run_scoped3A = tpu.sem_alloc : memref<!tpu.dma_semaphore, #tpu.memory_space<semaphore_mem>>
      %dma_start3A = arith.constant 0 : i32
      %dma_start3A_54 = tpu.memref_slice %arg10[%add3A_10, %dma_start3A] : memref<10240x128xf32, #tpu.memory_space<vmem_shared>> -> memref<128x128xf32, #tpu.memory_space<vmem_shared>>
      %dma_start3A_55 = arith.constant 0 : i32
      %dma_start3A_56 = tpu.memref_slice %arg10[%add3A_10, %dma_start3A_55] : memref<10240x128xf32, #tpu.memory_space<vmem_shared>> -> memref<128x128xf32, #tpu.memory_space<vmem_shared>>
      tpu.enqueue_dma source(%arg8 : memref<128x128xf32, #tpu.memory_space<vmem>>) target(%dma_start3A_56 : memref<128x128xf32, #tpu.memory_space<vmem_shared>>) target_semaphore(%run_scoped3A : memref<!tpu.dma_semaphore, #tpu.memory_space<semaphore_mem>>)
      %dma_wait3A = arith.constant 0 : i32
      %dma_wait3A_57 = tpu.memref_slice %arg10[%add3A_10, %dma_wait3A] : memref<10240x128xf32, #tpu.memory_space<vmem_shared>> -> memref<128x128xf32, #tpu.memory_space<vmem_shared>>
      %dma_wait3A_58 = arith.constant 0 : i32
      %dma_wait3A_59 = tpu.memref_slice %arg10[%add3A_10, %dma_wait3A_58] : memref<10240x128xf32, #tpu.memory_space<vmem_shared>> -> memref<128x128xf32, #tpu.memory_space<vmem_shared>>
      tpu.wait_dma2 semaphore(%run_scoped3A : memref<!tpu.dma_semaphore, #tpu.memory_space<semaphore_mem>>) src(%arg8 : memref<128x128xf32, #tpu.memory_space<vmem>>) dst(%dma_wait3A_59 : memref<128x128xf32, #tpu.memory_space<vmem_shared>>)
      tpu.yield
    }) : () -> ()
    %mul3A_11 = arith.constant 640 : i32
    %mul3A_12 = arith.muli %arg1, %mul3A_11 : i32
    %add3A_13 = arith.constant 128 : i32
    %add3A_14 = arith.addi %mul3A_12, %add3A_13 : i32
    "tpu.region"() ({
      %run_scoped3A = tpu.sem_alloc : memref<!tpu.dma_semaphore, #tpu.memory_space<semaphore_mem>>
      %dma_start3A = arith.constant 0 : i32
      %dma_start3A_54 = tpu.memref_slice %arg10[%add3A_14, %dma_start3A] : memref<10240x128xf32, #tpu.memory_space<vmem_shared>> -> memref<128x128xf32, #tpu.memory_space<vmem_shared>>
      %dma_start3A_55 = arith.constant 0 : i32
      %dma_start3A_56 = tpu.memref_slice %arg10[%add3A_14, %dma_start3A_55] : memref<10240x128xf32, #tpu.memory_space<vmem_shared>> -> memref<128x128xf32, #tpu.memory_space<vmem_shared>>
      tpu.enqueue_dma source(%arg8 : memref<128x128xf32, #tpu.memory_space<vmem>>) target(%dma_start3A_56 : memref<128x128xf32, #tpu.memory_space<vmem_shared>>) target_semaphore(%run_scoped3A : memref<!tpu.dma_semaphore, #tpu.memory_space<semaphore_mem>>)
      %dma_wait3A = arith.constant 0 : i32
      %dma_wait3A_57 = tpu.memref_slice %arg10[%add3A_14, %dma_wait3A] : memref<10240x128xf32, #tpu.memory_space<vmem_shared>> -> memref<128x128xf32, #tpu.memory_space<vmem_shared>>
      %dma_wait3A_58 = arith.constant 0 : i32
      %dma_wait3A_59 = tpu.memref_slice %arg10[%add3A_14, %dma_wait3A_58] : memref<10240x128xf32, #tpu.memory_space<vmem_shared>> -> memref<128x128xf32, #tpu.memory_space<vmem_shared>>
      tpu.wait_dma2 semaphore(%run_scoped3A : memref<!tpu.dma_semaphore, #tpu.memory_space<semaphore_mem>>) src(%arg8 : memref<128x128xf32, #tpu.memory_space<vmem>>) dst(%dma_wait3A_59 : memref<128x128xf32, #tpu.memory_space<vmem_shared>>)
      tpu.yield
    }) : () -> ()
    %mul3A_15 = arith.constant 640 : i32
    %mul3A_16 = arith.muli %arg1, %mul3A_15 : i32
    %add3A_17 = arith.constant 256 : i32
    %add3A_18 = arith.addi %mul3A_16, %add3A_17 : i32
    "tpu.region"() ({
      %run_scoped3A = tpu.sem_alloc : memref<!tpu.dma_semaphore, #tpu.memory_space<semaphore_mem>>
      %dma_start3A = arith.constant 0 : i32
      %dma_start3A_54 = tpu.memref_slice %arg10[%add3A_18, %dma_start3A] : memref<10240x128xf32, #tpu.memory_space<vmem_shared>> -> memref<128x128xf32, #tpu.memory_space<vmem_shared>>
      %dma_start3A_55 = arith.constant 0 : i32
      %dma_start3A_56 = tpu.memref_slice %arg10[%add3A_18, %dma_start3A_55] : memref<10240x128xf32, #tpu.memory_space<vmem_shared>> -> memref<128x128xf32, #tpu.memory_space<vmem_shared>>
      tpu.enqueue_dma source(%arg8 : memref<128x128xf32, #tpu.memory_space<vmem>>) target(%dma_start3A_56 : memref<128x128xf32, #tpu.memory_space<vmem_shared>>) target_semaphore(%run_scoped3A : memref<!tpu.dma_semaphore, #tpu.memory_space<semaphore_mem>>)
      %dma_wait3A = arith.constant 0 : i32
      %dma_wait3A_57 = tpu.memref_slice %arg10[%add3A_18, %dma_wait3A] : memref<10240x128xf32, #tpu.memory_space<vmem_shared>> -> memref<128x128xf32, #tpu.memory_space<vmem_shared>>
      %dma_wait3A_58 = arith.constant 0 : i32
      %dma_wait3A_59 = tpu.memref_slice %arg10[%add3A_18, %dma_wait3A_58] : memref<10240x128xf32, #tpu.memory_space<vmem_shared>> -> memref<128x128xf32, #tpu.memory_space<vmem_shared>>
      tpu.wait_dma2 semaphore(%run_scoped3A : memref<!tpu.dma_semaphore, #tpu.memory_space<semaphore_mem>>) src(%arg8 : memref<128x128xf32, #tpu.memory_space<vmem>>) dst(%dma_wait3A_59 : memref<128x128xf32, #tpu.memory_space<vmem_shared>>)
      tpu.yield
    }) : () -> ()
    %mul3A_19 = arith.constant 640 : i32
    %mul3A_20 = arith.muli %arg1, %mul3A_19 : i32
    %add3A_21 = arith.constant 384 : i32
    %add3A_22 = arith.addi %mul3A_20, %add3A_21 : i32
    "tpu.region"() ({
      %run_scoped3A = tpu.sem_alloc : memref<!tpu.dma_semaphore, #tpu.memory_space<semaphore_mem>>
      %dma_start3A = arith.constant 0 : i32
      %dma_start3A_54 = tpu.memref_slice %arg10[%add3A_22, %dma_start3A] : memref<10240x128xf32, #tpu.memory_space<vmem_shared>> -> memref<128x128xf32, #tpu.memory_space<vmem_shared>>
      %dma_start3A_55 = arith.constant 0 : i32
      %dma_start3A_56 = tpu.memref_slice %arg10[%add3A_22, %dma_start3A_55] : memref<10240x128xf32, #tpu.memory_space<vmem_shared>> -> memref<128x128xf32, #tpu.memory_space<vmem_shared>>
      tpu.enqueue_dma source(%arg8 : memref<128x128xf32, #tpu.memory_space<vmem>>) target(%dma_start3A_56 : memref<128x128xf32, #tpu.memory_space<vmem_shared>>) target_semaphore(%run_scoped3A : memref<!tpu.dma_semaphore, #tpu.memory_space<semaphore_mem>>)
      %dma_wait3A = arith.constant 0 : i32
      %dma_wait3A_57 = tpu.memref_slice %arg10[%add3A_22, %dma_wait3A] : memref<10240x128xf32, #tpu.memory_space<vmem_shared>> -> memref<128x128xf32, #tpu.memory_space<vmem_shared>>
      %dma_wait3A_58 = arith.constant 0 : i32
      %dma_wait3A_59 = tpu.memref_slice %arg10[%add3A_22, %dma_wait3A_58] : memref<10240x128xf32, #tpu.memory_space<vmem_shared>> -> memref<128x128xf32, #tpu.memory_space<vmem_shared>>
      tpu.wait_dma2 semaphore(%run_scoped3A : memref<!tpu.dma_semaphore, #tpu.memory_space<semaphore_mem>>) src(%arg8 : memref<128x128xf32, #tpu.memory_space<vmem>>) dst(%dma_wait3A_59 : memref<128x128xf32, #tpu.memory_space<vmem_shared>>)
      tpu.yield
    }) : () -> ()
    %mul3A_23 = arith.constant 640 : i32
    %mul3A_24 = arith.muli %arg1, %mul3A_23 : i32
    %add3A_25 = arith.constant 512 : i32
    %add3A_26 = arith.addi %mul3A_24, %add3A_25 : i32
    "tpu.region"() ({
      %run_scoped3A = tpu.sem_alloc : memref<!tpu.dma_semaphore, #tpu.memory_space<semaphore_mem>>
      %dma_start3A = arith.constant 0 : i32
      %dma_start3A_54 = tpu.memref_slice %arg10[%add3A_26, %dma_start3A] : memref<10240x128xf32, #tpu.memory_space<vmem_shared>> -> memref<128x128xf32, #tpu.memory_space<vmem_shared>>
      %dma_start3A_55 = arith.constant 0 : i32
      %dma_start3A_56 = tpu.memref_slice %arg10[%add3A_26, %dma_start3A_55] : memref<10240x128xf32, #tpu.memory_space<vmem_shared>> -> memref<128x128xf32, #tpu.memory_space<vmem_shared>>
      tpu.enqueue_dma source(%arg8 : memref<128x128xf32, #tpu.memory_space<vmem>>) target(%dma_start3A_56 : memref<128x128xf32, #tpu.memory_space<vmem_shared>>) target_semaphore(%run_scoped3A : memref<!tpu.dma_semaphore, #tpu.memory_space<semaphore_mem>>)
      %dma_wait3A = arith.constant 0 : i32
      %dma_wait3A_57 = tpu.memref_slice %arg10[%add3A_26, %dma_wait3A] : memref<10240x128xf32, #tpu.memory_space<vmem_shared>> -> memref<128x128xf32, #tpu.memory_space<vmem_shared>>
      %dma_wait3A_58 = arith.constant 0 : i32
      %dma_wait3A_59 = tpu.memref_slice %arg10[%add3A_26, %dma_wait3A_58] : memref<10240x128xf32, #tpu.memory_space<vmem_shared>> -> memref<128x128xf32, #tpu.memory_space<vmem_shared>>
      tpu.wait_dma2 semaphore(%run_scoped3A : memref<!tpu.dma_semaphore, #tpu.memory_space<semaphore_mem>>) src(%arg8 : memref<128x128xf32, #tpu.memory_space<vmem>>) dst(%dma_wait3A_59 : memref<128x128xf32, #tpu.memory_space<vmem_shared>>)
      tpu.yield
    }) : () -> ()
    %barrier3A = arith.constant 0 : index
    tpu.barrier barrier_id(%barrier3A)
    %scan3A_27 = arith.constant 0 : i32
    %scan3A_28 = arith.constant 0 : i32
    %scan3A_29 = arith.constant 5 : i32
    %scan3A_30 = arith.addi %scan3A_28, %scan3A_29 : i32
    %scan3A_31 = arith.constant 1 : i32
    scf.for %scan3A_54 = %scan3A_28 to %scan3A_30 step %scan3A_31  : i32 {
      %mul3A_55 = arith.constant 80 : i32
      %mul3A_56 = arith.muli %add3A, %mul3A_55 : i32
      %mul3A_57 = arith.constant 16 : i32
      %mul3A_58 = arith.muli %scan3A_54, %mul3A_57 : i32
      %add3A_59 = arith.addi %mul3A_56, %mul3A_58 : i32
      "tpu.region"() ({
        %run_scoped3A = tpu.sem_alloc : memref<!tpu.dma_semaphore, #tpu.memory_space<semaphore_mem>>
        %dma_start3A_78 = arith.constant 0 : i32
        %dma_start3A_79 = tpu.memref_slice %arg3[%add3A_59, %dma_start3A_78] : memref<2560x128xi32, #tpu.memory_space<hbm>> -> memref<16x128xi32, #tpu.memory_space<hbm>>
        %dma_start3A_80 = arith.constant 0 : i32
        %dma_start3A_81 = tpu.memref_slice %arg3[%add3A_59, %dma_start3A_80] : memref<2560x128xi32, #tpu.memory_space<hbm>> -> memref<16x128xi32, #tpu.memory_space<hbm>>
        tpu.enqueue_dma source(%dma_start3A_81 : memref<16x128xi32, #tpu.memory_space<hbm>>) target(%arg6 : memref<16x128xi32, #tpu.memory_space<vmem>>) target_semaphore(%run_scoped3A : memref<!tpu.dma_semaphore, #tpu.memory_space<semaphore_mem>>)
        %dma_wait3A_82 = arith.constant 0 : i32
        %dma_wait3A_83 = tpu.memref_slice %arg3[%add3A_59, %dma_wait3A_82] : memref<2560x128xi32, #tpu.memory_space<hbm>> -> memref<16x128xi32, #tpu.memory_space<hbm>>
        %dma_wait3A_84 = arith.constant 0 : i32
        %dma_wait3A_85 = tpu.memref_slice %arg3[%add3A_59, %dma_wait3A_84] : memref<2560x128xi32, #tpu.memory_space<hbm>> -> memref<16x128xi32, #tpu.memory_space<hbm>>
        tpu.wait_dma2 semaphore(%run_scoped3A : memref<!tpu.dma_semaphore, #tpu.memory_space<semaphore_mem>>) src(%dma_wait3A_85 : memref<16x128xi32, #tpu.memory_space<hbm>>) dst(%arg6 : memref<16x128xi32, #tpu.memory_space<vmem>>)
        tpu.yield
      }) : () -> ()
      "tpu.region"() ({
        %run_scoped3A = tpu.sem_alloc : memref<!tpu.dma_semaphore, #tpu.memory_space<semaphore_mem>>
        %dma_start3A_78 = arith.constant 0 : i32
        %dma_start3A_79 = tpu.memref_slice %arg4[%add3A_59, %dma_start3A_78] : memref<2560x128xi32, #tpu.memory_space<hbm>> -> memref<16x128xi32, #tpu.memory_space<hbm>>
        %dma_start3A_80 = arith.constant 0 : i32
        %dma_start3A_81 = tpu.memref_slice %arg4[%add3A_59, %dma_start3A_80] : memref<2560x128xi32, #tpu.memory_space<hbm>> -> memref<16x128xi32, #tpu.memory_space<hbm>>
        tpu.enqueue_dma source(%dma_start3A_81 : memref<16x128xi32, #tpu.memory_space<hbm>>) target(%arg7 : memref<16x128xi32, #tpu.memory_space<vmem>>) target_semaphore(%run_scoped3A : memref<!tpu.dma_semaphore, #tpu.memory_space<semaphore_mem>>)
        %dma_wait3A_82 = arith.constant 0 : i32
        %dma_wait3A_83 = tpu.memref_slice %arg4[%add3A_59, %dma_wait3A_82] : memref<2560x128xi32, #tpu.memory_space<hbm>> -> memref<16x128xi32, #tpu.memory_space<hbm>>
        %dma_wait3A_84 = arith.constant 0 : i32
        %dma_wait3A_85 = tpu.memref_slice %arg4[%add3A_59, %dma_wait3A_84] : memref<2560x128xi32, #tpu.memory_space<hbm>> -> memref<16x128xi32, #tpu.memory_space<hbm>>
        tpu.wait_dma2 semaphore(%run_scoped3A : memref<!tpu.dma_semaphore, #tpu.memory_space<semaphore_mem>>) src(%dma_wait3A_85 : memref<16x128xi32, #tpu.memory_space<hbm>>) dst(%arg7 : memref<16x128xi32, #tpu.memory_space<vmem>>)
        tpu.yield
      }) : () -> ()
      %dma_start3A = arith.constant 0 : i32
      %dma_start3A_60 = arith.constant 0 : i32
      %dma_start3A_61 = tpu.memref_slice %arg6[%dma_start3A, %dma_start3A_60] : memref<16x128xi32, #tpu.memory_space<vmem>> -> memref<1x128xi32, #tpu.memory_space<vmem>>
      %dma_start3A_62 = tpu.memref_squeeze %dma_start3A_61 : memref<1x128xi32, #tpu.memory_space<vmem>> -> memref<128xi32, #tpu.memory_space<vmem>>
      %dma_start3A_63 = arith.constant 0 : i32
      %dma_start3A_64 = arith.constant 0 : i32
      %dma_start3A_65 = tpu.memref_slice %arg2[%dma_start3A_63, %dma_start3A_64] : memref<10240x128xf32, #tpu.memory_space<hbm>> -> memref<10240x128xf32, #tpu.memory_space<hbm>>
      tpu.enqueue_indirect_dma source(%dma_start3A_65 : memref<10240x128xf32, #tpu.memory_space<hbm>>) target(%arg8 : memref<128x128xf32, #tpu.memory_space<vmem>>) offsets(%dma_start3A_62 : memref<128xi32, #tpu.memory_space<vmem>>) semaphore(%arg11 : memref<!tpu.dma_semaphore, #tpu.memory_space<semaphore_mem>>)
      %scan3A_66 = arith.constant 0 : i32
      %scan3A_67 = arith.constant 0 : i32
      %scan3A_68 = arith.constant 8 : i32
      %scan3A_69 = arith.addi %scan3A_67, %scan3A_68 : i32
      %scan3A_70 = arith.constant 1 : i32
      scf.for %scan3A_78 = %scan3A_67 to %scan3A_69 step %scan3A_70  : i32 {
        %mul3A_79 = arith.constant 2 : i32
        %mul3A_80 = arith.muli %mul3A_79, %scan3A_78 : i32
        %add3A_81 = arith.constant 1 : i32
        %add3A_82 = arith.addi %mul3A_80, %add3A_81 : i32
        %dma_start3A_83 = arith.constant 0 : i32
        %dma_start3A_84 = tpu.memref_slice %arg6[%add3A_82, %dma_start3A_83] : memref<16x128xi32, #tpu.memory_space<vmem>> -> memref<1x128xi32, #tpu.memory_space<vmem>>
        %dma_start3A_85 = tpu.memref_squeeze %dma_start3A_84 : memref<1x128xi32, #tpu.memory_space<vmem>> -> memref<128xi32, #tpu.memory_space<vmem>>
        %dma_start3A_86 = arith.constant 0 : i32
        %dma_start3A_87 = arith.constant 0 : i32
        %dma_start3A_88 = tpu.memref_slice %arg2[%dma_start3A_86, %dma_start3A_87] : memref<10240x128xf32, #tpu.memory_space<hbm>> -> memref<10240x128xf32, #tpu.memory_space<hbm>>
        tpu.enqueue_indirect_dma source(%dma_start3A_88 : memref<10240x128xf32, #tpu.memory_space<hbm>>) target(%arg9 : memref<128x128xf32, #tpu.memory_space<vmem>>) offsets(%dma_start3A_85 : memref<128xi32, #tpu.memory_space<vmem>>) semaphore(%arg12 : memref<!tpu.dma_semaphore, #tpu.memory_space<semaphore_mem>>)
        %dma_wait3A_89 = arith.constant 0 : i32
        %dma_wait3A_90 = tpu.memref_slice %arg6[%mul3A_80, %dma_wait3A_89] : memref<16x128xi32, #tpu.memory_space<vmem>> -> memref<1x128xi32, #tpu.memory_space<vmem>>
        %dma_wait3A_91 = tpu.memref_squeeze %dma_wait3A_90 : memref<1x128xi32, #tpu.memory_space<vmem>> -> memref<128xi32, #tpu.memory_space<vmem>>
        %dma_wait3A_92 = arith.constant 0 : i32
        %dma_wait3A_93 = arith.constant 0 : i32
        %dma_wait3A_94 = tpu.memref_slice %arg2[%dma_wait3A_92, %dma_wait3A_93] : memref<10240x128xf32, #tpu.memory_space<hbm>> -> memref<10240x128xf32, #tpu.memory_space<hbm>>
        tpu.wait_indirect_dma semaphore(%arg11 : memref<!tpu.dma_semaphore, #tpu.memory_space<semaphore_mem>>) src(%dma_wait3A_94 : memref<10240x128xf32, #tpu.memory_space<hbm>>) dst(%arg8 : memref<128x128xf32, #tpu.memory_space<vmem>>)
        "tpu.region"() ({
          %run_scoped3A = tpu.sem_alloc : memref<!tpu.dma_semaphore, #tpu.memory_space<semaphore_mem>>
          %dma_start3A_114 = arith.constant 0 : i32
          %dma_start3A_115 = tpu.memref_slice %arg7[%mul3A_80, %dma_start3A_114] : memref<16x128xi32, #tpu.memory_space<vmem>> -> memref<1x128xi32, #tpu.memory_space<vmem>>
          %dma_start3A_116 = tpu.memref_squeeze %dma_start3A_115 : memref<1x128xi32, #tpu.memory_space<vmem>> -> memref<128xi32, #tpu.memory_space<vmem>>
          %dma_start3A_117 = arith.constant 0 : i32
          %dma_start3A_118 = arith.constant 0 : i32
          %dma_start3A_119 = tpu.memref_slice %arg10[%dma_start3A_117, %dma_start3A_118] : memref<10240x128xf32, #tpu.memory_space<vmem_shared>> -> memref<10240x128xf32, #tpu.memory_space<vmem_shared>>
          tpu.enqueue_indirect_dma source(%arg8 : memref<128x128xf32, #tpu.memory_space<vmem>>) target(%dma_start3A_119 : memref<10240x128xf32, #tpu.memory_space<vmem_shared>>) offsets(%dma_start3A_116 : memref<128xi32, #tpu.memory_space<vmem>>) semaphore(%run_scoped3A : memref<!tpu.dma_semaphore, #tpu.memory_space<semaphore_mem>>) {add = true}
          %dma_wait3A_120 = arith.constant 0 : i32
          %dma_wait3A_121 = tpu.memref_slice %arg7[%mul3A_80, %dma_wait3A_120] : memref<16x128xi32, #tpu.memory_space<vmem>> -> memref<1x128xi32, #tpu.memory_space<vmem>>
          %dma_wait3A_122 = tpu.memref_squeeze %dma_wait3A_121 : memref<1x128xi32, #tpu.memory_space<vmem>> -> memref<128xi32, #tpu.memory_space<vmem>>
          %dma_wait3A_123 = arith.constant 0 : i32
          %dma_wait3A_124 = arith.constant 0 : i32
          %dma_wait3A_125 = tpu.memref_slice %arg10[%dma_wait3A_123, %dma_wait3A_124] : memref<10240x128xf32, #tpu.memory_space<vmem_shared>> -> memref<10240x128xf32, #tpu.memory_space<vmem_shared>>
          tpu.wait_indirect_dma semaphore(%run_scoped3A : memref<!tpu.dma_semaphore, #tpu.memory_space<semaphore_mem>>) src(%arg8 : memref<128x128xf32, #tpu.memory_space<vmem>>) dst(%dma_wait3A_125 : memref<10240x128xf32, #tpu.memory_space<vmem_shared>>)
          tpu.yield
        }) : () -> ()
        %add3A_95 = arith.constant 2 : i32
        %add3A_96 = arith.addi %mul3A_80, %add3A_95 : i32
        %min3A = arith.constant 15 : i32
        %min3A_97 = arith.minsi %add3A_96, %min3A : i32
        %dma_start3A_98 = arith.constant 0 : i32
        %dma_start3A_99 = tpu.memref_slice %arg6[%min3A_97, %dma_start3A_98] : memref<16x128xi32, #tpu.memory_space<vmem>> -> memref<1x128xi32, #tpu.memory_space<vmem>>
        %dma_start3A_100 = tpu.memref_squeeze %dma_start3A_99 : memref<1x128xi32, #tpu.memory_space<vmem>> -> memref<128xi32, #tpu.memory_space<vmem>>
        %dma_start3A_101 = arith.constant 0 : i32
        %dma_start3A_102 = arith.constant 0 : i32
        %dma_start3A_103 = tpu.memref_slice %arg2[%dma_start3A_101, %dma_start3A_102] : memref<10240x128xf32, #tpu.memory_space<hbm>> -> memref<10240x128xf32, #tpu.memory_space<hbm>>
        tpu.enqueue_indirect_dma source(%dma_start3A_103 : memref<10240x128xf32, #tpu.memory_space<hbm>>) target(%arg8 : memref<128x128xf32, #tpu.memory_space<vmem>>) offsets(%dma_start3A_100 : memref<128xi32, #tpu.memory_space<vmem>>) semaphore(%arg11 : memref<!tpu.dma_semaphore, #tpu.memory_space<semaphore_mem>>)
        %add3A_104 = arith.constant 1 : i32
        %add3A_105 = arith.addi %mul3A_80, %add3A_104 : i32
        %dma_wait3A_106 = arith.constant 0 : i32
        %dma_wait3A_107 = tpu.memref_slice %arg6[%add3A_105, %dma_wait3A_106] : memref<16x128xi32, #tpu.memory_space<vmem>> -> memref<1x128xi32, #tpu.memory_space<vmem>>
        %dma_wait3A_108 = tpu.memref_squeeze %dma_wait3A_107 : memref<1x128xi32, #tpu.memory_space<vmem>> -> memref<128xi32, #tpu.memory_space<vmem>>
        %dma_wait3A_109 = arith.constant 0 : i32
        %dma_wait3A_110 = arith.constant 0 : i32
        %dma_wait3A_111 = tpu.memref_slice %arg2[%dma_wait3A_109, %dma_wait3A_110] : memref<10240x128xf32, #tpu.memory_space<hbm>> -> memref<10240x128xf32, #tpu.memory_space<hbm>>
        tpu.wait_indirect_dma semaphore(%arg12 : memref<!tpu.dma_semaphore, #tpu.memory_space<semaphore_mem>>) src(%dma_wait3A_111 : memref<10240x128xf32, #tpu.memory_space<hbm>>) dst(%arg9 : memref<128x128xf32, #tpu.memory_space<vmem>>)
        %add3A_112 = arith.constant 1 : i32
        %add3A_113 = arith.addi %mul3A_80, %add3A_112 : i32
        "tpu.region"() ({
          %run_scoped3A = tpu.sem_alloc : memref<!tpu.dma_semaphore, #tpu.memory_space<semaphore_mem>>
          %dma_start3A_114 = arith.constant 0 : i32
          %dma_start3A_115 = tpu.memref_slice %arg7[%add3A_113, %dma_start3A_114] : memref<16x128xi32, #tpu.memory_space<vmem>> -> memref<1x128xi32, #tpu.memory_space<vmem>>
          %dma_start3A_116 = tpu.memref_squeeze %dma_start3A_115 : memref<1x128xi32, #tpu.memory_space<vmem>> -> memref<128xi32, #tpu.memory_space<vmem>>
          %dma_start3A_117 = arith.constant 0 : i32
          %dma_start3A_118 = arith.constant 0 : i32
          %dma_start3A_119 = tpu.memref_slice %arg10[%dma_start3A_117, %dma_start3A_118] : memref<10240x128xf32, #tpu.memory_space<vmem_shared>> -> memref<10240x128xf32, #tpu.memory_space<vmem_shared>>
          tpu.enqueue_indirect_dma source(%arg9 : memref<128x128xf32, #tpu.memory_space<vmem>>) target(%dma_start3A_119 : memref<10240x128xf32, #tpu.memory_space<vmem_shared>>) offsets(%dma_start3A_116 : memref<128xi32, #tpu.memory_space<vmem>>) semaphore(%run_scoped3A : memref<!tpu.dma_semaphore, #tpu.memory_space<semaphore_mem>>) {add = true}
          %dma_wait3A_120 = arith.constant 0 : i32
          %dma_wait3A_121 = tpu.memref_slice %arg7[%add3A_113, %dma_wait3A_120] : memref<16x128xi32, #tpu.memory_space<vmem>> -> memref<1x128xi32, #tpu.memory_space<vmem>>
          %dma_wait3A_122 = tpu.memref_squeeze %dma_wait3A_121 : memref<1x128xi32, #tpu.memory_space<vmem>> -> memref<128xi32, #tpu.memory_space<vmem>>
          %dma_wait3A_123 = arith.constant 0 : i32
          %dma_wait3A_124 = arith.constant 0 : i32
          %dma_wait3A_125 = tpu.memref_slice %arg10[%dma_wait3A_123, %dma_wait3A_124] : memref<10240x128xf32, #tpu.memory_space<vmem_shared>> -> memref<10240x128xf32, #tpu.memory_space<vmem_shared>>
          tpu.wait_indirect_dma semaphore(%run_scoped3A : memref<!tpu.dma_semaphore, #tpu.memory_space<semaphore_mem>>) src(%arg9 : memref<128x128xf32, #tpu.memory_space<vmem>>) dst(%dma_wait3A_125 : memref<10240x128xf32, #tpu.memory_space<vmem_shared>>)
          tpu.yield
        }) : () -> ()
      }
      %scan3A_71 = arith.constant 8 : i32
      %dma_wait3A = arith.constant 0 : i32
      %dma_wait3A_72 = arith.constant 0 : i32
      %dma_wait3A_73 = tpu.memref_slice %arg6[%dma_wait3A, %dma_wait3A_72] : memref<16x128xi32, #tpu.memory_space<vmem>> -> memref<1x128xi32, #tpu.memory_space<vmem>>
      %dma_wait3A_74 = tpu.memref_squeeze %dma_wait3A_73 : memref<1x128xi32, #tpu.memory_space<vmem>> -> memref<128xi32, #tpu.memory_space<vmem>>
      %dma_wait3A_75 = arith.constant 0 : i32
      %dma_wait3A_76 = arith.constant 0 : i32
      %dma_wait3A_77 = tpu.memref_slice %arg2[%dma_wait3A_75, %dma_wait3A_76] : memref<10240x128xf32, #tpu.memory_space<hbm>> -> memref<10240x128xf32, #tpu.memory_space<hbm>>
      tpu.wait_indirect_dma semaphore(%arg11 : memref<!tpu.dma_semaphore, #tpu.memory_space<semaphore_mem>>) src(%dma_wait3A_77 : memref<10240x128xf32, #tpu.memory_space<hbm>>) dst(%arg8 : memref<128x128xf32, #tpu.memory_space<vmem>>)
    }
    %scan3A_32 = arith.constant 5 : i32
    %barrier3A_33 = arith.constant 0 : index
    tpu.barrier barrier_id(%barrier3A_33)
    %mul3A_34 = arith.constant 640 : i32
    %mul3A_35 = arith.muli %arg1, %mul3A_34 : i32
    %add3A_36 = arith.constant 0 : i32
    %add3A_37 = arith.addi %mul3A_35, %add3A_36 : i32
    "tpu.region"() ({
      %run_scoped3A = tpu.sem_alloc : memref<!tpu.dma_semaphore, #tpu.memory_space<semaphore_mem>>
      %dma_start3A = arith.constant 0 : i32
      %dma_start3A_54 = tpu.memref_slice %arg10[%add3A_37, %dma_start3A] : memref<10240x128xf32, #tpu.memory_space<vmem_shared>> -> memref<128x128xf32, #tpu.memory_space<vmem_shared>>
      %dma_start3A_55 = arith.constant 0 : i32
      %dma_start3A_56 = tpu.memref_slice %arg10[%add3A_37, %dma_start3A_55] : memref<10240x128xf32, #tpu.memory_space<vmem_shared>> -> memref<128x128xf32, #tpu.memory_space<vmem_shared>>
      tpu.enqueue_dma source(%dma_start3A_56 : memref<128x128xf32, #tpu.memory_space<vmem_shared>>) target(%arg8 : memref<128x128xf32, #tpu.memory_space<vmem>>) target_semaphore(%run_scoped3A : memref<!tpu.dma_semaphore, #tpu.memory_space<semaphore_mem>>)
      %dma_wait3A = arith.constant 0 : i32
      %dma_wait3A_57 = tpu.memref_slice %arg10[%add3A_37, %dma_wait3A] : memref<10240x128xf32, #tpu.memory_space<vmem_shared>> -> memref<128x128xf32, #tpu.memory_space<vmem_shared>>
      %dma_wait3A_58 = arith.constant 0 : i32
      %dma_wait3A_59 = tpu.memref_slice %arg10[%add3A_37, %dma_wait3A_58] : memref<10240x128xf32, #tpu.memory_space<vmem_shared>> -> memref<128x128xf32, #tpu.memory_space<vmem_shared>>
      tpu.wait_dma2 semaphore(%run_scoped3A : memref<!tpu.dma_semaphore, #tpu.memory_space<semaphore_mem>>) src(%dma_wait3A_59 : memref<128x128xf32, #tpu.memory_space<vmem_shared>>) dst(%arg8 : memref<128x128xf32, #tpu.memory_space<vmem>>)
      tpu.yield
    }) : () -> ()
    "tpu.region"() ({
      %run_scoped3A = tpu.sem_alloc : memref<!tpu.dma_semaphore, #tpu.memory_space<semaphore_mem>>
      %dma_start3A = arith.constant 0 : i32
      %dma_start3A_54 = tpu.memref_slice %arg5[%arg0, %add3A_37, %dma_start3A] : memref<2x10240x128xf32, #tpu.memory_space<hbm>> -> memref<1x128x128xf32, #tpu.memory_space<hbm>>
      %dma_start3A_55 = tpu.memref_squeeze %dma_start3A_54 : memref<1x128x128xf32, #tpu.memory_space<hbm>> -> memref<128x128xf32, #tpu.memory_space<hbm>>
      %dma_start3A_56 = arith.constant 0 : i32
      %dma_start3A_57 = tpu.memref_slice %arg5[%arg0, %add3A_37, %dma_start3A_56] : memref<2x10240x128xf32, #tpu.memory_space<hbm>> -> memref<1x128x128xf32, #tpu.memory_space<hbm>>
      %dma_start3A_58 = tpu.memref_squeeze %dma_start3A_57 : memref<1x128x128xf32, #tpu.memory_space<hbm>> -> memref<128x128xf32, #tpu.memory_space<hbm>>
      tpu.enqueue_dma source(%arg8 : memref<128x128xf32, #tpu.memory_space<vmem>>) target(%dma_start3A_58 : memref<128x128xf32, #tpu.memory_space<hbm>>) target_semaphore(%run_scoped3A : memref<!tpu.dma_semaphore, #tpu.memory_space<semaphore_mem>>)
      %dma_wait3A = arith.constant 0 : i32
      %dma_wait3A_59 = tpu.memref_slice %arg5[%arg0, %add3A_37, %dma_wait3A] : memref<2x10240x128xf32, #tpu.memory_space<hbm>> -> memref<1x128x128xf32, #tpu.memory_space<hbm>>
      %dma_wait3A_60 = tpu.memref_squeeze %dma_wait3A_59 : memref<1x128x128xf32, #tpu.memory_space<hbm>> -> memref<128x128xf32, #tpu.memory_space<hbm>>
      %dma_wait3A_61 = arith.constant 0 : i32
      %dma_wait3A_62 = tpu.memref_slice %arg5[%arg0, %add3A_37, %dma_wait3A_61] : memref<2x10240x128xf32, #tpu.memory_space<hbm>> -> memref<1x128x128xf32, #tpu.memory_space<hbm>>
      %dma_wait3A_63 = tpu.memref_squeeze %dma_wait3A_62 : memref<1x128x128xf32, #tpu.memory_space<hbm>> -> memref<128x128xf32, #tpu.memory_space<hbm>>
      tpu.wait_dma2 semaphore(%run_scoped3A : memref<!tpu.dma_semaphore, #tpu.memory_space<semaphore_mem>>) src(%arg8 : memref<128x128xf32, #tpu.memory_space<vmem>>) dst(%dma_wait3A_63 : memref<128x128xf32, #tpu.memory_space<hbm>>)
      tpu.yield
    }) : () -> ()
    %mul3A_38 = arith.constant 640 : i32
    %mul3A_39 = arith.muli %arg1, %mul3A_38 : i32
    %add3A_40 = arith.constant 128 : i32
    %add3A_41 = arith.addi %mul3A_39, %add3A_40 : i32
    "tpu.region"() ({
      %run_scoped3A = tpu.sem_alloc : memref<!tpu.dma_semaphore, #tpu.memory_space<semaphore_mem>>
      %dma_start3A = arith.constant 0 : i32
      %dma_start3A_54 = tpu.memref_slice %arg10[%add3A_41, %dma_start3A] : memref<10240x128xf32, #tpu.memory_space<vmem_shared>> -> memref<128x128xf32, #tpu.memory_space<vmem_shared>>
      %dma_start3A_55 = arith.constant 0 : i32
      %dma_start3A_56 = tpu.memref_slice %arg10[%add3A_41, %dma_start3A_55] : memref<10240x128xf32, #tpu.memory_space<vmem_shared>> -> memref<128x128xf32, #tpu.memory_space<vmem_shared>>
      tpu.enqueue_dma source(%dma_start3A_56 : memref<128x128xf32, #tpu.memory_space<vmem_shared>>) target(%arg8 : memref<128x128xf32, #tpu.memory_space<vmem>>) target_semaphore(%run_scoped3A : memref<!tpu.dma_semaphore, #tpu.memory_space<semaphore_mem>>)
      %dma_wait3A = arith.constant 0 : i32
      %dma_wait3A_57 = tpu.memref_slice %arg10[%add3A_41, %dma_wait3A] : memref<10240x128xf32, #tpu.memory_space<vmem_shared>> -> memref<128x128xf32, #tpu.memory_space<vmem_shared>>
      %dma_wait3A_58 = arith.constant 0 : i32
      %dma_wait3A_59 = tpu.memref_slice %arg10[%add3A_41, %dma_wait3A_58] : memref<10240x128xf32, #tpu.memory_space<vmem_shared>> -> memref<128x128xf32, #tpu.memory_space<vmem_shared>>
      tpu.wait_dma2 semaphore(%run_scoped3A : memref<!tpu.dma_semaphore, #tpu.memory_space<semaphore_mem>>) src(%dma_wait3A_59 : memref<128x128xf32, #tpu.memory_space<vmem_shared>>) dst(%arg8 : memref<128x128xf32, #tpu.memory_space<vmem>>)
      tpu.yield
    }) : () -> ()
    "tpu.region"() ({
      %run_scoped3A = tpu.sem_alloc : memref<!tpu.dma_semaphore, #tpu.memory_space<semaphore_mem>>
      %dma_start3A = arith.constant 0 : i32
      %dma_start3A_54 = tpu.memref_slice %arg5[%arg0, %add3A_41, %dma_start3A] : memref<2x10240x128xf32, #tpu.memory_space<hbm>> -> memref<1x128x128xf32, #tpu.memory_space<hbm>>
      %dma_start3A_55 = tpu.memref_squeeze %dma_start3A_54 : memref<1x128x128xf32, #tpu.memory_space<hbm>> -> memref<128x128xf32, #tpu.memory_space<hbm>>
      %dma_start3A_56 = arith.constant 0 : i32
      %dma_start3A_57 = tpu.memref_slice %arg5[%arg0, %add3A_41, %dma_start3A_56] : memref<2x10240x128xf32, #tpu.memory_space<hbm>> -> memref<1x128x128xf32, #tpu.memory_space<hbm>>
      %dma_start3A_58 = tpu.memref_squeeze %dma_start3A_57 : memref<1x128x128xf32, #tpu.memory_space<hbm>> -> memref<128x128xf32, #tpu.memory_space<hbm>>
      tpu.enqueue_dma source(%arg8 : memref<128x128xf32, #tpu.memory_space<vmem>>) target(%dma_start3A_58 : memref<128x128xf32, #tpu.memory_space<hbm>>) target_semaphore(%run_scoped3A : memref<!tpu.dma_semaphore, #tpu.memory_space<semaphore_mem>>)
      %dma_wait3A = arith.constant 0 : i32
      %dma_wait3A_59 = tpu.memref_slice %arg5[%arg0, %add3A_41, %dma_wait3A] : memref<2x10240x128xf32, #tpu.memory_space<hbm>> -> memref<1x128x128xf32, #tpu.memory_space<hbm>>
      %dma_wait3A_60 = tpu.memref_squeeze %dma_wait3A_59 : memref<1x128x128xf32, #tpu.memory_space<hbm>> -> memref<128x128xf32, #tpu.memory_space<hbm>>
      %dma_wait3A_61 = arith.constant 0 : i32
      %dma_wait3A_62 = tpu.memref_slice %arg5[%arg0, %add3A_41, %dma_wait3A_61] : memref<2x10240x128xf32, #tpu.memory_space<hbm>> -> memref<1x128x128xf32, #tpu.memory_space<hbm>>
      %dma_wait3A_63 = tpu.memref_squeeze %dma_wait3A_62 : memref<1x128x128xf32, #tpu.memory_space<hbm>> -> memref<128x128xf32, #tpu.memory_space<hbm>>
      tpu.wait_dma2 semaphore(%run_scoped3A : memref<!tpu.dma_semaphore, #tpu.memory_space<semaphore_mem>>) src(%arg8 : memref<128x128xf32, #tpu.memory_space<vmem>>) dst(%dma_wait3A_63 : memref<128x128xf32, #tpu.memory_space<hbm>>)
      tpu.yield
    }) : () -> ()
    %mul3A_42 = arith.constant 640 : i32
    %mul3A_43 = arith.muli %arg1, %mul3A_42 : i32
    %add3A_44 = arith.constant 256 : i32
    %add3A_45 = arith.addi %mul3A_43, %add3A_44 : i32
    "tpu.region"() ({
      %run_scoped3A = tpu.sem_alloc : memref<!tpu.dma_semaphore, #tpu.memory_space<semaphore_mem>>
      %dma_start3A = arith.constant 0 : i32
      %dma_start3A_54 = tpu.memref_slice %arg10[%add3A_45, %dma_start3A] : memref<10240x128xf32, #tpu.memory_space<vmem_shared>> -> memref<128x128xf32, #tpu.memory_space<vmem_shared>>
      %dma_start3A_55 = arith.constant 0 : i32
      %dma_start3A_56 = tpu.memref_slice %arg10[%add3A_45, %dma_start3A_55] : memref<10240x128xf32, #tpu.memory_space<vmem_shared>> -> memref<128x128xf32, #tpu.memory_space<vmem_shared>>
      tpu.enqueue_dma source(%dma_start3A_56 : memref<128x128xf32, #tpu.memory_space<vmem_shared>>) target(%arg8 : memref<128x128xf32, #tpu.memory_space<vmem>>) target_semaphore(%run_scoped3A : memref<!tpu.dma_semaphore, #tpu.memory_space<semaphore_mem>>)
      %dma_wait3A = arith.constant 0 : i32
      %dma_wait3A_57 = tpu.memref_slice %arg10[%add3A_45, %dma_wait3A] : memref<10240x128xf32, #tpu.memory_space<vmem_shared>> -> memref<128x128xf32, #tpu.memory_space<vmem_shared>>
      %dma_wait3A_58 = arith.constant 0 : i32
      %dma_wait3A_59 = tpu.memref_slice %arg10[%add3A_45, %dma_wait3A_58] : memref<10240x128xf32, #tpu.memory_space<vmem_shared>> -> memref<128x128xf32, #tpu.memory_space<vmem_shared>>
      tpu.wait_dma2 semaphore(%run_scoped3A : memref<!tpu.dma_semaphore, #tpu.memory_space<semaphore_mem>>) src(%dma_wait3A_59 : memref<128x128xf32, #tpu.memory_space<vmem_shared>>) dst(%arg8 : memref<128x128xf32, #tpu.memory_space<vmem>>)
      tpu.yield
    }) : () -> ()
    "tpu.region"() ({
      %run_scoped3A = tpu.sem_alloc : memref<!tpu.dma_semaphore, #tpu.memory_space<semaphore_mem>>
      %dma_start3A = arith.constant 0 : i32
      %dma_start3A_54 = tpu.memref_slice %arg5[%arg0, %add3A_45, %dma_start3A] : memref<2x10240x128xf32, #tpu.memory_space<hbm>> -> memref<1x128x128xf32, #tpu.memory_space<hbm>>
      %dma_start3A_55 = tpu.memref_squeeze %dma_start3A_54 : memref<1x128x128xf32, #tpu.memory_space<hbm>> -> memref<128x128xf32, #tpu.memory_space<hbm>>
      %dma_start3A_56 = arith.constant 0 : i32
      %dma_start3A_57 = tpu.memref_slice %arg5[%arg0, %add3A_45, %dma_start3A_56] : memref<2x10240x128xf32, #tpu.memory_space<hbm>> -> memref<1x128x128xf32, #tpu.memory_space<hbm>>
      %dma_start3A_58 = tpu.memref_squeeze %dma_start3A_57 : memref<1x128x128xf32, #tpu.memory_space<hbm>> -> memref<128x128xf32, #tpu.memory_space<hbm>>
      tpu.enqueue_dma source(%arg8 : memref<128x128xf32, #tpu.memory_space<vmem>>) target(%dma_start3A_58 : memref<128x128xf32, #tpu.memory_space<hbm>>) target_semaphore(%run_scoped3A : memref<!tpu.dma_semaphore, #tpu.memory_space<semaphore_mem>>)
      %dma_wait3A = arith.constant 0 : i32
      %dma_wait3A_59 = tpu.memref_slice %arg5[%arg0, %add3A_45, %dma_wait3A] : memref<2x10240x128xf32, #tpu.memory_space<hbm>> -> memref<1x128x128xf32, #tpu.memory_space<hbm>>
      %dma_wait3A_60 = tpu.memref_squeeze %dma_wait3A_59 : memref<1x128x128xf32, #tpu.memory_space<hbm>> -> memref<128x128xf32, #tpu.memory_space<hbm>>
      %dma_wait3A_61 = arith.constant 0 : i32
      %dma_wait3A_62 = tpu.memref_slice %arg5[%arg0, %add3A_45, %dma_wait3A_61] : memref<2x10240x128xf32, #tpu.memory_space<hbm>> -> memref<1x128x128xf32, #tpu.memory_space<hbm>>
      %dma_wait3A_63 = tpu.memref_squeeze %dma_wait3A_62 : memref<1x128x128xf32, #tpu.memory_space<hbm>> -> memref<128x128xf32, #tpu.memory_space<hbm>>
      tpu.wait_dma2 semaphore(%run_scoped3A : memref<!tpu.dma_semaphore, #tpu.memory_space<semaphore_mem>>) src(%arg8 : memref<128x128xf32, #tpu.memory_space<vmem>>) dst(%dma_wait3A_63 : memref<128x128xf32, #tpu.memory_space<hbm>>)
      tpu.yield
    }) : () -> ()
    %mul3A_46 = arith.constant 640 : i32
    %mul3A_47 = arith.muli %arg1, %mul3A_46 : i32
    %add3A_48 = arith.constant 384 : i32
    %add3A_49 = arith.addi %mul3A_47, %add3A_48 : i32
    "tpu.region"() ({
      %run_scoped3A = tpu.sem_alloc : memref<!tpu.dma_semaphore, #tpu.memory_space<semaphore_mem>>
      %dma_start3A = arith.constant 0 : i32
      %dma_start3A_54 = tpu.memref_slice %arg10[%add3A_49, %dma_start3A] : memref<10240x128xf32, #tpu.memory_space<vmem_shared>> -> memref<128x128xf32, #tpu.memory_space<vmem_shared>>
      %dma_start3A_55 = arith.constant 0 : i32
      %dma_start3A_56 = tpu.memref_slice %arg10[%add3A_49, %dma_start3A_55] : memref<10240x128xf32, #tpu.memory_space<vmem_shared>> -> memref<128x128xf32, #tpu.memory_space<vmem_shared>>
      tpu.enqueue_dma source(%dma_start3A_56 : memref<128x128xf32, #tpu.memory_space<vmem_shared>>) target(%arg8 : memref<128x128xf32, #tpu.memory_space<vmem>>) target_semaphore(%run_scoped3A : memref<!tpu.dma_semaphore, #tpu.memory_space<semaphore_mem>>)
      %dma_wait3A = arith.constant 0 : i32
      %dma_wait3A_57 = tpu.memref_slice %arg10[%add3A_49, %dma_wait3A] : memref<10240x128xf32, #tpu.memory_space<vmem_shared>> -> memref<128x128xf32, #tpu.memory_space<vmem_shared>>
      %dma_wait3A_58 = arith.constant 0 : i32
      %dma_wait3A_59 = tpu.memref_slice %arg10[%add3A_49, %dma_wait3A_58] : memref<10240x128xf32, #tpu.memory_space<vmem_shared>> -> memref<128x128xf32, #tpu.memory_space<vmem_shared>>
      tpu.wait_dma2 semaphore(%run_scoped3A : memref<!tpu.dma_semaphore, #tpu.memory_space<semaphore_mem>>) src(%dma_wait3A_59 : memref<128x128xf32, #tpu.memory_space<vmem_shared>>) dst(%arg8 : memref<128x128xf32, #tpu.memory_space<vmem>>)
      tpu.yield
    }) : () -> ()
    "tpu.region"() ({
      %run_scoped3A = tpu.sem_alloc : memref<!tpu.dma_semaphore, #tpu.memory_space<semaphore_mem>>
      %dma_start3A = arith.constant 0 : i32
      %dma_start3A_54 = tpu.memref_slice %arg5[%arg0, %add3A_49, %dma_start3A] : memref<2x10240x128xf32, #tpu.memory_space<hbm>> -> memref<1x128x128xf32, #tpu.memory_space<hbm>>
      %dma_start3A_55 = tpu.memref_squeeze %dma_start3A_54 : memref<1x128x128xf32, #tpu.memory_space<hbm>> -> memref<128x128xf32, #tpu.memory_space<hbm>>
      %dma_start3A_56 = arith.constant 0 : i32
      %dma_start3A_57 = tpu.memref_slice %arg5[%arg0, %add3A_49, %dma_start3A_56] : memref<2x10240x128xf32, #tpu.memory_space<hbm>> -> memref<1x128x128xf32, #tpu.memory_space<hbm>>
      %dma_start3A_58 = tpu.memref_squeeze %dma_start3A_57 : memref<1x128x128xf32, #tpu.memory_space<hbm>> -> memref<128x128xf32, #tpu.memory_space<hbm>>
      tpu.enqueue_dma source(%arg8 : memref<128x128xf32, #tpu.memory_space<vmem>>) target(%dma_start3A_58 : memref<128x128xf32, #tpu.memory_space<hbm>>) target_semaphore(%run_scoped3A : memref<!tpu.dma_semaphore, #tpu.memory_space<semaphore_mem>>)
      %dma_wait3A = arith.constant 0 : i32
      %dma_wait3A_59 = tpu.memref_slice %arg5[%arg0, %add3A_49, %dma_wait3A] : memref<2x10240x128xf32, #tpu.memory_space<hbm>> -> memref<1x128x128xf32, #tpu.memory_space<hbm>>
      %dma_wait3A_60 = tpu.memref_squeeze %dma_wait3A_59 : memref<1x128x128xf32, #tpu.memory_space<hbm>> -> memref<128x128xf32, #tpu.memory_space<hbm>>
      %dma_wait3A_61 = arith.constant 0 : i32
      %dma_wait3A_62 = tpu.memref_slice %arg5[%arg0, %add3A_49, %dma_wait3A_61] : memref<2x10240x128xf32, #tpu.memory_space<hbm>> -> memref<1x128x128xf32, #tpu.memory_space<hbm>>
      %dma_wait3A_63 = tpu.memref_squeeze %dma_wait3A_62 : memref<1x128x128xf32, #tpu.memory_space<hbm>> -> memref<128x128xf32, #tpu.memory_space<hbm>>
      tpu.wait_dma2 semaphore(%run_scoped3A : memref<!tpu.dma_semaphore, #tpu.memory_space<semaphore_mem>>) src(%arg8 : memref<128x128xf32, #tpu.memory_space<vmem>>) dst(%dma_wait3A_63 : memref<128x128xf32, #tpu.memory_space<hbm>>)
      tpu.yield
    }) : () -> ()
    %mul3A_50 = arith.constant 640 : i32
    %mul3A_51 = arith.muli %arg1, %mul3A_50 : i32
    %add3A_52 = arith.constant 512 : i32
    %add3A_53 = arith.addi %mul3A_51, %add3A_52 : i32
    "tpu.region"() ({
      %run_scoped3A = tpu.sem_alloc : memref<!tpu.dma_semaphore, #tpu.memory_space<semaphore_mem>>
      %dma_start3A = arith.constant 0 : i32
      %dma_start3A_54 = tpu.memref_slice %arg10[%add3A_53, %dma_start3A] : memref<10240x128xf32, #tpu.memory_space<vmem_shared>> -> memref<128x128xf32, #tpu.memory_space<vmem_shared>>
      %dma_start3A_55 = arith.constant 0 : i32
      %dma_start3A_56 = tpu.memref_slice %arg10[%add3A_53, %dma_start3A_55] : memref<10240x128xf32, #tpu.memory_space<vmem_shared>> -> memref<128x128xf32, #tpu.memory_space<vmem_shared>>
      tpu.enqueue_dma source(%dma_start3A_56 : memref<128x128xf32, #tpu.memory_space<vmem_shared>>) target(%arg8 : memref<128x128xf32, #tpu.memory_space<vmem>>) target_semaphore(%run_scoped3A : memref<!tpu.dma_semaphore, #tpu.memory_space<semaphore_mem>>)
      %dma_wait3A = arith.constant 0 : i32
      %dma_wait3A_57 = tpu.memref_slice %arg10[%add3A_53, %dma_wait3A] : memref<10240x128xf32, #tpu.memory_space<vmem_shared>> -> memref<128x128xf32, #tpu.memory_space<vmem_shared>>
      %dma_wait3A_58 = arith.constant 0 : i32
      %dma_wait3A_59 = tpu.memref_slice %arg10[%add3A_53, %dma_wait3A_58] : memref<10240x128xf32, #tpu.memory_space<vmem_shared>> -> memref<128x128xf32, #tpu.memory_space<vmem_shared>>
      tpu.wait_dma2 semaphore(%run_scoped3A : memref<!tpu.dma_semaphore, #tpu.memory_space<semaphore_mem>>) src(%dma_wait3A_59 : memref<128x128xf32, #tpu.memory_space<vmem_shared>>) dst(%arg8 : memref<128x128xf32, #tpu.memory_space<vmem>>)
      tpu.yield
    }) : () -> ()
    "tpu.region"() ({
      %run_scoped3A = tpu.sem_alloc : memref<!tpu.dma_semaphore, #tpu.memory_space<semaphore_mem>>
      %dma_start3A = arith.constant 0 : i32
      %dma_start3A_54 = tpu.memref_slice %arg5[%arg0, %add3A_53, %dma_start3A] : memref<2x10240x128xf32, #tpu.memory_space<hbm>> -> memref<1x128x128xf32, #tpu.memory_space<hbm>>
      %dma_start3A_55 = tpu.memref_squeeze %dma_start3A_54 : memref<1x128x128xf32, #tpu.memory_space<hbm>> -> memref<128x128xf32, #tpu.memory_space<hbm>>
      %dma_start3A_56 = arith.constant 0 : i32
      %dma_start3A_57 = tpu.memref_slice %arg5[%arg0, %add3A_53, %dma_start3A_56] : memref<2x10240x128xf32, #tpu.memory_space<hbm>> -> memref<1x128x128xf32, #tpu.memory_space<hbm>>
      %dma_start3A_58 = tpu.memref_squeeze %dma_start3A_57 : memref<1x128x128xf32, #tpu.memory_space<hbm>> -> memref<128x128xf32, #tpu.memory_space<hbm>>
      tpu.enqueue_dma source(%arg8 : memref<128x128xf32, #tpu.memory_space<vmem>>) target(%dma_start3A_58 : memref<128x128xf32, #tpu.memory_space<hbm>>) target_semaphore(%run_scoped3A : memref<!tpu.dma_semaphore, #tpu.memory_space<semaphore_mem>>)
      %dma_wait3A = arith.constant 0 : i32
      %dma_wait3A_59 = tpu.memref_slice %arg5[%arg0, %add3A_53, %dma_wait3A] : memref<2x10240x128xf32, #tpu.memory_space<hbm>> -> memref<1x128x128xf32, #tpu.memory_space<hbm>>
      %dma_wait3A_60 = tpu.memref_squeeze %dma_wait3A_59 : memref<1x128x128xf32, #tpu.memory_space<hbm>> -> memref<128x128xf32, #tpu.memory_space<hbm>>
      %dma_wait3A_61 = arith.constant 0 : i32
      %dma_wait3A_62 = tpu.memref_slice %arg5[%arg0, %add3A_53, %dma_wait3A_61] : memref<2x10240x128xf32, #tpu.memory_space<hbm>> -> memref<1x128x128xf32, #tpu.memory_space<hbm>>
      %dma_wait3A_63 = tpu.memref_squeeze %dma_wait3A_62 : memref<1x128x128xf32, #tpu.memory_space<hbm>> -> memref<128x128xf32, #tpu.memory_space<hbm>>
      tpu.wait_dma2 semaphore(%run_scoped3A : memref<!tpu.dma_semaphore, #tpu.memory_space<semaphore_mem>>) src(%arg8 : memref<128x128xf32, #tpu.memory_space<vmem>>) dst(%dma_wait3A_63 : memref<128x128xf32, #tpu.memory_space<hbm>>)
      tpu.yield
    }) : () -> ()
    return
  }
}

#map = affine_map<(d0, d1) -> (0, 0)>
#map1 = affine_map<(d0, d1) -> (0)>
module attributes {stable_mosaic.version = 14 : i64} {
  func.func @_deg_kernel_body(%arg0: i32, %arg1: i32, %arg2: memref<2560x128xi32, #tpu.memory_space<hbm>>, %arg3: memref<20480xf32, #tpu.memory_space<hbm>>, %arg4: memref<80x128xi32, #tpu.memory_space<vmem>>, %arg5: memref<128xf32, #tpu.memory_space<vmem>>, %arg6: memref<640xf32, #tpu.memory_space<vmem>>, %arg7: memref<10240xf32, #tpu.memory_space<vmem_shared>>, %arg8: memref<!tpu.dma_semaphore, #tpu.memory_space<semaphore_mem>>) attributes {dimension_semantics = [#tpu.dimension_semantics<core_parallel>, #tpu.dimension_semantics<subcore_parallel>], iteration_bounds = array<i64: 2, 16>, scalar_prefetch = 0 : i64, scratch_operands = 5 : i64, tpu.core_type = #tpu.core_type<sc_vector_subcore>, window_params = [{transform_indices = #map}, {transform_indices = #map1}]} {
    %mul3A = arith.constant 16 : i32
    %mul3A_0 = arith.muli %arg0, %mul3A : i32
    %add3A = arith.addi %mul3A_0, %arg1 : i32
    %mul3A_1 = arith.constant 80 : i32
    %mul3A_2 = arith.muli %add3A, %mul3A_1 : i32
    "tpu.region"() ({
      %run_scoped3A = tpu.sem_alloc : memref<!tpu.dma_semaphore, #tpu.memory_space<semaphore_mem>>
      %dma_start3A = arith.constant 0 : i32
      %dma_start3A_58 = tpu.memref_slice %arg2[%mul3A_2, %dma_start3A] : memref<2560x128xi32, #tpu.memory_space<hbm>> -> memref<80x128xi32, #tpu.memory_space<hbm>>
      %dma_start3A_59 = arith.constant 0 : i32
      %dma_start3A_60 = tpu.memref_slice %arg2[%mul3A_2, %dma_start3A_59] : memref<2560x128xi32, #tpu.memory_space<hbm>> -> memref<80x128xi32, #tpu.memory_space<hbm>>
      tpu.enqueue_dma source(%dma_start3A_60 : memref<80x128xi32, #tpu.memory_space<hbm>>) target(%arg4 : memref<80x128xi32, #tpu.memory_space<vmem>>) target_semaphore(%run_scoped3A : memref<!tpu.dma_semaphore, #tpu.memory_space<semaphore_mem>>)
      %dma_wait3A = arith.constant 0 : i32
      %dma_wait3A_61 = tpu.memref_slice %arg2[%mul3A_2, %dma_wait3A] : memref<2560x128xi32, #tpu.memory_space<hbm>> -> memref<80x128xi32, #tpu.memory_space<hbm>>
      %dma_wait3A_62 = arith.constant 0 : i32
      %dma_wait3A_63 = tpu.memref_slice %arg2[%mul3A_2, %dma_wait3A_62] : memref<2560x128xi32, #tpu.memory_space<hbm>> -> memref<80x128xi32, #tpu.memory_space<hbm>>
      tpu.wait_dma2 semaphore(%run_scoped3A : memref<!tpu.dma_semaphore, #tpu.memory_space<semaphore_mem>>) src(%dma_wait3A_63 : memref<80x128xi32, #tpu.memory_space<hbm>>) dst(%arg4 : memref<80x128xi32, #tpu.memory_space<vmem>>)
      tpu.yield
    }) : () -> ()
    %broadcast_in_dim3A = arith.constant 1.000000e+00 : f32
    %broadcast_in_dim3A_3 = vector.broadcast %broadcast_in_dim3A : f32 to vector<16xf32>
    %broadcast_in_dim3A_4 = arith.constant 0.000000e+00 : f32
    %broadcast_in_dim3A_5 = vector.broadcast %broadcast_in_dim3A_4 : f32 to vector<16xf32>
    %swap3A = arith.constant 0 : index
    %swap3A_6 = tpu.vector_load %arg5[%swap3A] {strides = array<i32>} : memref<128xf32, #tpu.memory_space<vmem>>, vector<16xf32>,
    %swap3A_7 = vector.shape_cast %swap3A_6 : vector<16xf32> to vector<16xf32>
    %swap3A_8 = vector.shape_cast %broadcast_in_dim3A_3 : vector<16xf32> to vector<16xf32>
    tpu.vector_store %arg5[%swap3A], %swap3A_8 {strides = array<i32>} : memref<128xf32, #tpu.memory_space<vmem>>, vector<16xf32>,
    %swap3A_9 = arith.constant 16 : index
    %swap3A_10 = tpu.vector_load %arg5[%swap3A_9] {strides = array<i32>} : memref<128xf32, #tpu.memory_space<vmem>>, vector<16xf32>,
    %swap3A_11 = vector.shape_cast %swap3A_10 : vector<16xf32> to vector<16xf32>
    %swap3A_12 = vector.shape_cast %broadcast_in_dim3A_3 : vector<16xf32> to vector<16xf32>
    tpu.vector_store %arg5[%swap3A_9], %swap3A_12 {strides = array<i32>} : memref<128xf32, #tpu.memory_space<vmem>>, vector<16xf32>,
    %swap3A_13 = arith.constant 32 : index
    %swap3A_14 = tpu.vector_load %arg5[%swap3A_13] {strides = array<i32>} : memref<128xf32, #tpu.memory_space<vmem>>, vector<16xf32>,
    %swap3A_15 = vector.shape_cast %swap3A_14 : vector<16xf32> to vector<16xf32>
    %swap3A_16 = vector.shape_cast %broadcast_in_dim3A_3 : vector<16xf32> to vector<16xf32>
    tpu.vector_store %arg5[%swap3A_13], %swap3A_16 {strides = array<i32>} : memref<128xf32, #tpu.memory_space<vmem>>, vector<16xf32>,
    %swap3A_17 = arith.constant 48 : index
    %swap3A_18 = tpu.vector_load %arg5[%swap3A_17] {strides = array<i32>} : memref<128xf32, #tpu.memory_space<vmem>>, vector<16xf32>,
    %swap3A_19 = vector.shape_cast %swap3A_18 : vector<16xf32> to vector<16xf32>
    %swap3A_20 = vector.shape_cast %broadcast_in_dim3A_3 : vector<16xf32> to vector<16xf32>
    tpu.vector_store %arg5[%swap3A_17], %swap3A_20 {strides = array<i32>} : memref<128xf32, #tpu.memory_space<vmem>>, vector<16xf32>,
    %swap3A_21 = arith.constant 64 : index
    %swap3A_22 = tpu.vector_load %arg5[%swap3A_21] {strides = array<i32>} : memref<128xf32, #tpu.memory_space<vmem>>, vector<16xf32>,
    %swap3A_23 = vector.shape_cast %swap3A_22 : vector<16xf32> to vector<16xf32>
    %swap3A_24 = vector.shape_cast %broadcast_in_dim3A_3 : vector<16xf32> to vector<16xf32>
    tpu.vector_store %arg5[%swap3A_21], %swap3A_24 {strides = array<i32>} : memref<128xf32, #tpu.memory_space<vmem>>, vector<16xf32>,
    %swap3A_25 = arith.constant 80 : index
    %swap3A_26 = tpu.vector_load %arg5[%swap3A_25] {strides = array<i32>} : memref<128xf32, #tpu.memory_space<vmem>>, vector<16xf32>,
    %swap3A_27 = vector.shape_cast %swap3A_26 : vector<16xf32> to vector<16xf32>
    %swap3A_28 = vector.shape_cast %broadcast_in_dim3A_3 : vector<16xf32> to vector<16xf32>
    tpu.vector_store %arg5[%swap3A_25], %swap3A_28 {strides = array<i32>} : memref<128xf32, #tpu.memory_space<vmem>>, vector<16xf32>,
    %swap3A_29 = arith.constant 96 : index
    %swap3A_30 = tpu.vector_load %arg5[%swap3A_29] {strides = array<i32>} : memref<128xf32, #tpu.memory_space<vmem>>, vector<16xf32>,
    %swap3A_31 = vector.shape_cast %swap3A_30 : vector<16xf32> to vector<16xf32>
    %swap3A_32 = vector.shape_cast %broadcast_in_dim3A_3 : vector<16xf32> to vector<16xf32>
    tpu.vector_store %arg5[%swap3A_29], %swap3A_32 {strides = array<i32>} : memref<128xf32, #tpu.memory_space<vmem>>, vector<16xf32>,
    %swap3A_33 = arith.constant 112 : index
    %swap3A_34 = tpu.vector_load %arg5[%swap3A_33] {strides = array<i32>} : memref<128xf32, #tpu.memory_space<vmem>>, vector<16xf32>,
    %swap3A_35 = vector.shape_cast %swap3A_34 : vector<16xf32> to vector<16xf32>
    %swap3A_36 = vector.shape_cast %broadcast_in_dim3A_3 : vector<16xf32> to vector<16xf32>
    tpu.vector_store %arg5[%swap3A_33], %swap3A_36 {strides = array<i32>} : memref<128xf32, #tpu.memory_space<vmem>>, vector<16xf32>,
    %scan3A = arith.constant 0 : i32
    %scan3A_37 = arith.constant 0 : i32
    %scan3A_38 = arith.constant 40 : i32
    %scan3A_39 = arith.addi %scan3A_37, %scan3A_38 : i32
    %scan3A_40 = arith.constant 1 : i32
    scf.for %scan3A_58 = %scan3A_37 to %scan3A_39 step %scan3A_40  : i32 {
      %mul3A_59 = arith.constant 16 : i32
      %mul3A_60 = arith.muli %scan3A_58, %mul3A_59 : i32
      %swap3A_61 = arith.index_cast %mul3A_60 : i32 to index
      %swap3A_62 = tpu.vector_load %arg6[%swap3A_61] {strides = array<i32>} : memref<640xf32, #tpu.memory_space<vmem>>, vector<16xf32>,
      %swap3A_63 = vector.shape_cast %swap3A_62 : vector<16xf32> to vector<16xf32>
      %swap3A_64 = vector.shape_cast %broadcast_in_dim3A_5 : vector<16xf32> to vector<16xf32>
      tpu.vector_store %arg6[%swap3A_61], %swap3A_64 {strides = array<i32>} : memref<640xf32, #tpu.memory_space<vmem>>, vector<16xf32>,
    }
    %scan3A_41 = arith.constant 40 : i32
    %mul3A_42 = arith.constant 640 : i32
    %mul3A_43 = arith.muli %arg1, %mul3A_42 : i32
    "tpu.region"() ({
      %run_scoped3A = tpu.sem_alloc : memref<!tpu.dma_semaphore, #tpu.memory_space<semaphore_mem>>
      %dma_start3A = tpu.memref_slice %arg7[%mul3A_43] : memref<10240xf32, #tpu.memory_space<vmem_shared>> -> memref<640xf32, #tpu.memory_space<vmem_shared>>
      %dma_start3A_58 = tpu.memref_slice %arg7[%mul3A_43] : memref<10240xf32, #tpu.memory_space<vmem_shared>> -> memref<640xf32, #tpu.memory_space<vmem_shared>>
      tpu.enqueue_dma source(%arg6 : memref<640xf32, #tpu.memory_space<vmem>>) target(%dma_start3A_58 : memref<640xf32, #tpu.memory_space<vmem_shared>>) target_semaphore(%run_scoped3A : memref<!tpu.dma_semaphore, #tpu.memory_space<semaphore_mem>>)
      %dma_wait3A = tpu.memref_slice %arg7[%mul3A_43] : memref<10240xf32, #tpu.memory_space<vmem_shared>> -> memref<640xf32, #tpu.memory_space<vmem_shared>>
      %dma_wait3A_59 = tpu.memref_slice %arg7[%mul3A_43] : memref<10240xf32, #tpu.memory_space<vmem_shared>> -> memref<640xf32, #tpu.memory_space<vmem_shared>>
      tpu.wait_dma2 semaphore(%run_scoped3A : memref<!tpu.dma_semaphore, #tpu.memory_space<semaphore_mem>>) src(%arg6 : memref<640xf32, #tpu.memory_space<vmem>>) dst(%dma_wait3A_59 : memref<640xf32, #tpu.memory_space<vmem_shared>>)
      tpu.yield
    }) : () -> ()
    %barrier3A = arith.constant 0 : index
    tpu.barrier barrier_id(%barrier3A)
    %scan3A_44 = arith.constant 0 : i32
    %scan3A_45 = arith.constant 0 : i32
    %scan3A_46 = arith.constant 80 : i32
    %scan3A_47 = arith.addi %scan3A_45, %scan3A_46 : i32
    %scan3A_48 = arith.constant 1 : i32
    scf.for %scan3A_58 = %scan3A_45 to %scan3A_47 step %scan3A_48  : i32 {
      "tpu.region"() ({
        %run_scoped3A = tpu.sem_alloc : memref<!tpu.dma_semaphore, #tpu.memory_space<semaphore_mem>>
        %dma_start3A = arith.constant 0 : i32
        %dma_start3A_59 = tpu.memref_slice %arg4[%scan3A_58, %dma_start3A] : memref<80x128xi32, #tpu.memory_space<vmem>> -> memref<1x128xi32, #tpu.memory_space<vmem>>
        %dma_start3A_60 = tpu.memref_squeeze %dma_start3A_59 : memref<1x128xi32, #tpu.memory_space<vmem>> -> memref<128xi32, #tpu.memory_space<vmem>>
        %dma_start3A_61 = arith.constant 0 : i32
        %dma_start3A_62 = tpu.memref_slice %arg7[%dma_start3A_61] : memref<10240xf32, #tpu.memory_space<vmem_shared>> -> memref<10240xf32, #tpu.memory_space<vmem_shared>>
        tpu.enqueue_indirect_dma source(%arg5 : memref<128xf32, #tpu.memory_space<vmem>>) target(%dma_start3A_62 : memref<10240xf32, #tpu.memory_space<vmem_shared>>) offsets(%dma_start3A_60 : memref<128xi32, #tpu.memory_space<vmem>>) semaphore(%run_scoped3A : memref<!tpu.dma_semaphore, #tpu.memory_space<semaphore_mem>>) {add = true}
        %dma_wait3A = arith.constant 0 : i32
        %dma_wait3A_63 = tpu.memref_slice %arg4[%scan3A_58, %dma_wait3A] : memref<80x128xi32, #tpu.memory_space<vmem>> -> memref<1x128xi32, #tpu.memory_space<vmem>>
        %dma_wait3A_64 = tpu.memref_squeeze %dma_wait3A_63 : memref<1x128xi32, #tpu.memory_space<vmem>> -> memref<128xi32, #tpu.memory_space<vmem>>
        %dma_wait3A_65 = arith.constant 0 : i32
        %dma_wait3A_66 = tpu.memref_slice %arg7[%dma_wait3A_65] : memref<10240xf32, #tpu.memory_space<vmem_shared>> -> memref<10240xf32, #tpu.memory_space<vmem_shared>>
        tpu.wait_indirect_dma semaphore(%run_scoped3A : memref<!tpu.dma_semaphore, #tpu.memory_space<semaphore_mem>>) src(%arg5 : memref<128xf32, #tpu.memory_space<vmem>>) dst(%dma_wait3A_66 : memref<10240xf32, #tpu.memory_space<vmem_shared>>)
        tpu.yield
      }) : () -> ()
    }
    %scan3A_49 = arith.constant 80 : i32
    %barrier3A_50 = arith.constant 0 : index
    tpu.barrier barrier_id(%barrier3A_50)
    %mul3A_51 = arith.constant 640 : i32
    %mul3A_52 = arith.muli %arg1, %mul3A_51 : i32
    "tpu.region"() ({
      %run_scoped3A = tpu.sem_alloc : memref<!tpu.dma_semaphore, #tpu.memory_space<semaphore_mem>>
      %dma_start3A = tpu.memref_slice %arg7[%mul3A_52] : memref<10240xf32, #tpu.memory_space<vmem_shared>> -> memref<640xf32, #tpu.memory_space<vmem_shared>>
      %dma_start3A_58 = tpu.memref_slice %arg7[%mul3A_52] : memref<10240xf32, #tpu.memory_space<vmem_shared>> -> memref<640xf32, #tpu.memory_space<vmem_shared>>
      tpu.enqueue_dma source(%dma_start3A_58 : memref<640xf32, #tpu.memory_space<vmem_shared>>) target(%arg6 : memref<640xf32, #tpu.memory_space<vmem>>) target_semaphore(%run_scoped3A : memref<!tpu.dma_semaphore, #tpu.memory_space<semaphore_mem>>)
      %dma_wait3A = tpu.memref_slice %arg7[%mul3A_52] : memref<10240xf32, #tpu.memory_space<vmem_shared>> -> memref<640xf32, #tpu.memory_space<vmem_shared>>
      %dma_wait3A_59 = tpu.memref_slice %arg7[%mul3A_52] : memref<10240xf32, #tpu.memory_space<vmem_shared>> -> memref<640xf32, #tpu.memory_space<vmem_shared>>
      tpu.wait_dma2 semaphore(%run_scoped3A : memref<!tpu.dma_semaphore, #tpu.memory_space<semaphore_mem>>) src(%dma_wait3A_59 : memref<640xf32, #tpu.memory_space<vmem_shared>>) dst(%arg6 : memref<640xf32, #tpu.memory_space<vmem>>)
      tpu.yield
    }) : () -> ()
    %mul3A_53 = arith.constant 10240 : i32
    %mul3A_54 = arith.muli %arg0, %mul3A_53 : i32
    %mul3A_55 = arith.constant 640 : i32
    %mul3A_56 = arith.muli %arg1, %mul3A_55 : i32
    %add3A_57 = arith.addi %mul3A_54, %mul3A_56 : i32
    "tpu.region"() ({
      %run_scoped3A = tpu.sem_alloc : memref<!tpu.dma_semaphore, #tpu.memory_space<semaphore_mem>>
      %dma_start3A = tpu.memref_slice %arg3[%add3A_57] : memref<20480xf32, #tpu.memory_space<hbm>> -> memref<640xf32, #tpu.memory_space<hbm>>
      %dma_start3A_58 = tpu.memref_slice %arg3[%add3A_57] : memref<20480xf32, #tpu.memory_space<hbm>> -> memref<640xf32, #tpu.memory_space<hbm>>
      tpu.enqueue_dma source(%arg6 : memref<640xf32, #tpu.memory_space<vmem>>) target(%dma_start3A_58 : memref<640xf32, #tpu.memory_space<hbm>>) target_semaphore(%run_scoped3A : memref<!tpu.dma_semaphore, #tpu.memory_space<semaphore_mem>>)
      %dma_wait3A = tpu.memref_slice %arg3[%add3A_57] : memref<20480xf32, #tpu.memory_space<hbm>> -> memref<640xf32, #tpu.memory_space<hbm>>
      %dma_wait3A_59 = tpu.memref_slice %arg3[%add3A_57] : memref<20480xf32, #tpu.memory_space<hbm>> -> memref<640xf32, #tpu.memory_space<hbm>>
      tpu.wait_dma2 semaphore(%run_scoped3A : memref<!tpu.dma_semaphore, #tpu.memory_space<semaphore_mem>>) src(%arg6 : memref<640xf32, #tpu.memory_space<vmem>>) dst(%dma_wait3A_59 : memref<640xf32, #tpu.memory_space<hbm>>)
      tpu.yield
    }) : () -> ()
    return
  }
}

#map = affine_map<(d0, d1) -> (0, 0)>
#map1 = affine_map<(d0, d1) -> (0, 0, 0)>
module attributes {stable_mosaic.version = 14 : i64} {
  func.func @_agg_kernel_body(%arg0: i32, %arg1: i32, %arg2: memref<10240x128xf32, #tpu.memory_space<hbm>>, %arg3: memref<2560x128xi32, #tpu.memory_space<hbm>>, %arg4: memref<2560x128xi32, #tpu.memory_space<hbm>>, %arg5: memref<2x10240x128xf32, #tpu.memory_space<hbm>>, %arg6: memref<16x128xi32, #tpu.memory_space<vmem>>, %arg7: memref<16x128xi32, #tpu.memory_space<vmem>>, %arg8: memref<128x128xf32, #tpu.memory_space<vmem>>, %arg9: memref<128x128xf32, #tpu.memory_space<vmem>>, %arg10: memref<10240x128xf32, #tpu.memory_space<vmem_shared>>, %arg11: memref<!tpu.dma_semaphore, #tpu.memory_space<semaphore_mem>>, %arg12: memref<!tpu.dma_semaphore, #tpu.memory_space<semaphore_mem>>) attributes {dimension_semantics = [#tpu.dimension_semantics<core_parallel>, #tpu.dimension_semantics<subcore_parallel>], iteration_bounds = array<i64: 2, 16>, scalar_prefetch = 0 : i64, scratch_operands = 7 : i64, tpu.core_type = #tpu.core_type<sc_vector_subcore>, window_params = [{transform_indices = #map}, {transform_indices = #map}, {transform_indices = #map}, {transform_indices = #map1}]} {
    %mul3A = arith.constant 16 : i32
    %mul3A_0 = arith.muli %arg0, %mul3A : i32
    %add3A = arith.addi %mul3A_0, %arg1 : i32
    %broadcast_in_dim3A = arith.constant 0.000000e+00 : f32
    %broadcast_in_dim3A_1 = vector.broadcast %broadcast_in_dim3A : f32 to vector<16xf32>
    %scan3A = arith.constant 0 : i32
    %scan3A_2 = arith.constant 0 : i32
    %scan3A_3 = arith.constant 128 : i32
    %scan3A_4 = arith.addi %scan3A_2, %scan3A_3 : i32
    %scan3A_5 = arith.constant 1 : i32
    scf.for %scan3A_54 = %scan3A_2 to %scan3A_4 step %scan3A_5  : i32 {
      %swap3A = arith.index_cast %scan3A_54 : i32 to index
      %swap3A_55 = arith.constant 0 : index
      %swap3A_56 = tpu.vector_load %arg8[%swap3A, %swap3A_55] {strides = array<i32>} : memref<128x128xf32, #tpu.memory_space<vmem>>, vector<1x16xf32>,
      %swap3A_57 = vector.shape_cast %swap3A_56 : vector<1x16xf32> to vector<16xf32>
      %swap3A_58 = vector.shape_cast %broadcast_in_dim3A_1 : vector<16xf32> to vector<1x16xf32>
      tpu.vector_store %arg8[%swap3A, %swap3A_55], %swap3A_58 {strides = array<i32>} : memref<128x128xf32, #tpu.memory_space<vmem>>, vector<1x16xf32>,
      %swap3A_59 = arith.index_cast %scan3A_54 : i32 to index
      %swap3A_60 = arith.constant 16 : index
      %swap3A_61 = tpu.vector_load %arg8[%swap3A_59, %swap3A_60] {strides = array<i32>} : memref<128x128xf32, #tpu.memory_space<vmem>>, vector<1x16xf32>,
      %swap3A_62 = vector.shape_cast %swap3A_61 : vector<1x16xf32> to vector<16xf32>
      %swap3A_63 = vector.shape_cast %broadcast_in_dim3A_1 : vector<16xf32> to vector<1x16xf32>
      tpu.vector_store %arg8[%swap3A_59, %swap3A_60], %swap3A_63 {strides = array<i32>} : memref<128x128xf32, #tpu.memory_space<vmem>>, vector<1x16xf32>,
      %swap3A_64 = arith.index_cast %scan3A_54 : i32 to index
      %swap3A_65 = arith.constant 32 : index
      %swap3A_66 = tpu.vector_load %arg8[%swap3A_64, %swap3A_65] {strides = array<i32>} : memref<128x128xf32, #tpu.memory_space<vmem>>, vector<1x16xf32>,
      %swap3A_67 = vector.shape_cast %swap3A_66 : vector<1x16xf32> to vector<16xf32>
      %swap3A_68 = vector.shape_cast %broadcast_in_dim3A_1 : vector<16xf32> to vector<1x16xf32>
      tpu.vector_store %arg8[%swap3A_64, %swap3A_65], %swap3A_68 {strides = array<i32>} : memref<128x128xf32, #tpu.memory_space<vmem>>, vector<1x16xf32>,
      %swap3A_69 = arith.index_cast %scan3A_54 : i32 to index
      %swap3A_70 = arith.constant 48 : index
      %swap3A_71 = tpu.vector_load %arg8[%swap3A_69, %swap3A_70] {strides = array<i32>} : memref<128x128xf32, #tpu.memory_space<vmem>>, vector<1x16xf32>,
      %swap3A_72 = vector.shape_cast %swap3A_71 : vector<1x16xf32> to vector<16xf32>
      %swap3A_73 = vector.shape_cast %broadcast_in_dim3A_1 : vector<16xf32> to vector<1x16xf32>
      tpu.vector_store %arg8[%swap3A_69, %swap3A_70], %swap3A_73 {strides = array<i32>} : memref<128x128xf32, #tpu.memory_space<vmem>>, vector<1x16xf32>,
      %swap3A_74 = arith.index_cast %scan3A_54 : i32 to index
      %swap3A_75 = arith.constant 64 : index
      %swap3A_76 = tpu.vector_load %arg8[%swap3A_74, %swap3A_75] {strides = array<i32>} : memref<128x128xf32, #tpu.memory_space<vmem>>, vector<1x16xf32>,
      %swap3A_77 = vector.shape_cast %swap3A_76 : vector<1x16xf32> to vector<16xf32>
      %swap3A_78 = vector.shape_cast %broadcast_in_dim3A_1 : vector<16xf32> to vector<1x16xf32>
      tpu.vector_store %arg8[%swap3A_74, %swap3A_75], %swap3A_78 {strides = array<i32>} : memref<128x128xf32, #tpu.memory_space<vmem>>, vector<1x16xf32>,
      %swap3A_79 = arith.index_cast %scan3A_54 : i32 to index
      %swap3A_80 = arith.constant 80 : index
      %swap3A_81 = tpu.vector_load %arg8[%swap3A_79, %swap3A_80] {strides = array<i32>} : memref<128x128xf32, #tpu.memory_space<vmem>>, vector<1x16xf32>,
      %swap3A_82 = vector.shape_cast %swap3A_81 : vector<1x16xf32> to vector<16xf32>
      %swap3A_83 = vector.shape_cast %broadcast_in_dim3A_1 : vector<16xf32> to vector<1x16xf32>
      tpu.vector_store %arg8[%swap3A_79, %swap3A_80], %swap3A_83 {strides = array<i32>} : memref<128x128xf32, #tpu.memory_space<vmem>>, vector<1x16xf32>,
      %swap3A_84 = arith.index_cast %scan3A_54 : i32 to index
      %swap3A_85 = arith.constant 96 : index
      %swap3A_86 = tpu.vector_load %arg8[%swap3A_84, %swap3A_85] {strides = array<i32>} : memref<128x128xf32, #tpu.memory_space<vmem>>, vector<1x16xf32>,
      %swap3A_87 = vector.shape_cast %swap3A_86 : vector<1x16xf32> to vector<16xf32>
      %swap3A_88 = vector.shape_cast %broadcast_in_dim3A_1 : vector<16xf32> to vector<1x16xf32>
      tpu.vector_store %arg8[%swap3A_84, %swap3A_85], %swap3A_88 {strides = array<i32>} : memref<128x128xf32, #tpu.memory_space<vmem>>, vector<1x16xf32>,
      %swap3A_89 = arith.index_cast %scan3A_54 : i32 to index
      %swap3A_90 = arith.constant 112 : index
      %swap3A_91 = tpu.vector_load %arg8[%swap3A_89, %swap3A_90] {strides = array<i32>} : memref<128x128xf32, #tpu.memory_space<vmem>>, vector<1x16xf32>,
      %swap3A_92 = vector.shape_cast %swap3A_91 : vector<1x16xf32> to vector<16xf32>
      %swap3A_93 = vector.shape_cast %broadcast_in_dim3A_1 : vector<16xf32> to vector<1x16xf32>
      tpu.vector_store %arg8[%swap3A_89, %swap3A_90], %swap3A_93 {strides = array<i32>} : memref<128x128xf32, #tpu.memory_space<vmem>>, vector<1x16xf32>,
    }
    %scan3A_6 = arith.constant 128 : i32
    %mul3A_7 = arith.constant 640 : i32
    %mul3A_8 = arith.muli %arg1, %mul3A_7 : i32
    %add3A_9 = arith.constant 0 : i32
    %add3A_10 = arith.addi %mul3A_8, %add3A_9 : i32
    "tpu.region"() ({
      %run_scoped3A = tpu.sem_alloc : memref<!tpu.dma_semaphore, #tpu.memory_space<semaphore_mem>>
      %dma_start3A = arith.constant 0 : i32
      %dma_start3A_54 = tpu.memref_slice %arg10[%add3A_10, %dma_start3A] : memref<10240x128xf32, #tpu.memory_space<vmem_shared>> -> memref<128x128xf32, #tpu.memory_space<vmem_shared>>
      %dma_start3A_55 = arith.constant 0 : i32
      %dma_start3A_56 = tpu.memref_slice %arg10[%add3A_10, %dma_start3A_55] : memref<10240x128xf32, #tpu.memory_space<vmem_shared>> -> memref<128x128xf32, #tpu.memory_space<vmem_shared>>
      tpu.enqueue_dma source(%arg8 : memref<128x128xf32, #tpu.memory_space<vmem>>) target(%dma_start3A_56 : memref<128x128xf32, #tpu.memory_space<vmem_shared>>) target_semaphore(%run_scoped3A : memref<!tpu.dma_semaphore, #tpu.memory_space<semaphore_mem>>)
      %dma_wait3A = arith.constant 0 : i32
      %dma_wait3A_57 = tpu.memref_slice %arg10[%add3A_10, %dma_wait3A] : memref<10240x128xf32, #tpu.memory_space<vmem_shared>> -> memref<128x128xf32, #tpu.memory_space<vmem_shared>>
      %dma_wait3A_58 = arith.constant 0 : i32
      %dma_wait3A_59 = tpu.memref_slice %arg10[%add3A_10, %dma_wait3A_58] : memref<10240x128xf32, #tpu.memory_space<vmem_shared>> -> memref<128x128xf32, #tpu.memory_space<vmem_shared>>
      tpu.wait_dma2 semaphore(%run_scoped3A : memref<!tpu.dma_semaphore, #tpu.memory_space<semaphore_mem>>) src(%arg8 : memref<128x128xf32, #tpu.memory_space<vmem>>) dst(%dma_wait3A_59 : memref<128x128xf32, #tpu.memory_space<vmem_shared>>)
      tpu.yield
    }) : () -> ()
    %mul3A_11 = arith.constant 640 : i32
    %mul3A_12 = arith.muli %arg1, %mul3A_11 : i32
    %add3A_13 = arith.constant 128 : i32
    %add3A_14 = arith.addi %mul3A_12, %add3A_13 : i32
    "tpu.region"() ({
      %run_scoped3A = tpu.sem_alloc : memref<!tpu.dma_semaphore, #tpu.memory_space<semaphore_mem>>
      %dma_start3A = arith.constant 0 : i32
      %dma_start3A_54 = tpu.memref_slice %arg10[%add3A_14, %dma_start3A] : memref<10240x128xf32, #tpu.memory_space<vmem_shared>> -> memref<128x128xf32, #tpu.memory_space<vmem_shared>>
      %dma_start3A_55 = arith.constant 0 : i32
      %dma_start3A_56 = tpu.memref_slice %arg10[%add3A_14, %dma_start3A_55] : memref<10240x128xf32, #tpu.memory_space<vmem_shared>> -> memref<128x128xf32, #tpu.memory_space<vmem_shared>>
      tpu.enqueue_dma source(%arg8 : memref<128x128xf32, #tpu.memory_space<vmem>>) target(%dma_start3A_56 : memref<128x128xf32, #tpu.memory_space<vmem_shared>>) target_semaphore(%run_scoped3A : memref<!tpu.dma_semaphore, #tpu.memory_space<semaphore_mem>>)
      %dma_wait3A = arith.constant 0 : i32
      %dma_wait3A_57 = tpu.memref_slice %arg10[%add3A_14, %dma_wait3A] : memref<10240x128xf32, #tpu.memory_space<vmem_shared>> -> memref<128x128xf32, #tpu.memory_space<vmem_shared>>
      %dma_wait3A_58 = arith.constant 0 : i32
      %dma_wait3A_59 = tpu.memref_slice %arg10[%add3A_14, %dma_wait3A_58] : memref<10240x128xf32, #tpu.memory_space<vmem_shared>> -> memref<128x128xf32, #tpu.memory_space<vmem_shared>>
      tpu.wait_dma2 semaphore(%run_scoped3A : memref<!tpu.dma_semaphore, #tpu.memory_space<semaphore_mem>>) src(%arg8 : memref<128x128xf32, #tpu.memory_space<vmem>>) dst(%dma_wait3A_59 : memref<128x128xf32, #tpu.memory_space<vmem_shared>>)
      tpu.yield
    }) : () -> ()
    %mul3A_15 = arith.constant 640 : i32
    %mul3A_16 = arith.muli %arg1, %mul3A_15 : i32
    %add3A_17 = arith.constant 256 : i32
    %add3A_18 = arith.addi %mul3A_16, %add3A_17 : i32
    "tpu.region"() ({
      %run_scoped3A = tpu.sem_alloc : memref<!tpu.dma_semaphore, #tpu.memory_space<semaphore_mem>>
      %dma_start3A = arith.constant 0 : i32
      %dma_start3A_54 = tpu.memref_slice %arg10[%add3A_18, %dma_start3A] : memref<10240x128xf32, #tpu.memory_space<vmem_shared>> -> memref<128x128xf32, #tpu.memory_space<vmem_shared>>
      %dma_start3A_55 = arith.constant 0 : i32
      %dma_start3A_56 = tpu.memref_slice %arg10[%add3A_18, %dma_start3A_55] : memref<10240x128xf32, #tpu.memory_space<vmem_shared>> -> memref<128x128xf32, #tpu.memory_space<vmem_shared>>
      tpu.enqueue_dma source(%arg8 : memref<128x128xf32, #tpu.memory_space<vmem>>) target(%dma_start3A_56 : memref<128x128xf32, #tpu.memory_space<vmem_shared>>) target_semaphore(%run_scoped3A : memref<!tpu.dma_semaphore, #tpu.memory_space<semaphore_mem>>)
      %dma_wait3A = arith.constant 0 : i32
      %dma_wait3A_57 = tpu.memref_slice %arg10[%add3A_18, %dma_wait3A] : memref<10240x128xf32, #tpu.memory_space<vmem_shared>> -> memref<128x128xf32, #tpu.memory_space<vmem_shared>>
      %dma_wait3A_58 = arith.constant 0 : i32
      %dma_wait3A_59 = tpu.memref_slice %arg10[%add3A_18, %dma_wait3A_58] : memref<10240x128xf32, #tpu.memory_space<vmem_shared>> -> memref<128x128xf32, #tpu.memory_space<vmem_shared>>
      tpu.wait_dma2 semaphore(%run_scoped3A : memref<!tpu.dma_semaphore, #tpu.memory_space<semaphore_mem>>) src(%arg8 : memref<128x128xf32, #tpu.memory_space<vmem>>) dst(%dma_wait3A_59 : memref<128x128xf32, #tpu.memory_space<vmem_shared>>)
      tpu.yield
    }) : () -> ()
    %mul3A_19 = arith.constant 640 : i32
    %mul3A_20 = arith.muli %arg1, %mul3A_19 : i32
    %add3A_21 = arith.constant 384 : i32
    %add3A_22 = arith.addi %mul3A_20, %add3A_21 : i32
    "tpu.region"() ({
      %run_scoped3A = tpu.sem_alloc : memref<!tpu.dma_semaphore, #tpu.memory_space<semaphore_mem>>
      %dma_start3A = arith.constant 0 : i32
      %dma_start3A_54 = tpu.memref_slice %arg10[%add3A_22, %dma_start3A] : memref<10240x128xf32, #tpu.memory_space<vmem_shared>> -> memref<128x128xf32, #tpu.memory_space<vmem_shared>>
      %dma_start3A_55 = arith.constant 0 : i32
      %dma_start3A_56 = tpu.memref_slice %arg10[%add3A_22, %dma_start3A_55] : memref<10240x128xf32, #tpu.memory_space<vmem_shared>> -> memref<128x128xf32, #tpu.memory_space<vmem_shared>>
      tpu.enqueue_dma source(%arg8 : memref<128x128xf32, #tpu.memory_space<vmem>>) target(%dma_start3A_56 : memref<128x128xf32, #tpu.memory_space<vmem_shared>>) target_semaphore(%run_scoped3A : memref<!tpu.dma_semaphore, #tpu.memory_space<semaphore_mem>>)
      %dma_wait3A = arith.constant 0 : i32
      %dma_wait3A_57 = tpu.memref_slice %arg10[%add3A_22, %dma_wait3A] : memref<10240x128xf32, #tpu.memory_space<vmem_shared>> -> memref<128x128xf32, #tpu.memory_space<vmem_shared>>
      %dma_wait3A_58 = arith.constant 0 : i32
      %dma_wait3A_59 = tpu.memref_slice %arg10[%add3A_22, %dma_wait3A_58] : memref<10240x128xf32, #tpu.memory_space<vmem_shared>> -> memref<128x128xf32, #tpu.memory_space<vmem_shared>>
      tpu.wait_dma2 semaphore(%run_scoped3A : memref<!tpu.dma_semaphore, #tpu.memory_space<semaphore_mem>>) src(%arg8 : memref<128x128xf32, #tpu.memory_space<vmem>>) dst(%dma_wait3A_59 : memref<128x128xf32, #tpu.memory_space<vmem_shared>>)
      tpu.yield
    }) : () -> ()
    %mul3A_23 = arith.constant 640 : i32
    %mul3A_24 = arith.muli %arg1, %mul3A_23 : i32
    %add3A_25 = arith.constant 512 : i32
    %add3A_26 = arith.addi %mul3A_24, %add3A_25 : i32
    "tpu.region"() ({
      %run_scoped3A = tpu.sem_alloc : memref<!tpu.dma_semaphore, #tpu.memory_space<semaphore_mem>>
      %dma_start3A = arith.constant 0 : i32
      %dma_start3A_54 = tpu.memref_slice %arg10[%add3A_26, %dma_start3A] : memref<10240x128xf32, #tpu.memory_space<vmem_shared>> -> memref<128x128xf32, #tpu.memory_space<vmem_shared>>
      %dma_start3A_55 = arith.constant 0 : i32
      %dma_start3A_56 = tpu.memref_slice %arg10[%add3A_26, %dma_start3A_55] : memref<10240x128xf32, #tpu.memory_space<vmem_shared>> -> memref<128x128xf32, #tpu.memory_space<vmem_shared>>
      tpu.enqueue_dma source(%arg8 : memref<128x128xf32, #tpu.memory_space<vmem>>) target(%dma_start3A_56 : memref<128x128xf32, #tpu.memory_space<vmem_shared>>) target_semaphore(%run_scoped3A : memref<!tpu.dma_semaphore, #tpu.memory_space<semaphore_mem>>)
      %dma_wait3A = arith.constant 0 : i32
      %dma_wait3A_57 = tpu.memref_slice %arg10[%add3A_26, %dma_wait3A] : memref<10240x128xf32, #tpu.memory_space<vmem_shared>> -> memref<128x128xf32, #tpu.memory_space<vmem_shared>>
      %dma_wait3A_58 = arith.constant 0 : i32
      %dma_wait3A_59 = tpu.memref_slice %arg10[%add3A_26, %dma_wait3A_58] : memref<10240x128xf32, #tpu.memory_space<vmem_shared>> -> memref<128x128xf32, #tpu.memory_space<vmem_shared>>
      tpu.wait_dma2 semaphore(%run_scoped3A : memref<!tpu.dma_semaphore, #tpu.memory_space<semaphore_mem>>) src(%arg8 : memref<128x128xf32, #tpu.memory_space<vmem>>) dst(%dma_wait3A_59 : memref<128x128xf32, #tpu.memory_space<vmem_shared>>)
      tpu.yield
    }) : () -> ()
    %barrier3A = arith.constant 0 : index
    tpu.barrier barrier_id(%barrier3A)
    %scan3A_27 = arith.constant 0 : i32
    %scan3A_28 = arith.constant 0 : i32
    %scan3A_29 = arith.constant 5 : i32
    %scan3A_30 = arith.addi %scan3A_28, %scan3A_29 : i32
    %scan3A_31 = arith.constant 1 : i32
    scf.for %scan3A_54 = %scan3A_28 to %scan3A_30 step %scan3A_31  : i32 {
      %mul3A_55 = arith.constant 80 : i32
      %mul3A_56 = arith.muli %add3A, %mul3A_55 : i32
      %mul3A_57 = arith.constant 16 : i32
      %mul3A_58 = arith.muli %scan3A_54, %mul3A_57 : i32
      %add3A_59 = arith.addi %mul3A_56, %mul3A_58 : i32
      "tpu.region"() ({
        %run_scoped3A = tpu.sem_alloc : memref<!tpu.dma_semaphore, #tpu.memory_space<semaphore_mem>>
        %dma_start3A_78 = arith.constant 0 : i32
        %dma_start3A_79 = tpu.memref_slice %arg3[%add3A_59, %dma_start3A_78] : memref<2560x128xi32, #tpu.memory_space<hbm>> -> memref<16x128xi32, #tpu.memory_space<hbm>>
        %dma_start3A_80 = arith.constant 0 : i32
        %dma_start3A_81 = tpu.memref_slice %arg3[%add3A_59, %dma_start3A_80] : memref<2560x128xi32, #tpu.memory_space<hbm>> -> memref<16x128xi32, #tpu.memory_space<hbm>>
        tpu.enqueue_dma source(%dma_start3A_81 : memref<16x128xi32, #tpu.memory_space<hbm>>) target(%arg6 : memref<16x128xi32, #tpu.memory_space<vmem>>) target_semaphore(%run_scoped3A : memref<!tpu.dma_semaphore, #tpu.memory_space<semaphore_mem>>)
        %dma_wait3A_82 = arith.constant 0 : i32
        %dma_wait3A_83 = tpu.memref_slice %arg3[%add3A_59, %dma_wait3A_82] : memref<2560x128xi32, #tpu.memory_space<hbm>> -> memref<16x128xi32, #tpu.memory_space<hbm>>
        %dma_wait3A_84 = arith.constant 0 : i32
        %dma_wait3A_85 = tpu.memref_slice %arg3[%add3A_59, %dma_wait3A_84] : memref<2560x128xi32, #tpu.memory_space<hbm>> -> memref<16x128xi32, #tpu.memory_space<hbm>>
        tpu.wait_dma2 semaphore(%run_scoped3A : memref<!tpu.dma_semaphore, #tpu.memory_space<semaphore_mem>>) src(%dma_wait3A_85 : memref<16x128xi32, #tpu.memory_space<hbm>>) dst(%arg6 : memref<16x128xi32, #tpu.memory_space<vmem>>)
        tpu.yield
      }) : () -> ()
      "tpu.region"() ({
        %run_scoped3A = tpu.sem_alloc : memref<!tpu.dma_semaphore, #tpu.memory_space<semaphore_mem>>
        %dma_start3A_78 = arith.constant 0 : i32
        %dma_start3A_79 = tpu.memref_slice %arg4[%add3A_59, %dma_start3A_78] : memref<2560x128xi32, #tpu.memory_space<hbm>> -> memref<16x128xi32, #tpu.memory_space<hbm>>
        %dma_start3A_80 = arith.constant 0 : i32
        %dma_start3A_81 = tpu.memref_slice %arg4[%add3A_59, %dma_start3A_80] : memref<2560x128xi32, #tpu.memory_space<hbm>> -> memref<16x128xi32, #tpu.memory_space<hbm>>
        tpu.enqueue_dma source(%dma_start3A_81 : memref<16x128xi32, #tpu.memory_space<hbm>>) target(%arg7 : memref<16x128xi32, #tpu.memory_space<vmem>>) target_semaphore(%run_scoped3A : memref<!tpu.dma_semaphore, #tpu.memory_space<semaphore_mem>>)
        %dma_wait3A_82 = arith.constant 0 : i32
        %dma_wait3A_83 = tpu.memref_slice %arg4[%add3A_59, %dma_wait3A_82] : memref<2560x128xi32, #tpu.memory_space<hbm>> -> memref<16x128xi32, #tpu.memory_space<hbm>>
        %dma_wait3A_84 = arith.constant 0 : i32
        %dma_wait3A_85 = tpu.memref_slice %arg4[%add3A_59, %dma_wait3A_84] : memref<2560x128xi32, #tpu.memory_space<hbm>> -> memref<16x128xi32, #tpu.memory_space<hbm>>
        tpu.wait_dma2 semaphore(%run_scoped3A : memref<!tpu.dma_semaphore, #tpu.memory_space<semaphore_mem>>) src(%dma_wait3A_85 : memref<16x128xi32, #tpu.memory_space<hbm>>) dst(%arg7 : memref<16x128xi32, #tpu.memory_space<vmem>>)
        tpu.yield
      }) : () -> ()
      %dma_start3A = arith.constant 0 : i32
      %dma_start3A_60 = arith.constant 0 : i32
      %dma_start3A_61 = tpu.memref_slice %arg6[%dma_start3A, %dma_start3A_60] : memref<16x128xi32, #tpu.memory_space<vmem>> -> memref<1x128xi32, #tpu.memory_space<vmem>>
      %dma_start3A_62 = tpu.memref_squeeze %dma_start3A_61 : memref<1x128xi32, #tpu.memory_space<vmem>> -> memref<128xi32, #tpu.memory_space<vmem>>
      %dma_start3A_63 = arith.constant 0 : i32
      %dma_start3A_64 = arith.constant 0 : i32
      %dma_start3A_65 = tpu.memref_slice %arg2[%dma_start3A_63, %dma_start3A_64] : memref<10240x128xf32, #tpu.memory_space<hbm>> -> memref<10240x128xf32, #tpu.memory_space<hbm>>
      tpu.enqueue_indirect_dma source(%dma_start3A_65 : memref<10240x128xf32, #tpu.memory_space<hbm>>) target(%arg8 : memref<128x128xf32, #tpu.memory_space<vmem>>) offsets(%dma_start3A_62 : memref<128xi32, #tpu.memory_space<vmem>>) semaphore(%arg11 : memref<!tpu.dma_semaphore, #tpu.memory_space<semaphore_mem>>)
      %scan3A_66 = arith.constant 0 : i32
      %scan3A_67 = arith.constant 0 : i32
      %scan3A_68 = arith.constant 8 : i32
      %scan3A_69 = arith.addi %scan3A_67, %scan3A_68 : i32
      %scan3A_70 = arith.constant 1 : i32
      scf.for %scan3A_78 = %scan3A_67 to %scan3A_69 step %scan3A_70  : i32 {
        %mul3A_79 = arith.constant 2 : i32
        %mul3A_80 = arith.muli %mul3A_79, %scan3A_78 : i32
        %add3A_81 = arith.constant 1 : i32
        %add3A_82 = arith.addi %mul3A_80, %add3A_81 : i32
        %dma_start3A_83 = arith.constant 0 : i32
        %dma_start3A_84 = tpu.memref_slice %arg6[%add3A_82, %dma_start3A_83] : memref<16x128xi32, #tpu.memory_space<vmem>> -> memref<1x128xi32, #tpu.memory_space<vmem>>
        %dma_start3A_85 = tpu.memref_squeeze %dma_start3A_84 : memref<1x128xi32, #tpu.memory_space<vmem>> -> memref<128xi32, #tpu.memory_space<vmem>>
        %dma_start3A_86 = arith.constant 0 : i32
        %dma_start3A_87 = arith.constant 0 : i32
        %dma_start3A_88 = tpu.memref_slice %arg2[%dma_start3A_86, %dma_start3A_87] : memref<10240x128xf32, #tpu.memory_space<hbm>> -> memref<10240x128xf32, #tpu.memory_space<hbm>>
        tpu.enqueue_indirect_dma source(%dma_start3A_88 : memref<10240x128xf32, #tpu.memory_space<hbm>>) target(%arg9 : memref<128x128xf32, #tpu.memory_space<vmem>>) offsets(%dma_start3A_85 : memref<128xi32, #tpu.memory_space<vmem>>) semaphore(%arg12 : memref<!tpu.dma_semaphore, #tpu.memory_space<semaphore_mem>>)
        %dma_wait3A_89 = arith.constant 0 : i32
        %dma_wait3A_90 = tpu.memref_slice %arg6[%mul3A_80, %dma_wait3A_89] : memref<16x128xi32, #tpu.memory_space<vmem>> -> memref<1x128xi32, #tpu.memory_space<vmem>>
        %dma_wait3A_91 = tpu.memref_squeeze %dma_wait3A_90 : memref<1x128xi32, #tpu.memory_space<vmem>> -> memref<128xi32, #tpu.memory_space<vmem>>
        %dma_wait3A_92 = arith.constant 0 : i32
        %dma_wait3A_93 = arith.constant 0 : i32
        %dma_wait3A_94 = tpu.memref_slice %arg2[%dma_wait3A_92, %dma_wait3A_93] : memref<10240x128xf32, #tpu.memory_space<hbm>> -> memref<10240x128xf32, #tpu.memory_space<hbm>>
        tpu.wait_indirect_dma semaphore(%arg11 : memref<!tpu.dma_semaphore, #tpu.memory_space<semaphore_mem>>) src(%dma_wait3A_94 : memref<10240x128xf32, #tpu.memory_space<hbm>>) dst(%arg8 : memref<128x128xf32, #tpu.memory_space<vmem>>)
        "tpu.region"() ({
          %run_scoped3A = tpu.sem_alloc : memref<!tpu.dma_semaphore, #tpu.memory_space<semaphore_mem>>
          %dma_start3A_114 = arith.constant 0 : i32
          %dma_start3A_115 = tpu.memref_slice %arg7[%mul3A_80, %dma_start3A_114] : memref<16x128xi32, #tpu.memory_space<vmem>> -> memref<1x128xi32, #tpu.memory_space<vmem>>
          %dma_start3A_116 = tpu.memref_squeeze %dma_start3A_115 : memref<1x128xi32, #tpu.memory_space<vmem>> -> memref<128xi32, #tpu.memory_space<vmem>>
          %dma_start3A_117 = arith.constant 0 : i32
          %dma_start3A_118 = arith.constant 0 : i32
          %dma_start3A_119 = tpu.memref_slice %arg10[%dma_start3A_117, %dma_start3A_118] : memref<10240x128xf32, #tpu.memory_space<vmem_shared>> -> memref<10240x128xf32, #tpu.memory_space<vmem_shared>>
          tpu.enqueue_indirect_dma source(%arg8 : memref<128x128xf32, #tpu.memory_space<vmem>>) target(%dma_start3A_119 : memref<10240x128xf32, #tpu.memory_space<vmem_shared>>) offsets(%dma_start3A_116 : memref<128xi32, #tpu.memory_space<vmem>>) semaphore(%run_scoped3A : memref<!tpu.dma_semaphore, #tpu.memory_space<semaphore_mem>>) {add = true}
          %dma_wait3A_120 = arith.constant 0 : i32
          %dma_wait3A_121 = tpu.memref_slice %arg7[%mul3A_80, %dma_wait3A_120] : memref<16x128xi32, #tpu.memory_space<vmem>> -> memref<1x128xi32, #tpu.memory_space<vmem>>
          %dma_wait3A_122 = tpu.memref_squeeze %dma_wait3A_121 : memref<1x128xi32, #tpu.memory_space<vmem>> -> memref<128xi32, #tpu.memory_space<vmem>>
          %dma_wait3A_123 = arith.constant 0 : i32
          %dma_wait3A_124 = arith.constant 0 : i32
          %dma_wait3A_125 = tpu.memref_slice %arg10[%dma_wait3A_123, %dma_wait3A_124] : memref<10240x128xf32, #tpu.memory_space<vmem_shared>> -> memref<10240x128xf32, #tpu.memory_space<vmem_shared>>
          tpu.wait_indirect_dma semaphore(%run_scoped3A : memref<!tpu.dma_semaphore, #tpu.memory_space<semaphore_mem>>) src(%arg8 : memref<128x128xf32, #tpu.memory_space<vmem>>) dst(%dma_wait3A_125 : memref<10240x128xf32, #tpu.memory_space<vmem_shared>>)
          tpu.yield
        }) : () -> ()
        %add3A_95 = arith.constant 2 : i32
        %add3A_96 = arith.addi %mul3A_80, %add3A_95 : i32
        %min3A = arith.constant 15 : i32
        %min3A_97 = arith.minsi %add3A_96, %min3A : i32
        %dma_start3A_98 = arith.constant 0 : i32
        %dma_start3A_99 = tpu.memref_slice %arg6[%min3A_97, %dma_start3A_98] : memref<16x128xi32, #tpu.memory_space<vmem>> -> memref<1x128xi32, #tpu.memory_space<vmem>>
        %dma_start3A_100 = tpu.memref_squeeze %dma_start3A_99 : memref<1x128xi32, #tpu.memory_space<vmem>> -> memref<128xi32, #tpu.memory_space<vmem>>
        %dma_start3A_101 = arith.constant 0 : i32
        %dma_start3A_102 = arith.constant 0 : i32
        %dma_start3A_103 = tpu.memref_slice %arg2[%dma_start3A_101, %dma_start3A_102] : memref<10240x128xf32, #tpu.memory_space<hbm>> -> memref<10240x128xf32, #tpu.memory_space<hbm>>
        tpu.enqueue_indirect_dma source(%dma_start3A_103 : memref<10240x128xf32, #tpu.memory_space<hbm>>) target(%arg8 : memref<128x128xf32, #tpu.memory_space<vmem>>) offsets(%dma_start3A_100 : memref<128xi32, #tpu.memory_space<vmem>>) semaphore(%arg11 : memref<!tpu.dma_semaphore, #tpu.memory_space<semaphore_mem>>)
        %add3A_104 = arith.constant 1 : i32
        %add3A_105 = arith.addi %mul3A_80, %add3A_104 : i32
        %dma_wait3A_106 = arith.constant 0 : i32
        %dma_wait3A_107 = tpu.memref_slice %arg6[%add3A_105, %dma_wait3A_106] : memref<16x128xi32, #tpu.memory_space<vmem>> -> memref<1x128xi32, #tpu.memory_space<vmem>>
        %dma_wait3A_108 = tpu.memref_squeeze %dma_wait3A_107 : memref<1x128xi32, #tpu.memory_space<vmem>> -> memref<128xi32, #tpu.memory_space<vmem>>
        %dma_wait3A_109 = arith.constant 0 : i32
        %dma_wait3A_110 = arith.constant 0 : i32
        %dma_wait3A_111 = tpu.memref_slice %arg2[%dma_wait3A_109, %dma_wait3A_110] : memref<10240x128xf32, #tpu.memory_space<hbm>> -> memref<10240x128xf32, #tpu.memory_space<hbm>>
        tpu.wait_indirect_dma semaphore(%arg12 : memref<!tpu.dma_semaphore, #tpu.memory_space<semaphore_mem>>) src(%dma_wait3A_111 : memref<10240x128xf32, #tpu.memory_space<hbm>>) dst(%arg9 : memref<128x128xf32, #tpu.memory_space<vmem>>)
        %add3A_112 = arith.constant 1 : i32
        %add3A_113 = arith.addi %mul3A_80, %add3A_112 : i32
        "tpu.region"() ({
          %run_scoped3A = tpu.sem_alloc : memref<!tpu.dma_semaphore, #tpu.memory_space<semaphore_mem>>
          %dma_start3A_114 = arith.constant 0 : i32
          %dma_start3A_115 = tpu.memref_slice %arg7[%add3A_113, %dma_start3A_114] : memref<16x128xi32, #tpu.memory_space<vmem>> -> memref<1x128xi32, #tpu.memory_space<vmem>>
          %dma_start3A_116 = tpu.memref_squeeze %dma_start3A_115 : memref<1x128xi32, #tpu.memory_space<vmem>> -> memref<128xi32, #tpu.memory_space<vmem>>
          %dma_start3A_117 = arith.constant 0 : i32
          %dma_start3A_118 = arith.constant 0 : i32
          %dma_start3A_119 = tpu.memref_slice %arg10[%dma_start3A_117, %dma_start3A_118] : memref<10240x128xf32, #tpu.memory_space<vmem_shared>> -> memref<10240x128xf32, #tpu.memory_space<vmem_shared>>
          tpu.enqueue_indirect_dma source(%arg9 : memref<128x128xf32, #tpu.memory_space<vmem>>) target(%dma_start3A_119 : memref<10240x128xf32, #tpu.memory_space<vmem_shared>>) offsets(%dma_start3A_116 : memref<128xi32, #tpu.memory_space<vmem>>) semaphore(%run_scoped3A : memref<!tpu.dma_semaphore, #tpu.memory_space<semaphore_mem>>) {add = true}
          %dma_wait3A_120 = arith.constant 0 : i32
          %dma_wait3A_121 = tpu.memref_slice %arg7[%add3A_113, %dma_wait3A_120] : memref<16x128xi32, #tpu.memory_space<vmem>> -> memref<1x128xi32, #tpu.memory_space<vmem>>
          %dma_wait3A_122 = tpu.memref_squeeze %dma_wait3A_121 : memref<1x128xi32, #tpu.memory_space<vmem>> -> memref<128xi32, #tpu.memory_space<vmem>>
          %dma_wait3A_123 = arith.constant 0 : i32
          %dma_wait3A_124 = arith.constant 0 : i32
          %dma_wait3A_125 = tpu.memref_slice %arg10[%dma_wait3A_123, %dma_wait3A_124] : memref<10240x128xf32, #tpu.memory_space<vmem_shared>> -> memref<10240x128xf32, #tpu.memory_space<vmem_shared>>
          tpu.wait_indirect_dma semaphore(%run_scoped3A : memref<!tpu.dma_semaphore, #tpu.memory_space<semaphore_mem>>) src(%arg9 : memref<128x128xf32, #tpu.memory_space<vmem>>) dst(%dma_wait3A_125 : memref<10240x128xf32, #tpu.memory_space<vmem_shared>>)
          tpu.yield
        }) : () -> ()
      }
      %scan3A_71 = arith.constant 8 : i32
      %dma_wait3A = arith.constant 0 : i32
      %dma_wait3A_72 = arith.constant 0 : i32
      %dma_wait3A_73 = tpu.memref_slice %arg6[%dma_wait3A, %dma_wait3A_72] : memref<16x128xi32, #tpu.memory_space<vmem>> -> memref<1x128xi32, #tpu.memory_space<vmem>>
      %dma_wait3A_74 = tpu.memref_squeeze %dma_wait3A_73 : memref<1x128xi32, #tpu.memory_space<vmem>> -> memref<128xi32, #tpu.memory_space<vmem>>
      %dma_wait3A_75 = arith.constant 0 : i32
      %dma_wait3A_76 = arith.constant 0 : i32
      %dma_wait3A_77 = tpu.memref_slice %arg2[%dma_wait3A_75, %dma_wait3A_76] : memref<10240x128xf32, #tpu.memory_space<hbm>> -> memref<10240x128xf32, #tpu.memory_space<hbm>>
      tpu.wait_indirect_dma semaphore(%arg11 : memref<!tpu.dma_semaphore, #tpu.memory_space<semaphore_mem>>) src(%dma_wait3A_77 : memref<10240x128xf32, #tpu.memory_space<hbm>>) dst(%arg8 : memref<128x128xf32, #tpu.memory_space<vmem>>)
    }
    %scan3A_32 = arith.constant 5 : i32
    %barrier3A_33 = arith.constant 0 : index
    tpu.barrier barrier_id(%barrier3A_33)
    %mul3A_34 = arith.constant 640 : i32
    %mul3A_35 = arith.muli %arg1, %mul3A_34 : i32
    %add3A_36 = arith.constant 0 : i32
    %add3A_37 = arith.addi %mul3A_35, %add3A_36 : i32
    "tpu.region"() ({
      %run_scoped3A = tpu.sem_alloc : memref<!tpu.dma_semaphore, #tpu.memory_space<semaphore_mem>>
      %dma_start3A = arith.constant 0 : i32
      %dma_start3A_54 = tpu.memref_slice %arg10[%add3A_37, %dma_start3A] : memref<10240x128xf32, #tpu.memory_space<vmem_shared>> -> memref<128x128xf32, #tpu.memory_space<vmem_shared>>
      %dma_start3A_55 = arith.constant 0 : i32
      %dma_start3A_56 = tpu.memref_slice %arg10[%add3A_37, %dma_start3A_55] : memref<10240x128xf32, #tpu.memory_space<vmem_shared>> -> memref<128x128xf32, #tpu.memory_space<vmem_shared>>
      tpu.enqueue_dma source(%dma_start3A_56 : memref<128x128xf32, #tpu.memory_space<vmem_shared>>) target(%arg8 : memref<128x128xf32, #tpu.memory_space<vmem>>) target_semaphore(%run_scoped3A : memref<!tpu.dma_semaphore, #tpu.memory_space<semaphore_mem>>)
      %dma_wait3A = arith.constant 0 : i32
      %dma_wait3A_57 = tpu.memref_slice %arg10[%add3A_37, %dma_wait3A] : memref<10240x128xf32, #tpu.memory_space<vmem_shared>> -> memref<128x128xf32, #tpu.memory_space<vmem_shared>>
      %dma_wait3A_58 = arith.constant 0 : i32
      %dma_wait3A_59 = tpu.memref_slice %arg10[%add3A_37, %dma_wait3A_58] : memref<10240x128xf32, #tpu.memory_space<vmem_shared>> -> memref<128x128xf32, #tpu.memory_space<vmem_shared>>
      tpu.wait_dma2 semaphore(%run_scoped3A : memref<!tpu.dma_semaphore, #tpu.memory_space<semaphore_mem>>) src(%dma_wait3A_59 : memref<128x128xf32, #tpu.memory_space<vmem_shared>>) dst(%arg8 : memref<128x128xf32, #tpu.memory_space<vmem>>)
      tpu.yield
    }) : () -> ()
    "tpu.region"() ({
      %run_scoped3A = tpu.sem_alloc : memref<!tpu.dma_semaphore, #tpu.memory_space<semaphore_mem>>
      %dma_start3A = arith.constant 0 : i32
      %dma_start3A_54 = tpu.memref_slice %arg5[%arg0, %add3A_37, %dma_start3A] : memref<2x10240x128xf32, #tpu.memory_space<hbm>> -> memref<1x128x128xf32, #tpu.memory_space<hbm>>
      %dma_start3A_55 = tpu.memref_squeeze %dma_start3A_54 : memref<1x128x128xf32, #tpu.memory_space<hbm>> -> memref<128x128xf32, #tpu.memory_space<hbm>>
      %dma_start3A_56 = arith.constant 0 : i32
      %dma_start3A_57 = tpu.memref_slice %arg5[%arg0, %add3A_37, %dma_start3A_56] : memref<2x10240x128xf32, #tpu.memory_space<hbm>> -> memref<1x128x128xf32, #tpu.memory_space<hbm>>
      %dma_start3A_58 = tpu.memref_squeeze %dma_start3A_57 : memref<1x128x128xf32, #tpu.memory_space<hbm>> -> memref<128x128xf32, #tpu.memory_space<hbm>>
      tpu.enqueue_dma source(%arg8 : memref<128x128xf32, #tpu.memory_space<vmem>>) target(%dma_start3A_58 : memref<128x128xf32, #tpu.memory_space<hbm>>) target_semaphore(%run_scoped3A : memref<!tpu.dma_semaphore, #tpu.memory_space<semaphore_mem>>)
      %dma_wait3A = arith.constant 0 : i32
      %dma_wait3A_59 = tpu.memref_slice %arg5[%arg0, %add3A_37, %dma_wait3A] : memref<2x10240x128xf32, #tpu.memory_space<hbm>> -> memref<1x128x128xf32, #tpu.memory_space<hbm>>
      %dma_wait3A_60 = tpu.memref_squeeze %dma_wait3A_59 : memref<1x128x128xf32, #tpu.memory_space<hbm>> -> memref<128x128xf32, #tpu.memory_space<hbm>>
      %dma_wait3A_61 = arith.constant 0 : i32
      %dma_wait3A_62 = tpu.memref_slice %arg5[%arg0, %add3A_37, %dma_wait3A_61] : memref<2x10240x128xf32, #tpu.memory_space<hbm>> -> memref<1x128x128xf32, #tpu.memory_space<hbm>>
      %dma_wait3A_63 = tpu.memref_squeeze %dma_wait3A_62 : memref<1x128x128xf32, #tpu.memory_space<hbm>> -> memref<128x128xf32, #tpu.memory_space<hbm>>
      tpu.wait_dma2 semaphore(%run_scoped3A : memref<!tpu.dma_semaphore, #tpu.memory_space<semaphore_mem>>) src(%arg8 : memref<128x128xf32, #tpu.memory_space<vmem>>) dst(%dma_wait3A_63 : memref<128x128xf32, #tpu.memory_space<hbm>>)
      tpu.yield
    }) : () -> ()
    %mul3A_38 = arith.constant 640 : i32
    %mul3A_39 = arith.muli %arg1, %mul3A_38 : i32
    %add3A_40 = arith.constant 128 : i32
    %add3A_41 = arith.addi %mul3A_39, %add3A_40 : i32
    "tpu.region"() ({
      %run_scoped3A = tpu.sem_alloc : memref<!tpu.dma_semaphore, #tpu.memory_space<semaphore_mem>>
      %dma_start3A = arith.constant 0 : i32
      %dma_start3A_54 = tpu.memref_slice %arg10[%add3A_41, %dma_start3A] : memref<10240x128xf32, #tpu.memory_space<vmem_shared>> -> memref<128x128xf32, #tpu.memory_space<vmem_shared>>
      %dma_start3A_55 = arith.constant 0 : i32
      %dma_start3A_56 = tpu.memref_slice %arg10[%add3A_41, %dma_start3A_55] : memref<10240x128xf32, #tpu.memory_space<vmem_shared>> -> memref<128x128xf32, #tpu.memory_space<vmem_shared>>
      tpu.enqueue_dma source(%dma_start3A_56 : memref<128x128xf32, #tpu.memory_space<vmem_shared>>) target(%arg8 : memref<128x128xf32, #tpu.memory_space<vmem>>) target_semaphore(%run_scoped3A : memref<!tpu.dma_semaphore, #tpu.memory_space<semaphore_mem>>)
      %dma_wait3A = arith.constant 0 : i32
      %dma_wait3A_57 = tpu.memref_slice %arg10[%add3A_41, %dma_wait3A] : memref<10240x128xf32, #tpu.memory_space<vmem_shared>> -> memref<128x128xf32, #tpu.memory_space<vmem_shared>>
      %dma_wait3A_58 = arith.constant 0 : i32
      %dma_wait3A_59 = tpu.memref_slice %arg10[%add3A_41, %dma_wait3A_58] : memref<10240x128xf32, #tpu.memory_space<vmem_shared>> -> memref<128x128xf32, #tpu.memory_space<vmem_shared>>
      tpu.wait_dma2 semaphore(%run_scoped3A : memref<!tpu.dma_semaphore, #tpu.memory_space<semaphore_mem>>) src(%dma_wait3A_59 : memref<128x128xf32, #tpu.memory_space<vmem_shared>>) dst(%arg8 : memref<128x128xf32, #tpu.memory_space<vmem>>)
      tpu.yield
    }) : () -> ()
    "tpu.region"() ({
      %run_scoped3A = tpu.sem_alloc : memref<!tpu.dma_semaphore, #tpu.memory_space<semaphore_mem>>
      %dma_start3A = arith.constant 0 : i32
      %dma_start3A_54 = tpu.memref_slice %arg5[%arg0, %add3A_41, %dma_start3A] : memref<2x10240x128xf32, #tpu.memory_space<hbm>> -> memref<1x128x128xf32, #tpu.memory_space<hbm>>
      %dma_start3A_55 = tpu.memref_squeeze %dma_start3A_54 : memref<1x128x128xf32, #tpu.memory_space<hbm>> -> memref<128x128xf32, #tpu.memory_space<hbm>>
      %dma_start3A_56 = arith.constant 0 : i32
      %dma_start3A_57 = tpu.memref_slice %arg5[%arg0, %add3A_41, %dma_start3A_56] : memref<2x10240x128xf32, #tpu.memory_space<hbm>> -> memref<1x128x128xf32, #tpu.memory_space<hbm>>
      %dma_start3A_58 = tpu.memref_squeeze %dma_start3A_57 : memref<1x128x128xf32, #tpu.memory_space<hbm>> -> memref<128x128xf32, #tpu.memory_space<hbm>>
      tpu.enqueue_dma source(%arg8 : memref<128x128xf32, #tpu.memory_space<vmem>>) target(%dma_start3A_58 : memref<128x128xf32, #tpu.memory_space<hbm>>) target_semaphore(%run_scoped3A : memref<!tpu.dma_semaphore, #tpu.memory_space<semaphore_mem>>)
      %dma_wait3A = arith.constant 0 : i32
      %dma_wait3A_59 = tpu.memref_slice %arg5[%arg0, %add3A_41, %dma_wait3A] : memref<2x10240x128xf32, #tpu.memory_space<hbm>> -> memref<1x128x128xf32, #tpu.memory_space<hbm>>
      %dma_wait3A_60 = tpu.memref_squeeze %dma_wait3A_59 : memref<1x128x128xf32, #tpu.memory_space<hbm>> -> memref<128x128xf32, #tpu.memory_space<hbm>>
      %dma_wait3A_61 = arith.constant 0 : i32
      %dma_wait3A_62 = tpu.memref_slice %arg5[%arg0, %add3A_41, %dma_wait3A_61] : memref<2x10240x128xf32, #tpu.memory_space<hbm>> -> memref<1x128x128xf32, #tpu.memory_space<hbm>>
      %dma_wait3A_63 = tpu.memref_squeeze %dma_wait3A_62 : memref<1x128x128xf32, #tpu.memory_space<hbm>> -> memref<128x128xf32, #tpu.memory_space<hbm>>
      tpu.wait_dma2 semaphore(%run_scoped3A : memref<!tpu.dma_semaphore, #tpu.memory_space<semaphore_mem>>) src(%arg8 : memref<128x128xf32, #tpu.memory_space<vmem>>) dst(%dma_wait3A_63 : memref<128x128xf32, #tpu.memory_space<hbm>>)
      tpu.yield
    }) : () -> ()
    %mul3A_42 = arith.constant 640 : i32
    %mul3A_43 = arith.muli %arg1, %mul3A_42 : i32
    %add3A_44 = arith.constant 256 : i32
    %add3A_45 = arith.addi %mul3A_43, %add3A_44 : i32
    "tpu.region"() ({
      %run_scoped3A = tpu.sem_alloc : memref<!tpu.dma_semaphore, #tpu.memory_space<semaphore_mem>>
      %dma_start3A = arith.constant 0 : i32
      %dma_start3A_54 = tpu.memref_slice %arg10[%add3A_45, %dma_start3A] : memref<10240x128xf32, #tpu.memory_space<vmem_shared>> -> memref<128x128xf32, #tpu.memory_space<vmem_shared>>
      %dma_start3A_55 = arith.constant 0 : i32
      %dma_start3A_56 = tpu.memref_slice %arg10[%add3A_45, %dma_start3A_55] : memref<10240x128xf32, #tpu.memory_space<vmem_shared>> -> memref<128x128xf32, #tpu.memory_space<vmem_shared>>
      tpu.enqueue_dma source(%dma_start3A_56 : memref<128x128xf32, #tpu.memory_space<vmem_shared>>) target(%arg8 : memref<128x128xf32, #tpu.memory_space<vmem>>) target_semaphore(%run_scoped3A : memref<!tpu.dma_semaphore, #tpu.memory_space<semaphore_mem>>)
      %dma_wait3A = arith.constant 0 : i32
      %dma_wait3A_57 = tpu.memref_slice %arg10[%add3A_45, %dma_wait3A] : memref<10240x128xf32, #tpu.memory_space<vmem_shared>> -> memref<128x128xf32, #tpu.memory_space<vmem_shared>>
      %dma_wait3A_58 = arith.constant 0 : i32
      %dma_wait3A_59 = tpu.memref_slice %arg10[%add3A_45, %dma_wait3A_58] : memref<10240x128xf32, #tpu.memory_space<vmem_shared>> -> memref<128x128xf32, #tpu.memory_space<vmem_shared>>
      tpu.wait_dma2 semaphore(%run_scoped3A : memref<!tpu.dma_semaphore, #tpu.memory_space<semaphore_mem>>) src(%dma_wait3A_59 : memref<128x128xf32, #tpu.memory_space<vmem_shared>>) dst(%arg8 : memref<128x128xf32, #tpu.memory_space<vmem>>)
      tpu.yield
    }) : () -> ()
    "tpu.region"() ({
      %run_scoped3A = tpu.sem_alloc : memref<!tpu.dma_semaphore, #tpu.memory_space<semaphore_mem>>
      %dma_start3A = arith.constant 0 : i32
      %dma_start3A_54 = tpu.memref_slice %arg5[%arg0, %add3A_45, %dma_start3A] : memref<2x10240x128xf32, #tpu.memory_space<hbm>> -> memref<1x128x128xf32, #tpu.memory_space<hbm>>
      %dma_start3A_55 = tpu.memref_squeeze %dma_start3A_54 : memref<1x128x128xf32, #tpu.memory_space<hbm>> -> memref<128x128xf32, #tpu.memory_space<hbm>>
      %dma_start3A_56 = arith.constant 0 : i32
      %dma_start3A_57 = tpu.memref_slice %arg5[%arg0, %add3A_45, %dma_start3A_56] : memref<2x10240x128xf32, #tpu.memory_space<hbm>> -> memref<1x128x128xf32, #tpu.memory_space<hbm>>
      %dma_start3A_58 = tpu.memref_squeeze %dma_start3A_57 : memref<1x128x128xf32, #tpu.memory_space<hbm>> -> memref<128x128xf32, #tpu.memory_space<hbm>>
      tpu.enqueue_dma source(%arg8 : memref<128x128xf32, #tpu.memory_space<vmem>>) target(%dma_start3A_58 : memref<128x128xf32, #tpu.memory_space<hbm>>) target_semaphore(%run_scoped3A : memref<!tpu.dma_semaphore, #tpu.memory_space<semaphore_mem>>)
      %dma_wait3A = arith.constant 0 : i32
      %dma_wait3A_59 = tpu.memref_slice %arg5[%arg0, %add3A_45, %dma_wait3A] : memref<2x10240x128xf32, #tpu.memory_space<hbm>> -> memref<1x128x128xf32, #tpu.memory_space<hbm>>
      %dma_wait3A_60 = tpu.memref_squeeze %dma_wait3A_59 : memref<1x128x128xf32, #tpu.memory_space<hbm>> -> memref<128x128xf32, #tpu.memory_space<hbm>>
      %dma_wait3A_61 = arith.constant 0 : i32
      %dma_wait3A_62 = tpu.memref_slice %arg5[%arg0, %add3A_45, %dma_wait3A_61] : memref<2x10240x128xf32, #tpu.memory_space<hbm>> -> memref<1x128x128xf32, #tpu.memory_space<hbm>>
      %dma_wait3A_63 = tpu.memref_squeeze %dma_wait3A_62 : memref<1x128x128xf32, #tpu.memory_space<hbm>> -> memref<128x128xf32, #tpu.memory_space<hbm>>
      tpu.wait_dma2 semaphore(%run_scoped3A : memref<!tpu.dma_semaphore, #tpu.memory_space<semaphore_mem>>) src(%arg8 : memref<128x128xf32, #tpu.memory_space<vmem>>) dst(%dma_wait3A_63 : memref<128x128xf32, #tpu.memory_space<hbm>>)
      tpu.yield
    }) : () -> ()
    %mul3A_46 = arith.constant 640 : i32
    %mul3A_47 = arith.muli %arg1, %mul3A_46 : i32
    %add3A_48 = arith.constant 384 : i32
    %add3A_49 = arith.addi %mul3A_47, %add3A_48 : i32
    "tpu.region"() ({
      %run_scoped3A = tpu.sem_alloc : memref<!tpu.dma_semaphore, #tpu.memory_space<semaphore_mem>>
      %dma_start3A = arith.constant 0 : i32
      %dma_start3A_54 = tpu.memref_slice %arg10[%add3A_49, %dma_start3A] : memref<10240x128xf32, #tpu.memory_space<vmem_shared>> -> memref<128x128xf32, #tpu.memory_space<vmem_shared>>
      %dma_start3A_55 = arith.constant 0 : i32
      %dma_start3A_56 = tpu.memref_slice %arg10[%add3A_49, %dma_start3A_55] : memref<10240x128xf32, #tpu.memory_space<vmem_shared>> -> memref<128x128xf32, #tpu.memory_space<vmem_shared>>
      tpu.enqueue_dma source(%dma_start3A_56 : memref<128x128xf32, #tpu.memory_space<vmem_shared>>) target(%arg8 : memref<128x128xf32, #tpu.memory_space<vmem>>) target_semaphore(%run_scoped3A : memref<!tpu.dma_semaphore, #tpu.memory_space<semaphore_mem>>)
      %dma_wait3A = arith.constant 0 : i32
      %dma_wait3A_57 = tpu.memref_slice %arg10[%add3A_49, %dma_wait3A] : memref<10240x128xf32, #tpu.memory_space<vmem_shared>> -> memref<128x128xf32, #tpu.memory_space<vmem_shared>>
      %dma_wait3A_58 = arith.constant 0 : i32
      %dma_wait3A_59 = tpu.memref_slice %arg10[%add3A_49, %dma_wait3A_58] : memref<10240x128xf32, #tpu.memory_space<vmem_shared>> -> memref<128x128xf32, #tpu.memory_space<vmem_shared>>
      tpu.wait_dma2 semaphore(%run_scoped3A : memref<!tpu.dma_semaphore, #tpu.memory_space<semaphore_mem>>) src(%dma_wait3A_59 : memref<128x128xf32, #tpu.memory_space<vmem_shared>>) dst(%arg8 : memref<128x128xf32, #tpu.memory_space<vmem>>)
      tpu.yield
    }) : () -> ()
    "tpu.region"() ({
      %run_scoped3A = tpu.sem_alloc : memref<!tpu.dma_semaphore, #tpu.memory_space<semaphore_mem>>
      %dma_start3A = arith.constant 0 : i32
      %dma_start3A_54 = tpu.memref_slice %arg5[%arg0, %add3A_49, %dma_start3A] : memref<2x10240x128xf32, #tpu.memory_space<hbm>> -> memref<1x128x128xf32, #tpu.memory_space<hbm>>
      %dma_start3A_55 = tpu.memref_squeeze %dma_start3A_54 : memref<1x128x128xf32, #tpu.memory_space<hbm>> -> memref<128x128xf32, #tpu.memory_space<hbm>>
      %dma_start3A_56 = arith.constant 0 : i32
      %dma_start3A_57 = tpu.memref_slice %arg5[%arg0, %add3A_49, %dma_start3A_56] : memref<2x10240x128xf32, #tpu.memory_space<hbm>> -> memref<1x128x128xf32, #tpu.memory_space<hbm>>
      %dma_start3A_58 = tpu.memref_squeeze %dma_start3A_57 : memref<1x128x128xf32, #tpu.memory_space<hbm>> -> memref<128x128xf32, #tpu.memory_space<hbm>>
      tpu.enqueue_dma source(%arg8 : memref<128x128xf32, #tpu.memory_space<vmem>>) target(%dma_start3A_58 : memref<128x128xf32, #tpu.memory_space<hbm>>) target_semaphore(%run_scoped3A : memref<!tpu.dma_semaphore, #tpu.memory_space<semaphore_mem>>)
      %dma_wait3A = arith.constant 0 : i32
      %dma_wait3A_59 = tpu.memref_slice %arg5[%arg0, %add3A_49, %dma_wait3A] : memref<2x10240x128xf32, #tpu.memory_space<hbm>> -> memref<1x128x128xf32, #tpu.memory_space<hbm>>
      %dma_wait3A_60 = tpu.memref_squeeze %dma_wait3A_59 : memref<1x128x128xf32, #tpu.memory_space<hbm>> -> memref<128x128xf32, #tpu.memory_space<hbm>>
      %dma_wait3A_61 = arith.constant 0 : i32
      %dma_wait3A_62 = tpu.memref_slice %arg5[%arg0, %add3A_49, %dma_wait3A_61] : memref<2x10240x128xf32, #tpu.memory_space<hbm>> -> memref<1x128x128xf32, #tpu.memory_space<hbm>>
      %dma_wait3A_63 = tpu.memref_squeeze %dma_wait3A_62 : memref<1x128x128xf32, #tpu.memory_space<hbm>> -> memref<128x128xf32, #tpu.memory_space<hbm>>
      tpu.wait_dma2 semaphore(%run_scoped3A : memref<!tpu.dma_semaphore, #tpu.memory_space<semaphore_mem>>) src(%arg8 : memref<128x128xf32, #tpu.memory_space<vmem>>) dst(%dma_wait3A_63 : memref<128x128xf32, #tpu.memory_space<hbm>>)
      tpu.yield
    }) : () -> ()
    %mul3A_50 = arith.constant 640 : i32
    %mul3A_51 = arith.muli %arg1, %mul3A_50 : i32
    %add3A_52 = arith.constant 512 : i32
    %add3A_53 = arith.addi %mul3A_51, %add3A_52 : i32
    "tpu.region"() ({
      %run_scoped3A = tpu.sem_alloc : memref<!tpu.dma_semaphore, #tpu.memory_space<semaphore_mem>>
      %dma_start3A = arith.constant 0 : i32
      %dma_start3A_54 = tpu.memref_slice %arg10[%add3A_53, %dma_start3A] : memref<10240x128xf32, #tpu.memory_space<vmem_shared>> -> memref<128x128xf32, #tpu.memory_space<vmem_shared>>
      %dma_start3A_55 = arith.constant 0 : i32
      %dma_start3A_56 = tpu.memref_slice %arg10[%add3A_53, %dma_start3A_55] : memref<10240x128xf32, #tpu.memory_space<vmem_shared>> -> memref<128x128xf32, #tpu.memory_space<vmem_shared>>
      tpu.enqueue_dma source(%dma_start3A_56 : memref<128x128xf32, #tpu.memory_space<vmem_shared>>) target(%arg8 : memref<128x128xf32, #tpu.memory_space<vmem>>) target_semaphore(%run_scoped3A : memref<!tpu.dma_semaphore, #tpu.memory_space<semaphore_mem>>)
      %dma_wait3A = arith.constant 0 : i32
      %dma_wait3A_57 = tpu.memref_slice %arg10[%add3A_53, %dma_wait3A] : memref<10240x128xf32, #tpu.memory_space<vmem_shared>> -> memref<128x128xf32, #tpu.memory_space<vmem_shared>>
      %dma_wait3A_58 = arith.constant 0 : i32
      %dma_wait3A_59 = tpu.memref_slice %arg10[%add3A_53, %dma_wait3A_58] : memref<10240x128xf32, #tpu.memory_space<vmem_shared>> -> memref<128x128xf32, #tpu.memory_space<vmem_shared>>
      tpu.wait_dma2 semaphore(%run_scoped3A : memref<!tpu.dma_semaphore, #tpu.memory_space<semaphore_mem>>) src(%dma_wait3A_59 : memref<128x128xf32, #tpu.memory_space<vmem_shared>>) dst(%arg8 : memref<128x128xf32, #tpu.memory_space<vmem>>)
      tpu.yield
    }) : () -> ()
    "tpu.region"() ({
      %run_scoped3A = tpu.sem_alloc : memref<!tpu.dma_semaphore, #tpu.memory_space<semaphore_mem>>
      %dma_start3A = arith.constant 0 : i32
      %dma_start3A_54 = tpu.memref_slice %arg5[%arg0, %add3A_53, %dma_start3A] : memref<2x10240x128xf32, #tpu.memory_space<hbm>> -> memref<1x128x128xf32, #tpu.memory_space<hbm>>
      %dma_start3A_55 = tpu.memref_squeeze %dma_start3A_54 : memref<1x128x128xf32, #tpu.memory_space<hbm>> -> memref<128x128xf32, #tpu.memory_space<hbm>>
      %dma_start3A_56 = arith.constant 0 : i32
      %dma_start3A_57 = tpu.memref_slice %arg5[%arg0, %add3A_53, %dma_start3A_56] : memref<2x10240x128xf32, #tpu.memory_space<hbm>> -> memref<1x128x128xf32, #tpu.memory_space<hbm>>
      %dma_start3A_58 = tpu.memref_squeeze %dma_start3A_57 : memref<1x128x128xf32, #tpu.memory_space<hbm>> -> memref<128x128xf32, #tpu.memory_space<hbm>>
      tpu.enqueue_dma source(%arg8 : memref<128x128xf32, #tpu.memory_space<vmem>>) target(%dma_start3A_58 : memref<128x128xf32, #tpu.memory_space<hbm>>) target_semaphore(%run_scoped3A : memref<!tpu.dma_semaphore, #tpu.memory_space<semaphore_mem>>)
      %dma_wait3A = arith.constant 0 : i32
      %dma_wait3A_59 = tpu.memref_slice %arg5[%arg0, %add3A_53, %dma_wait3A] : memref<2x10240x128xf32, #tpu.memory_space<hbm>> -> memref<1x128x128xf32, #tpu.memory_space<hbm>>
      %dma_wait3A_60 = tpu.memref_squeeze %dma_wait3A_59 : memref<1x128x128xf32, #tpu.memory_space<hbm>> -> memref<128x128xf32, #tpu.memory_space<hbm>>
      %dma_wait3A_61 = arith.constant 0 : i32
      %dma_wait3A_62 = tpu.memref_slice %arg5[%arg0, %add3A_53, %dma_wait3A_61] : memref<2x10240x128xf32, #tpu.memory_space<hbm>> -> memref<1x128x128xf32, #tpu.memory_space<hbm>>
      %dma_wait3A_63 = tpu.memref_squeeze %dma_wait3A_62 : memref<1x128x128xf32, #tpu.memory_space<hbm>> -> memref<128x128xf32, #tpu.memory_space<hbm>>
      tpu.wait_dma2 semaphore(%run_scoped3A : memref<!tpu.dma_semaphore, #tpu.memory_space<semaphore_mem>>) src(%arg8 : memref<128x128xf32, #tpu.memory_space<vmem>>) dst(%dma_wait3A_63 : memref<128x128xf32, #tpu.memory_space<hbm>>)
      tpu.yield
    }) : () -> ()
    return
  }
}

module attributes {stable_mosaic.version = 14 : i64} {
  func.func @_tc_b_body(%arg0: i32, %arg1: memref<1280x1xf32, #tpu.memory_space<vmem>>, %arg2: memref<1280x1xf32, #tpu.memory_space<vmem>>, %arg3: memref<1280x128xf32, #tpu.memory_space<vmem>>, %arg4: memref<128x128xf32, #tpu.memory_space<vmem>>, %arg5: memref<1280x128xf32, #tpu.memory_space<vmem>>) attributes {dimension_semantics = [#tpu.dimension_semantics<arbitrary>], iteration_bounds = array<i64: 8>, scalar_prefetch = 0 : i64, scratch_operands = 0 : i64, tpu.core_type = #tpu.core_type<tc>, window_params = [{transform_indices = @transform_0, window_bounds = array<i64: 1280, 1>}, {transform_indices = @transform_1, window_bounds = array<i64: 1280, 1>}, {transform_indices = @transform_2, window_bounds = array<i64: 1280, 128>}, {pipeline_mode = #tpu.pipeline_mode<synchronous>, transform_indices = @transform_3, window_bounds = array<i64: 128, 128>}, {transform_indices = @transform_4, window_bounds = array<i64: 1280, 128>}]} {
    %get3A = arith.constant 0 : index
    %get3A_0 = arith.constant 0 : index
    %get3A_1 = vector.load %arg1[%get3A, %get3A_0] : memref<1280x1xf32, #tpu.memory_space<vmem>>, vector<1280x1xf32>
    %get3A_2 = arith.constant 0 : index
    %get3A_3 = arith.constant 0 : index
    %get3A_4 = vector.load %arg2[%get3A_2, %get3A_3] : memref<1280x1xf32, #tpu.memory_space<vmem>>, vector<1280x1xf32>
    %add3A = arith.addf %get3A_1, %get3A_4 : vector<1280x1xf32>
    %add3A_5 = arith.constant 1.000000e+00 : f32
    %add3A_6 = vector.broadcast %add3A_5 : f32 to vector<1280x1xf32>
    %add3A_7 = arith.addf %add3A, %add3A_6 : vector<1280x1xf32>
    %rsqrt3A = math.rsqrt %add3A_7 : vector<1280x1xf32>
    %get3A_8 = arith.constant 0 : index
    %get3A_9 = arith.constant 0 : index
    %get3A_10 = vector.load %arg3[%get3A_8, %get3A_9] : memref<1280x128xf32, #tpu.memory_space<vmem>>, vector<1280x128xf32>
    %get3A_11 = arith.constant 0 : index
    %get3A_12 = arith.constant 0 : index
    %get3A_13 = vector.load %arg4[%get3A_11, %get3A_12] : memref<128x128xf32, #tpu.memory_space<vmem>>, vector<128x128xf32>
    %dot_general3A = arith.constant dense<0.000000e+00> : vector<1280x128xf32>
    %dot_general3A_14 = tpu.matmul %get3A_10, %get3A_13, %dot_general3A {dimension_numbers = #tpu.dot_dimension_numbers<[1], [0], [0], [1], [0, 0, 1, 1], [], []>, transpose_lhs_hint = false} : vector<1280x128xf32>, vector<128x128xf32>, vector<1280x128xf32> -> vector<1280x128xf32>
    %mul3A = vector.broadcast %rsqrt3A : vector<1280x1xf32> to vector<1280x128xf32>
    %mul3A_15 = arith.mulf %mul3A, %dot_general3A_14 : vector<1280x128xf32>
    %swap3A = arith.constant 0 : index
    %swap3A_16 = arith.constant 0 : index
    %swap3A_17 = vector.load %arg5[%swap3A, %swap3A_16] : memref<1280x128xf32, #tpu.memory_space<vmem>>, vector<1280x128xf32>
    tpu.vector_store %arg5[%swap3A, %swap3A_16], %mul3A_15 {strides = array<i32>} : memref<1280x128xf32, #tpu.memory_space<vmem>>, vector<1280x128xf32>,
    return
  }
  func.func @transform_0(%arg0: i32) -> (i32, i32) {
    %c0_i32 = arith.constant 0 : i32
    %c0_i32_0 = arith.constant 0 : i32
    return %arg0, %c0_i32 : i32, i32
  }
  func.func @transform_1(%arg0: i32) -> (i32, i32) {
    %c0_i32 = arith.constant 0 : i32
    %c0_i32_0 = arith.constant 0 : i32
    return %arg0, %c0_i32 : i32, i32
  }
  func.func @transform_2(%arg0: i32) -> (i32, i32) {
    %c0_i32 = arith.constant 0 : i32
    %c0_i32_0 = arith.constant 0 : i32
    return %arg0, %c0_i32 : i32, i32
  }
  func.func @transform_3(%arg0: i32) -> (i32, i32) {
    %c0_i32 = arith.constant 0 : i32
    %c0_i32_0 = arith.constant 0 : i32
    %c0_i32_1 = arith.constant 0 : i32
    return %c0_i32, %c0_i32_0 : i32, i32
  }
  func.func @transform_4(%arg0: i32) -> (i32, i32) {
    %c0_i32 = arith.constant 0 : i32
    %c0_i32_0 = arith.constant 0 : i32
    return %arg0, %c0_i32 : i32, i32
  }
}

module attributes {stable_mosaic.version = 14 : i64} {
  func.func @_tc_d_body(%arg0: i32, %arg1: memref<1280x1xf32, #tpu.memory_space<vmem>>, %arg2: memref<1280x1xf32, #tpu.memory_space<vmem>>, %arg3: memref<1280x128xf32, #tpu.memory_space<vmem>>, %arg4: memref<1280x128xf32, #tpu.memory_space<vmem>>, %arg5: memref<1280x128xf32, #tpu.memory_space<vmem>>, %arg6: memref<1x128xf32, #tpu.memory_space<vmem>>, %arg7: memref<128x64xf32, #tpu.memory_space<vmem>>, %arg8: memref<1280x128xf32, #tpu.memory_space<vmem>>) attributes {dimension_semantics = [#tpu.dimension_semantics<arbitrary>], iteration_bounds = array<i64: 8>, scalar_prefetch = 0 : i64, scratch_operands = 0 : i64, tpu.core_type = #tpu.core_type<tc>, window_params = [{transform_indices = @transform_0, window_bounds = array<i64: 1280, 1>}, {transform_indices = @transform_1, window_bounds = array<i64: 1280, 1>}, {transform_indices = @transform_2, window_bounds = array<i64: 1280, 128>}, {transform_indices = @transform_3, window_bounds = array<i64: 1280, 128>}, {transform_indices = @transform_4, window_bounds = array<i64: 1280, 128>}, {pipeline_mode = #tpu.pipeline_mode<synchronous>, transform_indices = @transform_5, window_bounds = array<i64: 1, 128>}, {pipeline_mode = #tpu.pipeline_mode<synchronous>, transform_indices = @transform_6, window_bounds = array<i64: 128, 64>}, {transform_indices = @transform_7, window_bounds = array<i64: 1280, 128>}]} {
    %get3A = arith.constant 0 : index
    %get3A_0 = arith.constant 0 : index
    %get3A_1 = vector.load %arg1[%get3A, %get3A_0] : memref<1280x1xf32, #tpu.memory_space<vmem>>, vector<1280x1xf32>
    %get3A_2 = arith.constant 0 : index
    %get3A_3 = arith.constant 0 : index
    %get3A_4 = vector.load %arg2[%get3A_2, %get3A_3] : memref<1280x1xf32, #tpu.memory_space<vmem>>, vector<1280x1xf32>
    %add3A = arith.addf %get3A_1, %get3A_4 : vector<1280x1xf32>
    %add3A_5 = arith.constant 1.000000e+00 : f32
    %add3A_6 = vector.broadcast %add3A_5 : f32 to vector<1280x1xf32>
    %add3A_7 = arith.addf %add3A, %add3A_6 : vector<1280x1xf32>
    %rsqrt3A = math.rsqrt %add3A_7 : vector<1280x1xf32>
    %get3A_8 = arith.constant 0 : index
    %get3A_9 = arith.constant 0 : index
    %get3A_10 = vector.load %arg3[%get3A_8, %get3A_9] : memref<1280x128xf32, #tpu.memory_space<vmem>>, vector<1280x128xf32>
    %get3A_11 = arith.constant 0 : index
    %get3A_12 = arith.constant 0 : index
    %get3A_13 = vector.load %arg4[%get3A_11, %get3A_12] : memref<1280x128xf32, #tpu.memory_space<vmem>>, vector<1280x128xf32>
    %add3A_14 = arith.addf %get3A_10, %get3A_13 : vector<1280x128xf32>
    %get3A_15 = arith.constant 0 : index
    %get3A_16 = arith.constant 0 : index
    %get3A_17 = vector.load %arg5[%get3A_15, %get3A_16] : memref<1280x128xf32, #tpu.memory_space<vmem>>, vector<1280x128xf32>
    %add3A_18 = arith.addf %add3A_14, %get3A_17 : vector<1280x128xf32>
    %mul3A = vector.broadcast %rsqrt3A : vector<1280x1xf32> to vector<1280x128xf32>
    %mul3A_19 = arith.mulf %mul3A, %add3A_18 : vector<1280x128xf32>
    %get3A_20 = arith.constant 0 : index
    %get3A_21 = arith.constant 0 : index
    %get3A_22 = vector.load %arg6[%get3A_20, %get3A_21] : memref<1x128xf32, #tpu.memory_space<vmem>>, vector<1x128xf32>
    %add3A_23 = vector.broadcast %get3A_22 : vector<1x128xf32> to vector<1280x128xf32>
    %add3A_24 = arith.addf %mul3A_19, %add3A_23 : vector<1280x128xf32>
    %max3A = arith.constant 0.000000e+00 : f32
    %max3A_25 = vector.broadcast %max3A : f32 to vector<1280x128xf32>
    %max3A_26 = arith.maximumf %add3A_24, %max3A_25 : vector<1280x128xf32>
    %get3A_27 = arith.constant 0 : index
    %get3A_28 = arith.constant 0 : index
    %get3A_29 = vector.load %arg7[%get3A_27, %get3A_28] : memref<128x64xf32, #tpu.memory_space<vmem>>, vector<128x64xf32>
    %dot_general3A = arith.constant dense<0.000000e+00> : vector<1280x64xf32>
    %dot_general3A_30 = tpu.matmul %max3A_26, %get3A_29, %dot_general3A {dimension_numbers = #tpu.dot_dimension_numbers<[1], [0], [0], [1], [0, 0, 1, 1], [], []>, transpose_lhs_hint = false} : vector<1280x128xf32>, vector<128x64xf32>, vector<1280x64xf32> -> vector<1280x64xf32>
    %mul3A_31 = vector.broadcast %rsqrt3A : vector<1280x1xf32> to vector<1280x64xf32>
    %mul3A_32 = arith.mulf %mul3A_31, %dot_general3A_30 : vector<1280x64xf32>
    %broadcast_in_dim3A = arith.constant 0.000000e+00 : f32
    %broadcast_in_dim3A_33 = vector.broadcast %broadcast_in_dim3A : f32 to vector<1280x64xf32>
    %concatenate3A = tpu.concatenate %mul3A_32, %broadcast_in_dim3A_33 in 1 : vector<1280x64xf32>, vector<1280x64xf32> -> vector<1280x128xf32>
    %swap3A = arith.constant 0 : index
    %swap3A_34 = arith.constant 0 : index
    %swap3A_35 = vector.load %arg8[%swap3A, %swap3A_34] : memref<1280x128xf32, #tpu.memory_space<vmem>>, vector<1280x128xf32>
    tpu.vector_store %arg8[%swap3A, %swap3A_34], %concatenate3A {strides = array<i32>} : memref<1280x128xf32, #tpu.memory_space<vmem>>, vector<1280x128xf32>,
    return
  }
  func.func @transform_0(%arg0: i32) -> (i32, i32) {
    %c0_i32 = arith.constant 0 : i32
    %c0_i32_0 = arith.constant 0 : i32
    return %arg0, %c0_i32 : i32, i32
  }
  func.func @transform_1(%arg0: i32) -> (i32, i32) {
    %c0_i32 = arith.constant 0 : i32
    %c0_i32_0 = arith.constant 0 : i32
    return %arg0, %c0_i32 : i32, i32
  }
  func.func @transform_2(%arg0: i32) -> (i32, i32) {
    %c0_i32 = arith.constant 0 : i32
    %c0_i32_0 = arith.constant 0 : i32
    return %arg0, %c0_i32 : i32, i32
  }
  func.func @transform_3(%arg0: i32) -> (i32, i32) {
    %c0_i32 = arith.constant 0 : i32
    %c0_i32_0 = arith.constant 0 : i32
    return %arg0, %c0_i32 : i32, i32
  }
  func.func @transform_4(%arg0: i32) -> (i32, i32) {
    %c0_i32 = arith.constant 0 : i32
    %c0_i32_0 = arith.constant 0 : i32
    return %arg0, %c0_i32 : i32, i32
  }
  func.func @transform_5(%arg0: i32) -> (i32, i32) {
    %c0_i32 = arith.constant 0 : i32
    %c0_i32_0 = arith.constant 0 : i32
    %c0_i32_1 = arith.constant 0 : i32
    return %c0_i32, %c0_i32_0 : i32, i32
  }
  func.func @transform_6(%arg0: i32) -> (i32, i32) {
    %c0_i32 = arith.constant 0 : i32
    %c0_i32_0 = arith.constant 0 : i32
    %c0_i32_1 = arith.constant 0 : i32
    return %c0_i32, %c0_i32_0 : i32, i32
  }
  func.func @transform_7(%arg0: i32) -> (i32, i32) {
    %c0_i32 = arith.constant 0 : i32
    %c0_i32_0 = arith.constant 0 : i32
    return %arg0, %c0_i32 : i32, i32
  }
}

module attributes {stable_mosaic.version = 14 : i64} {
  func.func @_tc_f_body(%arg0: i32, %arg1: memref<1280x1xf32, #tpu.memory_space<vmem>>, %arg2: memref<1280x1xf32, #tpu.memory_space<vmem>>, %arg3: memref<1280x128xf32, #tpu.memory_space<vmem>>, %arg4: memref<1280x128xf32, #tpu.memory_space<vmem>>, %arg5: memref<1280x128xf32, #tpu.memory_space<vmem>>, %arg6: memref<1x64xf32, #tpu.memory_space<vmem>>, %arg7: memref<1280x64xf32, #tpu.memory_space<vmem>>) attributes {dimension_semantics = [#tpu.dimension_semantics<arbitrary>], iteration_bounds = array<i64: 8>, scalar_prefetch = 0 : i64, scratch_operands = 0 : i64, tpu.core_type = #tpu.core_type<tc>, window_params = [{transform_indices = @transform_0, window_bounds = array<i64: 1280, 1>}, {transform_indices = @transform_1, window_bounds = array<i64: 1280, 1>}, {transform_indices = @transform_2, window_bounds = array<i64: 1280, 128>}, {transform_indices = @transform_3, window_bounds = array<i64: 1280, 128>}, {transform_indices = @transform_4, window_bounds = array<i64: 1280, 128>}, {pipeline_mode = #tpu.pipeline_mode<synchronous>, transform_indices = @transform_5, window_bounds = array<i64: 1, 64>}, {transform_indices = @transform_6, window_bounds = array<i64: 1280, 64>}]} {
    %get3A = arith.constant 0 : index
    %get3A_0 = arith.constant 0 : index
    %get3A_1 = vector.load %arg1[%get3A, %get3A_0] : memref<1280x1xf32, #tpu.memory_space<vmem>>, vector<1280x1xf32>
    %get3A_2 = arith.constant 0 : index
    %get3A_3 = arith.constant 0 : index
    %get3A_4 = vector.load %arg2[%get3A_2, %get3A_3] : memref<1280x1xf32, #tpu.memory_space<vmem>>, vector<1280x1xf32>
    %add3A = arith.addf %get3A_1, %get3A_4 : vector<1280x1xf32>
    %add3A_5 = arith.constant 1.000000e+00 : f32
    %add3A_6 = vector.broadcast %add3A_5 : f32 to vector<1280x1xf32>
    %add3A_7 = arith.addf %add3A, %add3A_6 : vector<1280x1xf32>
    %rsqrt3A = math.rsqrt %add3A_7 : vector<1280x1xf32>
    %get3A_8 = arith.constant 0 : index
    %get3A_9 = arith.constant 0 : index
    %get3A_10 = vector.load %arg3[%get3A_8, %get3A_9] : memref<1280x128xf32, #tpu.memory_space<vmem>>, vector<1280x128xf32>
    %get3A_11 = arith.constant 0 : index
    %get3A_12 = arith.constant 0 : index
    %get3A_13 = vector.load %arg4[%get3A_11, %get3A_12] : memref<1280x128xf32, #tpu.memory_space<vmem>>, vector<1280x128xf32>
    %add3A_14 = arith.addf %get3A_10, %get3A_13 : vector<1280x128xf32>
    %get3A_15 = arith.constant 0 : index
    %get3A_16 = arith.constant 0 : index
    %get3A_17 = vector.load %arg5[%get3A_15, %get3A_16] : memref<1280x128xf32, #tpu.memory_space<vmem>>, vector<1280x128xf32>
    %add3A_18 = arith.addf %add3A_14, %get3A_17 : vector<1280x128xf32>
    %mul3A = vector.broadcast %rsqrt3A : vector<1280x1xf32> to vector<1280x128xf32>
    %mul3A_19 = arith.mulf %mul3A, %add3A_18 : vector<1280x128xf32>
    %slice3A = vector.extract_strided_slice %mul3A_19 {offsets = [0, 0], sizes = [1280, 64], strides = [1, 1]} : vector<1280x128xf32> to vector<1280x64xf32>
    %get3A_20 = arith.constant 0 : index
    %get3A_21 = arith.constant 0 : index
    %get3A_22 = vector.load %arg6[%get3A_20, %get3A_21] : memref<1x64xf32, #tpu.memory_space<vmem>>, vector<1x64xf32>
    %add3A_23 = vector.broadcast %get3A_22 : vector<1x64xf32> to vector<1280x64xf32>
    %add3A_24 = arith.addf %slice3A, %add3A_23 : vector<1280x64xf32>
    %reduce_max3A = arith.constant dense<0xFF800000> : vector<1280xf32>
    %reduce_max3A_25 = vector.multi_reduction <maximumf>, %add3A_24, %reduce_max3A [1] : vector<1280x64xf32> to vector<1280xf32>
    %broadcast_in_dim3A = vector.shape_cast %reduce_max3A_25 : vector<1280xf32> to vector<1280x1xf32>
    %sub3A = vector.broadcast %broadcast_in_dim3A : vector<1280x1xf32> to vector<1280x64xf32>
    %sub3A_26 = arith.subf %add3A_24, %sub3A : vector<1280x64xf32>
    %exp3A = math.exp %sub3A_26 : vector<1280x64xf32>
    %sub3A_27 = vector.broadcast %broadcast_in_dim3A : vector<1280x1xf32> to vector<1280x64xf32>
    %sub3A_28 = arith.subf %add3A_24, %sub3A_27 : vector<1280x64xf32>
    %reduce_sum3A = arith.constant dense<0.000000e+00> : vector<1280xf32>
    %reduce_sum3A_29 = vector.multi_reduction <add>, %exp3A, %reduce_sum3A [1] : vector<1280x64xf32> to vector<1280xf32>
    %broadcast_in_dim3A_30 = vector.shape_cast %reduce_sum3A_29 : vector<1280xf32> to vector<1280x1xf32>
    %log3A = math.log %broadcast_in_dim3A_30 : vector<1280x1xf32>
    %sub3A_31 = vector.broadcast %log3A : vector<1280x1xf32> to vector<1280x64xf32>
    %sub3A_32 = arith.subf %sub3A_28, %sub3A_31 : vector<1280x64xf32>
    %swap3A = arith.constant 0 : index
    %swap3A_33 = arith.constant 0 : index
    %swap3A_34 = vector.load %arg7[%swap3A, %swap3A_33] : memref<1280x64xf32, #tpu.memory_space<vmem>>, vector<1280x64xf32>
    tpu.vector_store %arg7[%swap3A, %swap3A_33], %sub3A_32 {strides = array<i32>} : memref<1280x64xf32, #tpu.memory_space<vmem>>, vector<1280x64xf32>,
    return
  }
  func.func @transform_0(%arg0: i32) -> (i32, i32) {
    %c0_i32 = arith.constant 0 : i32
    %c0_i32_0 = arith.constant 0 : i32
    return %arg0, %c0_i32 : i32, i32
  }
  func.func @transform_1(%arg0: i32) -> (i32, i32) {
    %c0_i32 = arith.constant 0 : i32
    %c0_i32_0 = arith.constant 0 : i32
    return %arg0, %c0_i32 : i32, i32
  }
  func.func @transform_2(%arg0: i32) -> (i32, i32) {
    %c0_i32 = arith.constant 0 : i32
    %c0_i32_0 = arith.constant 0 : i32
    return %arg0, %c0_i32 : i32, i32
  }
  func.func @transform_3(%arg0: i32) -> (i32, i32) {
    %c0_i32 = arith.constant 0 : i32
    %c0_i32_0 = arith.constant 0 : i32
    return %arg0, %c0_i32 : i32, i32
  }
  func.func @transform_4(%arg0: i32) -> (i32, i32) {
    %c0_i32 = arith.constant 0 : i32
    %c0_i32_0 = arith.constant 0 : i32
    return %arg0, %c0_i32 : i32, i32
  }
  func.func @transform_5(%arg0: i32) -> (i32, i32) {
    %c0_i32 = arith.constant 0 : i32
    %c0_i32_0 = arith.constant 0 : i32
    %c0_i32_1 = arith.constant 0 : i32
    return %c0_i32, %c0_i32_0 : i32, i32
  }
  func.func @transform_6(%arg0: i32) -> (i32, i32) {
    %c0_i32 = arith.constant 0 : i32
    %c0_i32_0 = arith.constant 0 : i32
    return %arg0, %c0_i32 : i32, i32
  }
}

</mosaic_0001>

<sc_bundles>
// kernel: kernel.11.cloned.1.call-start
scs
__scs_entry_jumppad:
0x0: {  	(pc) =	sbr.rel $0x88, $3  }
0x1: {  	(tag) =	ssettag $0x0;
	lr =	simm.s32 $0x1  }
0x2: {  	[smem:$0x3F9B] =	sst lr;
	_ =	strace $0xD0000000  }
0x3: {  	_ = 	snop  }
0x4: {  	_ = 	snop  }
0x5: {  	_ = 	snop  }
0x6: {  	_ = 	snop  }
0x7: {  	_ = 	snop  }
__scs_overlays_trampoline_lowered:
0x8: {  	[smem:$0x3FAA] =	sst s0  }
0x9: {  	[smem:$0x3FAB] =	sst s1  }
0xa: {  	[smem:$0x3FAC] =	sst s2  }
0xb: {  	[smem:$0x3FAD] =	sst s3  }
0xc: {  	[smem:$0x3FAE] =	sst s4  }
0xd: {  	[smem:$0x3FAF] =	sst s5  }
0xe: {  	[smem:$0x3FB0] =	sst s6  }
0xf: {  	[smem:$0x3FB1] =	sst s7  }
0x10: {  	[smem:$0x3FB2] =	sst s8  }
0x11: {  	[smem:$0x3FB3] =	sst s9;
	s0 =	simm.s32 @!p0 $0x0  }
0x12: {  	s1 =	sld [smem:$0x3F99];
	s0 =	simm.s32 @p0 $0x1  }
0x13: {  	[smem:$0x3FB4] =	sst s0;
	s0 =	simm.s32 @!p1 $0x0  }
0x14: {  	s2 =	sld [smem:$0x3F98];
	s0 =	simm.s32 @p1 $0x1  }
0x15: {  	[smem:$0x3FB5] =	sst s0;
	s0 =	simm.s32 @!p2 $0x0  }
0x16: {  	s3 =	sld [smem:$0x3FDB];
	s0 =	simm.s32 @p2 $0x1  }
0x17: {  	s4 =	simm.s32 $0x1BF5;
	[smem:$0x3FB7] =	sst s0  }
0x18: {  	s0 =	sld [smem:$0x3F9A];
	_ =	swait.ge [sflag:s4], $0x0  }
0x19: {  	s7 =	sld [smem:$0x3F9B]  }
0x1a: {  	s8 =	sadd.s32 $0xFFFFE003, lr  }
0x1b: {  	s9 =	sadd.s32 $0xFFFFFEF7, lr;
	s5 =	simm.s32 $0xFFFFFFFF;
	p2 =	slt.u32 s8, $0xFFFFF086  }
0x1c: {  	p1 =	slt.u32 s9, $0xF7A;
	s5 =	simm.s32 @!p2 $0x0  }
0x1d: {  	s5 =	simm.s32 @p1 $0x1;
	p0 =	seq.s32 s7, s2  }
0x1e: {  	s7 =	smul.u32 @!p0 $0xF7A, s2;
	p2 =	seq.s32 @!p0 s5, $0x0  }
0x1f: {  	s9 =	smul.u32 $0xF7A, s1;
	s8 =	simm.s32 @!p0 $0x1BF5;
	p2 =	por !p2, p0  }
0x20: {  	[sflag:s8] =	ssyncset.s32 @!p0 $0xFFFFF086;
	s6 =	sadd.s32 @!p0 s3, s7;
	s7 =	simm.s32 @!p0 $0x108  }
0x21: {  	s3 =	sadd.s32 s3, s9;
	s6 =	sadd.s32 @!p0 $0x88, s6;
	s7 =	simm.s32 @p2 $0x1082  }
0x22: {  	[simem:s7], [sflag:s8] =	dma.local @!p0 [hbm:s6], $0xF7A  }
0x23: {  	s9 =	sor.u32 $0xD0000000, s2;
	s6 =	simm.s32 $0x108;
	_ =	swait.ge @!p0 [sflag:s8], $0x0  }
0x24: {  	s3 =	sadd.s32 $0x88, s3;
	s6 =	simm.s32 @!p1 $0x1082;
	[sflag:s4] =	ssyncset.s32 $0xFFFFF086  }
0x25: {  	[simem:s6], [sflag:s4] =	dma.local [hbm:s3], $0xF7A  }
0x26: {  	[smem:$0x3F9B] =	sst s1;
	(tag) =	ssettag s2;
	_ =	strace s9  }
0x27: {  	s1 =	sld [smem:$0x3FAB]  }
0x28: {  	s2 =	sld [smem:$0x3FAC]  }
0x29: {  	s4 =	sld [smem:$0x3FAE]  }
0x2a: {  	p0 =	seq.s32 s5, $0x0;
	s5 =	sld [smem:$0x3FAF]  }
0x2b: {  	s6 =	sld [smem:$0x3FB0]  }
0x2c: {  	s7 =	sld [smem:$0x3FB1]  }
0x2d: {  	s3 =	simm.s32 $0x108;
	s8 =	sld [smem:$0x3FB2]  }
0x2e: {  	s3 =	simm.s32 @!p0 $0x1082;
	s9 =	sld [smem:$0x3FB3]  }
0x2f: {  	lr =	sadd.s32 s0, s3;
	s0 =	sld [smem:$0x3FAA]  }
0x30: {  	s3 =	sld [smem:$0x3FAD]  }
0x31: {  	[smem:$0x3FB6] =	sst s10  }
0x32: {  	s10 =	sld [smem:$0x3FB4];
	_ =	sdelay $0x3  }
0x33: {  	p0 =	seq.s32 s10, $0x1;
	s10 =	sld [smem:$0x3FB6];
	_ =	sdelay $0x3  }
0x34: {  	[smem:$0x3FB6] =	sst s10  }
0x35: {  	s10 =	sld [smem:$0x3FB5];
	_ =	sdelay $0x3  }
0x36: {  	p1 =	seq.s32 s10, $0x1;
	s10 =	sld [smem:$0x3FB6];
	_ =	sdelay $0x3  }
0x37: {  	[smem:$0x3FB6] =	sst s10  }
0x38: {  	s10 =	sld [smem:$0x3FB7]  }
0x39: {  	_ = 	snop;
	(pc) =	sbr.ind lr, $3  }
0x3a: {  	_ = 	snop  }
0x3b: {  	_ = 	snop  }
0x3c: {  	p2 =	seq.s32 s10, $0x1;
	s10 =	sld [smem:$0x3FB6]  }
0x3d: {  	_ =	shalt  }
0x3e: {  	_ =	shalt  }
0x3f: {  	_ =	shalt  }
0x40: {  	_ =	shalt  }
0x41: {  	_ =	shalt  }
0x42: {  	_ =	shalt  }
0x43: {  	_ =	shalt  }
0x44: {  	_ =	shalt  }
0x45: {  	_ =	shalt  }
0x46: {  	_ =	shalt  }
0x47: {  	_ =	shalt  }
0x48: {  	_ =	shalt  }
0x49: {  	_ =	shalt  }
0x4a: {  	_ =	shalt  }
0x4b: {  	_ =	shalt  }
0x4c: {  	_ =	shalt  }
0x4d: {  	_ =	shalt  }
0x4e: {  	_ =	shalt  }
0x4f: {  	_ =	shalt  }
0x50: {  	_ =	shalt  }
0x51: {  	_ =	shalt  }
0x52: {  	_ =	shalt  }
0x53: {  	_ =	shalt  }
0x54: {  	_ =	shalt  }
0x55: {  	_ =	shalt  }
0x56: {  	_ =	shalt  }
0x57: {  	_ =	shalt  }
0x58: {  	_ =	shalt  }
0x59: {  	_ =	shalt  }
0x5a: {  	_ =	shalt  }
0x5b: {  	_ =	shalt  }
0x5c: {  	_ =	shalt  }
0x5d: {  	_ =	shalt  }
0x5e: {  	_ =	shalt  }
0x5f: {  	_ =	shalt  }
0x60: {  	_ =	shalt  }
0x61: {  	_ =	shalt  }
0x62: {  	_ =	shalt  }
0x63: {  	_ =	shalt  }
0x64: {  	_ =	shalt  }
0x65: {  	_ =	shalt  }
0x66: {  	_ =	shalt  }
0x67: {  	_ =	shalt  }
0x68: {  	_ =	shalt  }
0x69: {  	_ =	shalt  }
0x6a: {  	_ =	shalt  }
0x6b: {  	_ =	shalt  }
0x6c: {  	_ =	shalt  }
0x6d: {  	_ =	shalt  }
0x6e: {  	_ =	shalt  }
0x6f: {  	_ =	shalt  }
0x70: {  	_ =	shalt  }
0x71: {  	_ =	shalt  }
0x72: {  	_ =	shalt  }
0x73: {  	_ =	shalt  }
0x74: {  	_ =	shalt  }
0x75: {  	_ =	shalt  }
0x76: {  	_ =	shalt  }
0x77: {  	_ =	shalt  }
0x78: {  	_ =	shalt  }
0x79: {  	_ =	shalt  }
0x7a: {  	_ =	shalt  }
0x7b: {  	_ =	shalt  }
0x7c: {  	_ =	shalt  }
0x7d: {  	_ =	shalt  }
0x7e: {  	_ =	shalt  }
0x7f: {  	_ =	shalt  }
0x80: {  	_ =	shalt  }
0x81: {  	_ =	shalt  }
0x82: {  	_ =	shalt  }
0x83: {  	_ =	shalt  }
0x84: {  	_ =	shalt  }
0x85: {  	_ =	shalt  }
0x86: {  	_ =	shalt  }
0x87: {  	_ =	shalt  }
.Lfunc_end0:
.L_simem_size_0:
called_computation.1_lowered:
.L_overlay_start_0:
0x88: {  	s2 =	sld [smem:$0x3FD9]  }
0x89: {  	s3 =	sld [smem:$0x3FFE];
	_ =	sdelay $0x1  }
0x8a: {  	s1 =	srdreg.scid  }
0x8b: {  	s0 =	sand.u32 $0x1, s1  }
0x8c: {  	s17 =	sshll.u32 s0, $0xA;
	s2 =	sadd.s32 s3, s2  }
0x8d: {  	s2 =	sadd.s32 s2, s17  }
0x8e: {  	[smem:$0x3FC2] =	sst s2  }
0x8f: {  	_ = 	snop  }
0x90: {  	s2 =	sld [smem:$0x3FD0];
	(tm) =	ssettm $0x1  }
0x91: {  	s18 =	sld [smem:$0x3FFB];
	_ =	sdelay $0x3  }
0x92: {  	_ =	strace s18  }
0x93: {  	s3 =	sld [smem:$0x3FFC];
	_ =	sdelay $0x3  }
0x94: {  	_ =	strace s3  }
0x95: {  	s3 =	sld [smem:$0x3FFD];
	_ =	sdelay $0x3  }
0x96: {  	_ =	strace s3  }
0x97: {  	_ =	strace $0x8FFFFFFF  }
0x98: {  	s19 =	sld [smem:$0x3FDB];
	_ =	sdelay $0x1  }
0x99: {  	s4 =	simm.s32 $_scs_section_size  }
0x9a: {  	s5 =	simm.s32 $_size__tile_overlayer_lowered;
	s6 =	simm.s32 $_tile_overlayer_lowered  }
0x9b: {  	s22 =	simm.s32 $0x1BFF;
	s21 =	sshll.u32 s6, $0x1;
	s3 =	sadd.s32 s4, s19  }
0x9c: {  	s7 =	simm.s32 $0x0;
	s20 =	sshll.u32 s5, $0x1;
	s5 =	sadd.s32 s21, s3  }
0x9d: {  	[timem:s7], [sflag:s22] =	dma.local [hbm:s5], s20  }
0x9e: {  	_ =	swait.ge [sflag:s22], s20  }
0x9f: {  	s4 =	ssub.s32 $0x0, s20;
	[sflag:s22] =	ssyncset.done $0x0  }
0xa0: {  	[sflag:s22] =	ssyncadd.s32 s4;
	_ =	sdelay $0x1  }
0xa1: {  	s23 =	simm.s32 $0x1B8B  }
0xa2: {  	_ =	swait.ge [sflag:s23], $0x1  }
0xa3: {  	[sflag:s23] =	ssyncset.done $0x0  }
0xa4: {  	s25 =	simm.s32 $0x1B8E;
	s24 =	sld [smem:$0x3FFE];
	[sflag:s23] =	ssyncadd.s32 $0xFFFFFFFF  }
0xa5: {  	s26 =	simm.s32 $execute0_lowered;
	[smem:$0x3FD2] =	sst s25  }
0xa6: {  	s5 =	sshll.u32 s26, $0x1;
	_ =	strace $0x80000049;
	[dreg:$0x1] =	wrdreg $0xFFFFFFFF  }
0xa7: {  	s28 =	simm.s32 $_size_execute0_lowered;
	s3 =	sadd.s32 s3, s5;
	[dreg:$0x0] =	wrdreg $0x0  }
0xa8: {  	s5 =	sshll.u32 s28, $0x1;
	[dreg:$0x2] =	wrdreg s3  }
0xa9: {  	[dreg:$0x3] =	wrdreg s5  }
0xaa: {  	[dreg:$0x4] =	wrdreg $0xC0  }
0xab: {  	_ =	task [dreg:s7], $0x5FFFF  }
0xac: {  	[dreg:$0x1] =	wrdreg $0xFFFFFFFF  }
0xad: {  	[dreg:$0x0] =	wrdreg $0x60  }
0xae: {  	[dreg:$0x2] =	wrdreg s24  }
0xaf: {  	[dreg:$0x3] =	wrdreg s2  }
0xb0: {  	[dreg:$0x4] =	wrdreg $0x90000  }
0xb1: {  	[dreg:$0x5] =	wrdreg $0x9  }
0xb2: {  	_ =	task.clear_ibuf [dreg:s7], $0x6FFFF;
	_ =	strace $0x90000049  }
0xb3: {  	s29 =	simm.s32 $0x9;
	_ =	strace $0x8000004B  }
0xb4: {  	_ =	swait.ge [sflag:s29], $0x1  }
0xb5: {  	[sflag:s29] =	ssyncadd.s32 $0xFFFFFFFF  }
0xb6: {  	_ =	strace $0x9000004B  }
0xb7: {  	_ =	sfence  }
0xb8: {  	s30 =	sld [smem:$0x0];
	_ =	sdelay $0x2  }
0xb9: {  	s31 =	sshll.u32 s1, $0xD;
	s1 =	sshrl.u32 s1, $0x2  }
0xba: {  	s3 =	sand.u32 $0x4000, s31;
	s1 =	sadd.s32 s1, s30  }
0xbb: {  	s0 =	sor.u32 s3, s0;
	s1 =	sshll.u32 s1, $0x11  }
0xbc: {  	s0 =	sor.u32 s1, s0  }
0xbd: {  	s0 =	sadd.s32 $0x8F2B, s0  }
0xbe: {  	[sflag:s0] =	ssyncadd.remote.s32 $0x1  }
0xbf: {  	_ =	sfence.sel $0xFFFF  }
0xc0: {  	[dreg:$0x0] =	wrdreg $0xFFFFFFFF;
	(pc) =	sbr.abs _section_cstart, $3  }
0xc1: {  	[dreg:$0x1] =	wrdreg $0xFFFFFFFF  }
0xc2: {  	_ =	task.clear_ibuf [dreg:s7], $0x2FFFF;
	_ =	strace $0x9FFFFFFF  }
0xc3: {  	(tm) =	ssettm $0x7FFFFFFF  }
tec
execute0_lowered:
.L_overlay_start_1:
0x0: {  	(tag) =	ssettag $0x1  }
0x1: {  	s0 =	rddreg [dreg:$0x0];
	s1 =	srdreg.scid  }
0x2: {  	s5 =	rddreg [dreg:$0x1];
	s11 =	stileid.u32  }
0x3: {  	s2 =	rddreg [dreg:$0x2];
	s3 =	simm.s32 $0x0;
	s15 =	simm.s32 $0x880  }
0x4: {  	s16 =	simm.s32 $0x180;
	s17 =	simm.s32 $0x900;
	s18 =	simm.s32 $0x200  }
0x5: {  	s19 =	simm.s32 $0x980;
	s21 =	simm.s32 $0x280;
	s28 =	simm.s32 $0x500  }
0x6: {  	s29 =	simm.s32 $0xC80;
	s30 =	simm.s32 $0x580;
	[smem:$0x7FF] =	sst s3  }
0x7: {  	s6 =	smul.u32 $0x2800, s11;
	_ =	strace $0x8000004A;
	[dreg:$0x7] =	wrdreg s15  }
0x8: {  	s31 =	simm.s32 $0xD00;
	s7 =	smul.u32 $0x50000, s11;
	[dreg:$0x8] =	wrdreg s16  }
0x9: {  	s1 =	sand.u32 $0x1, s1;
	s11 =	smul.u32 $0x14000, s11;
	[dreg:$0x9] =	wrdreg s17  }
0xa: {  	s4 =	smul.u32 $0x28000, s1;
	s9 =	ssub.s32 $0x2, s1;
	[dreg:$0xa] =	wrdreg s18  }
0xb: {  	s1 =	smul.u32 $0x140000, s1;
	[dreg:$0xb] =	wrdreg s19;
	s16 =	simm.s32 $0x1000  }
0xc: {  	[dreg:$0xc] =	wrdreg s21;
	s17 =	simm.s32 $0x3;
	s18 =	simm.s32 $0x800  }
0xd: {  	s19 =	simm.s32 $0x80;
	s21 =	simm.s32 $0x1;
	s15 =	simm.s32 $0xF00  }
0xe: {  	s10 =	sshrl.u32 s9, $0x1;
	s7 =	sshrl.u32 s7, $0x2;
	s22 =	sadd.s32 $0x4000, s11  }
0xf: {  	s23 =	sadd.s32 $0x8000, s11;
	s25 =	sadd.s32 $0xC000, s11;
	s26 =	sadd.s32 $0x10000, s11  }
0x10: {  	s4 =	sadd.s32 s6, s4;
	s9 =	ssub.s32 s9, s10;
	s7 =	sadd.s32 s7, s2  }
0x11: {  	s12 =	sadd.s32 s22, s2;
	s24 =	sadd.s32 s23, s2;
	[dreg:$0x12] =	wrdreg s7  }
0x12: {  	s13 =	sadd.s32 s25, s2;
	s11 =	sadd.s32 s11, s1;
	[dreg:$0x13] =	wrdreg s12  }
0x13: {  	s14 =	sadd.s32 s26, s2;
	s10 =	sadd.s32 s1, s23;
	[dreg:$0x14] =	wrdreg s24  }
0x14: {  	s23 =	simm.s32 $0x300;
	s6 =	sshrl.u32 s4, $0x3;
	[dreg:$0x15] =	wrdreg s13  }
0x15: {  	s4 =	sadd.s32 $0xC200, s0;
	[dreg:$0x16] =	wrdreg s14;
	s11 =	sshrl.u32 s11, $0x3  }
0x16: {  	s7 =	sadd.s32 s1, s22;
	s12 =	sadd.s32 s1, s25;
	s14 =	simm.s32 $0x100  }
0x17: {  	s1 =	sadd.s32 s1, s26;
	s20 =	smax.u32 s9, $0x1;
	s22 =	simm.s32 $0xA00  }
0x18: {  	[dreg:$0xe] =	wrdreg s23;
	s24 =	simm.s32 $0xA80;
	s25 =	simm.s32 $0x380  }
0x19: {  	s26 =	simm.s32 $0xB00;
	s23 =	simm.s32 $0x400;
	[dreg:$0x6] =	wrdreg s14  }
0x1a: {  	s13 =	simm.s32 $0xE80;
	s8 =	sadd.s32 s6, s0;
	[dreg:$0x1c] =	wrdreg s20  }
0x1b: {  	s0 =	sadd.s32 $0x34200, s0;
	s7 =	sshrl.u32 s7, $0x3;
	[dreg:$0xd] =	wrdreg s22  }
0x1c: {  	s5 =	sadd.s32 s6, s5;
	s6 =	sshrl.u32 s12, $0x3;
	[dreg:$0xf] =	wrdreg s24  }
0x1d: {  	s1 =	sshrl.u32 s1, $0x3;
	s20 =	simm.s32 $0x5000;
	[dreg:$0x10] =	wrdreg s25  }
0x1e: {  	s22 =	simm.s32 $0x2;
	[dreg:$0x11] =	wrdreg s26;
	s24 =	simm.s32 $0xB80  }
0x1f: {  	s25 =	simm.s32 $0x480;
	s11 =	sadd.s32 s0, s11;
	[dreg:$0x5] =	wrdreg s5  }
0x20: {  	s26 =	simm.s32 $0xC00;
	s7 =	sadd.s32 s0, s7;
	[dreg:$0x17] =	wrdreg s11  }
0x21: {  	s12 =	simm.s32 $0x700;
	s8 =	sadd.s32 $0x2200, s8;
	[dreg:$0x18] =	wrdreg s7  }
0x22: {  	s14 =	simm.s32 $0x780;
	s6 =	sadd.s32 s0, s6;
	[dreg:$0x4] =	wrdreg s8  }
0x23: {  	s5 =	simm.s32 $0xF80;
	s11 =	sshrl.u32 s10, $0x3;
	[dreg:$0x1a] =	wrdreg s6  }
0x24: {  	s10 =	simm.s32 $0x680;
	s7 =	sadd.s32 s0, s11;
	s0 =	sadd.s32 s0, s1  }
0x25: {  	s1 =	simm.s32 $0x600;
	s11 =	simm.s32 $0xE00;
	[dreg:$0x19] =	wrdreg s7  }
0x26: {  	v0 =	vimm.f32 $0.0e+00;
	[dreg:$0x1b] =	wrdreg s0;
	s0 =	simm.s32 $0xD80;
	s7 =	simm.s32 $0x0  }
.LBB2_1:
0x27: {  	[dreg:$0x1d] =	wrdreg s7;
	s7 =	simm.s32 $0x0;
	s8 =	simm.s32 $0x200  }
.LBB2_2:
0x28: {  	p0 =	sne.s32 s8, $0xFE00;
	[tilespmem:s7+$0x1070] =	vst v0  }
0x29: {  	[tilespmem:s7+$0x1000] =	vst v0  }
0x2a: {  	[tilespmem:s7+$0x1010] =	vst v0  }
.Ltmp0:
0x2b: {  	[tilespmem:s7+$0x1020] =	vst v0;
	(pc) =	sbr.rel @p0 .LBB2_2-.Ltmp0, $4  }
0x2c: {  	[tilespmem:s7+$0x1030] =	vst v0  }
0x2d: {  	[tilespmem:s7+$0x1040] =	vst v0  }
0x2e: {  	[tilespmem:s7+$0x1050] =	vst v0  }
0x2f: {  	[tilespmem:s7+$0x1060] =	vst v0;
	s7 =	sshra.s32 s8, $0x2;
	s8 =	sadd.s32 $0x200, s8  }
0x30: {  	[tilespmem:s7+$0x1070] =	vst v0  }
0x31: {  	[tilespmem:s7+$0x1000] =	vst v0  }
0x32: {  	[tilespmem:s7+$0x1010] =	vst v0  }
0x33: {  	[tilespmem:s7+$0x1020] =	vst v0  }
0x34: {  	[tilespmem:s7+$0x1030] =	vst v0  }
0x35: {  	[tilespmem:s7+$0x1040] =	vst v0  }
0x36: {  	[tilespmem:s7+$0x1050] =	vst v0  }
0x37: {  	[tilespmem:s7+$0x1060] =	vst v0;
	s6 =	rddreg [dreg:$0x12]  }
0x38: {  	[spmem:s6] =	stream.linear.scatter [tilespmem:s16], [sflag:$0x3], $0x4000, $0x38;
	[tilespmem:$0x1D000] =	vst v63  }
0x39: {  	_ =	swait.ge [sflag:s17], $0x4000  }
0x3a: {  	[sflag:s17] =	ssyncset.done $0x0  }
0x3b: {  	s7 =	rddreg [dreg:$0x13];
	[sflag:s17] =	ssyncadd.s32 $0xFFFFC000  }
0x3c: {  	[spmem:s7] =	stream.linear.scatter [tilespmem:s16], [sflag:$0x3], $0x4000, $0x38;
	[tilespmem:$0x1D000] =	vst v63  }
0x3d: {  	_ =	swait.ge [sflag:s17], $0x4000  }
0x3e: {  	[sflag:s17] =	ssyncset.done $0x0  }
0x3f: {  	s8 =	rddreg [dreg:$0x14];
	[sflag:s17] =	ssyncadd.s32 $0xFFFFC000  }
0x40: {  	[spmem:s8] =	stream.linear.scatter [tilespmem:s16], [sflag:$0x3], $0x4000, $0x38;
	[tilespmem:$0x1D000] =	vst v63  }
0x41: {  	_ =	swait.ge [sflag:s17], $0x4000  }
0x42: {  	[sflag:s17] =	ssyncset.done $0x0  }
0x43: {  	s9 =	rddreg [dreg:$0x15];
	[sflag:s17] =	ssyncadd.s32 $0xFFFFC000  }
0x44: {  	[spmem:s9] =	stream.linear.scatter [tilespmem:s16], [sflag:$0x3], $0x4000, $0x38;
	[tilespmem:$0x1D000] =	vst v63  }
0x45: {  	_ =	swait.ge [sflag:s17], $0x4000  }
0x46: {  	[sflag:s17] =	ssyncset.done $0x0  }
0x47: {  	s7 =	rddreg [dreg:$0x16];
	[sflag:s17] =	ssyncadd.s32 $0xFFFFC000  }
0x48: {  	[spmem:s7] =	stream.linear.scatter [tilespmem:s16], [sflag:$0x3], $0x4000, $0x38;
	[tilespmem:$0x1D000] =	vst v63  }
0x49: {  	_ =	swait.ge [sflag:s17], $0x4000  }
0x4a: {  	[sflag:s17] =	ssyncset.done $0x0  }
0x4b: {  	[sflag:s17] =	ssyncadd.s32 $0xFFFFC000  }
0x4c: {  	[bflag:$0x0] =	sbarrier.arrive $0xFFFF  }
0x4d: {  	s8 =	rddreg [dreg:$0x5]  }
0x4e: {  	s7 =	sadd.s32 $0x0, s8  }
0x4f: {  	[tilespmem:s3], [sflag:$0x3] =	stream.linear.gather [hbm4b:s7+s3], $0x800, $0x38;
	[tilespmem:$0x1D000] =	vst v63  }
0x50: {  	_ =	swait.ge [sflag:s17], $0x800  }
0x51: {  	s9 =	rddreg [dreg:$0x4];
	[sflag:s17] =	ssyncset.done $0x0  }
0x52: {  	[sflag:s17] =	ssyncadd.s32 $0xFFFFF800;
	s7 =	sadd.s32 $0x0, s9  }
0x53: {  	[tilespmem:s18], [sflag:$0x3] =	stream.linear.gather [hbm4b:s7+s3], $0x800, $0x38;
	[tilespmem:$0x1D000] =	vst v63  }
0x54: {  	_ =	swait.ge [sflag:s17], $0x800  }
0x55: {  	[sflag:s17] =	ssyncset.done $0x0  }
0x56: {  	[sflag:s17] =	ssyncadd.s32 $0xFFFFF800  }
0x57: {  	[tilespmem:s16], [sflag:$0x1] =	stream.indirect.gather [hbm4b:s4+s19], $0x80, s3, s19, $0xb8;
	[tilespmem:$0x1D000] =	vst v63  }
0x58: {  	_ = 	snop  }
0x59: {  	[tilespmem:s20], [sflag:$0x2] =	stream.indirect.gather [hbm4b:s4+s19], $0x80, s19, s19, $0xb8;
	[tilespmem:$0x1D000] =	vst v63  }
0x5a: {  	_ =	swait.ge [sflag:s21], $0x4000  }
0x5b: {  	[sflag:s21] =	ssyncset.done $0x0  }
0x5c: {  	[sflag:s21] =	ssyncadd.s32 $0xFFFFC000  }
0x5d: {  	[spmem:s2] =	stream.indirect.scatter.add.f32 [tilespmem:s16], [sflag:$0x3], $0x80, s18, s19, $0xb8;
	[tilespmem:$0x1D000] =	vst v63  }
0x5e: {  	_ =	swait.ge [sflag:s17], $0x4000  }
0x5f: {  	[sflag:s17] =	ssyncset.done $0x0  }
0x60: {  	s6 =	rddreg [dreg:$0x6];
	[sflag:s17] =	ssyncadd.s32 $0xFFFFC000  }
0x61: {  	[tilespmem:s16], [sflag:$0x1] =	stream.indirect.gather [hbm4b:s4+s19], $0x80, s6, s19, $0xb8;
	[tilespmem:$0x1D000] =	vst v63  }
0x62: {  	_ =	swait.ge [sflag:s22], $0x4000  }
0x63: {  	[sflag:s22] =	ssyncset.done $0x0  }
0x64: {  	s8 =	rddreg [dreg:$0x7];
	[sflag:s22] =	ssyncadd.s32 $0xFFFFC000  }
0x65: {  	[spmem:s2] =	stream.indirect.scatter.add.f32 [tilespmem:s20], [sflag:$0x3], $0x80, s8, s19, $0xb8;
	[tilespmem:$0x1D000] =	vst v63  }
0x66: {  	_ =	swait.ge [sflag:s17], $0x4000  }
0x67: {  	[sflag:s17] =	ssyncset.done $0x0  }
0x68: {  	s9 =	rddreg [dreg:$0x8];
	[sflag:s17] =	ssyncadd.s32 $0xFFFFC000  }
0x69: {  	[tilespmem:s20], [sflag:$0x2] =	stream.indirect.gather [hbm4b:s4+s19], $0x80, s9, s19, $0xb8;
	[tilespmem:$0x1D000] =	vst v63  }
0x6a: {  	_ =	swait.ge [sflag:s21], $0x4000  }
0x6b: {  	[sflag:s21] =	ssyncset.done $0x0  }
0x6c: {  	s6 =	rddreg [dreg:$0x9];
	[sflag:s21] =	ssyncadd.s32 $0xFFFFC000  }
0x6d: {  	[spmem:s2] =	stream.indirect.scatter.add.f32 [tilespmem:s16], [sflag:$0x3], $0x80, s6, s19, $0xb8;
	[tilespmem:$0x1D000] =	vst v63  }
0x6e: {  	_ =	swait.ge [sflag:s17], $0x4000  }
0x6f: {  	[sflag:s17] =	ssyncset.done $0x0  }
0x70: {  	s8 =	rddreg [dreg:$0xa];
	[sflag:s17] =	ssyncadd.s32 $0xFFFFC000  }
0x71: {  	[tilespmem:s16], [sflag:$0x1] =	stream.indirect.gather [hbm4b:s4+s19], $0x80, s8, s19, $0xb8;
	[tilespmem:$0x1D000] =	vst v63  }
0x72: {  	_ =	swait.ge [sflag:s22], $0x4000  }
0x73: {  	[sflag:s22] =	ssyncset.done $0x0  }
0x74: {  	s9 =	rddreg [dreg:$0xb];
	[sflag:s22] =	ssyncadd.s32 $0xFFFFC000  }
0x75: {  	[spmem:s2] =	stream.indirect.scatter.add.f32 [tilespmem:s20], [sflag:$0x3], $0x80, s9, s19, $0xb8;
	[tilespmem:$0x1D000] =	vst v63  }
0x76: {  	_ =	swait.ge [sflag:s17], $0x4000  }
0x77: {  	[sflag:s17] =	ssyncset.done $0x0  }
0x78: {  	s6 =	rddreg [dreg:$0xc];
	[sflag:s17] =	ssyncadd.s32 $0xFFFFC000  }
0x79: {  	[tilespmem:s20], [sflag:$0x2] =	stream.indirect.gather [hbm4b:s4+s19], $0x80, s6, s19, $0xb8;
	[tilespmem:$0x1D000] =	vst v63  }
0x7a: {  	_ =	swait.ge [sflag:s21], $0x4000  }
0x7b: {  	[sflag:s21] =	ssyncset.done $0x0  }
0x7c: {  	s8 =	rddreg [dreg:$0xd];
	[sflag:s21] =	ssyncadd.s32 $0xFFFFC000  }
0x7d: {  	[spmem:s2] =	stream.indirect.scatter.add.f32 [tilespmem:s16], [sflag:$0x3], $0x80, s8, s19, $0xb8;
	[tilespmem:$0x1D000] =	vst v63  }
0x7e: {  	_ =	swait.ge [sflag:s17], $0x4000  }
0x7f: {  	[sflag:s17] =	ssyncset.done $0x0  }
0x80: {  	s9 =	rddreg [dreg:$0xe];
	[sflag:s17] =	ssyncadd.s32 $0xFFFFC000  }
0x81: {  	[tilespmem:s16], [sflag:$0x1] =	stream.indirect.gather [hbm4b:s4+s19], $0x80, s9, s19, $0xb8;
	[tilespmem:$0x1D000] =	vst v63  }
0x82: {  	_ =	swait.ge [sflag:s22], $0x4000  }
0x83: {  	[sflag:s22] =	ssyncset.done $0x0  }
0x84: {  	s6 =	rddreg [dreg:$0xf];
	[sflag:s22] =	ssyncadd.s32 $0xFFFFC000  }
0x85: {  	[spmem:s2] =	stream.indirect.scatter.add.f32 [tilespmem:s20], [sflag:$0x3], $0x80, s6, s19, $0xb8;
	[tilespmem:$0x1D000] =	vst v63  }
0x86: {  	_ =	swait.ge [sflag:s17], $0x4000  }
0x87: {  	[sflag:s17] =	ssyncset.done $0x0  }
0x88: {  	s8 =	rddreg [dreg:$0x10];
	[sflag:s17] =	ssyncadd.s32 $0xFFFFC000  }
0x89: {  	[tilespmem:s20], [sflag:$0x2] =	stream.indirect.gather [hbm4b:s4+s19], $0x80, s8, s19, $0xb8;
	[tilespmem:$0x1D000] =	vst v63  }
0x8a: {  	_ =	swait.ge [sflag:s21], $0x4000  }
0x8b: {  	[sflag:s21] =	ssyncset.done $0x0  }
0x8c: {  	s9 =	rddreg [dreg:$0x11];
	[sflag:s21] =	ssyncadd.s32 $0xFFFFC000  }
0x8d: {  	[spmem:s2] =	stream.indirect.scatter.add.f32 [tilespmem:s16], [sflag:$0x3], $0x80, s9, s19, $0xb8;
	[tilespmem:$0x1D000] =	vst v63  }
0x8e: {  	_ =	swait.ge [sflag:s17], $0x4000  }
0x8f: {  	[sflag:s17] =	ssyncset.done $0x0  }
0x90: {  	[sflag:s17] =	ssyncadd.s32 $0xFFFFC000  }
0x91: {  	[tilespmem:s16], [sflag:$0x1] =	stream.indirect.gather [hbm4b:s4+s19], $0x80, s23, s19, $0xb8;
	[tilespmem:$0x1D000] =	vst v63  }
0x92: {  	_ =	swait.ge [sflag:s22], $0x4000  }
0x93: {  	[sflag:s22] =	ssyncset.done $0x0  }
0x94: {  	[sflag:s22] =	ssyncadd.s32 $0xFFFFC000  }
0x95: {  	[spmem:s2] =	stream.indirect.scatter.add.f32 [tilespmem:s20], [sflag:$0x3], $0x80, s24, s19, $0xb8;
	[tilespmem:$0x1D000] =	vst v63  }
0x96: {  	_ =	swait.ge [sflag:s17], $0x4000  }
0x97: {  	[sflag:s17] =	ssyncset.done $0x0  }
0x98: {  	[sflag:s17] =	ssyncadd.s32 $0xFFFFC000  }
0x99: {  	[tilespmem:s20], [sflag:$0x2] =	stream.indirect.gather [hbm4b:s4+s19], $0x80, s25, s19, $0xb8;
	[tilespmem:$0x1D000] =	vst v63  }
0x9a: {  	_ =	swait.ge [sflag:s21], $0x4000  }
0x9b: {  	[sflag:s21] =	ssyncset.done $0x0  }
0x9c: {  	[sflag:s21] =	ssyncadd.s32 $0xFFFFC000  }
0x9d: {  	[spmem:s2] =	stream.indirect.scatter.add.f32 [tilespmem:s16], [sflag:$0x3], $0x80, s26, s19, $0xb8;
	[tilespmem:$0x1D000] =	vst v63  }
0x9e: {  	_ =	swait.ge [sflag:s17], $0x4000  }
0x9f: {  	[sflag:s17] =	ssyncset.done $0x0  }
0xa0: {  	[sflag:s17] =	ssyncadd.s32 $0xFFFFC000  }
0xa1: {  	[tilespmem:s16], [sflag:$0x1] =	stream.indirect.gather [hbm4b:s4+s19], $0x80, s28, s19, $0xb8;
	[tilespmem:$0x1D000] =	vst v63  }
0xa2: {  	_ =	swait.ge [sflag:s22], $0x4000  }
0xa3: {  	[sflag:s22] =	ssyncset.done $0x0  }
0xa4: {  	[sflag:s22] =	ssyncadd.s32 $0xFFFFC000  }
0xa5: {  	[spmem:s2] =	stream.indirect.scatter.add.f32 [tilespmem:s20], [sflag:$0x3], $0x80, s29, s19, $0xb8;
	[tilespmem:$0x1D000] =	vst v63  }
0xa6: {  	_ =	swait.ge [sflag:s17], $0x4000  }
0xa7: {  	[sflag:s17] =	ssyncset.done $0x0  }
0xa8: {  	[sflag:s17] =	ssyncadd.s32 $0xFFFFC000  }
0xa9: {  	[tilespmem:s20], [sflag:$0x2] =	stream.indirect.gather [hbm4b:s4+s19], $0x80, s30, s19, $0xb8;
	[tilespmem:$0x1D000] =	vst v63  }
0xaa: {  	_ =	swait.ge [sflag:s21], $0x4000  }
0xab: {  	[sflag:s21] =	ssyncset.done $0x0  }
0xac: {  	[sflag:s21] =	ssyncadd.s32 $0xFFFFC000  }
0xad: {  	[spmem:s2] =	stream.indirect.scatter.add.f32 [tilespmem:s16], [sflag:$0x3], $0x80, s31, s19, $0xb8;
	[tilespmem:$0x1D000] =	vst v63  }
0xae: {  	_ =	swait.ge [sflag:s17], $0x4000  }
0xaf: {  	[sflag:s17] =	ssyncset.done $0x0  }
0xb0: {  	[sflag:s17] =	ssyncadd.s32 $0xFFFFC000  }
0xb1: {  	[tilespmem:s16], [sflag:$0x1] =	stream.indirect.gather [hbm4b:s4+s19], $0x80, s1, s19, $0xb8;
	[tilespmem:$0x1D000] =	vst v63  }
0xb2: {  	_ =	swait.ge [sflag:s22], $0x4000  }
0xb3: {  	[sflag:s22] =	ssyncset.done $0x0  }
0xb4: {  	[sflag:s22] =	ssyncadd.s32 $0xFFFFC000  }
0xb5: {  	[spmem:s2] =	stream.indirect.scatter.add.f32 [tilespmem:s20], [sflag:$0x3], $0x80, s0, s19, $0xb8;
	[tilespmem:$0x1D000] =	vst v63  }
0xb6: {  	_ =	swait.ge [sflag:s17], $0x4000  }
0xb7: {  	[sflag:s17] =	ssyncset.done $0x0  }
0xb8: {  	[sflag:s17] =	ssyncadd.s32 $0xFFFFC000  }
0xb9: {  	[tilespmem:s20], [sflag:$0x2] =	stream.indirect.gather [hbm4b:s4+s19], $0x80, s10, s19, $0xb8;
	[tilespmem:$0x1D000] =	vst v63  }
0xba: {  	_ =	swait.ge [sflag:s21], $0x4000  }
0xbb: {  	[sflag:s21] =	ssyncset.done $0x0  }
0xbc: {  	[sflag:s21] =	ssyncadd.s32 $0xFFFFC000  }
0xbd: {  	[spmem:s2] =	stream.indirect.scatter.add.f32 [tilespmem:s16], [sflag:$0x3], $0x80, s11, s19, $0xb8;
	[tilespmem:$0x1D000] =	vst v63  }
0xbe: {  	_ =	swait.ge [sflag:s17], $0x4000  }
0xbf: {  	[sflag:s17] =	ssyncset.done $0x0  }
0xc0: {  	[sflag:s17] =	ssyncadd.s32 $0xFFFFC000  }
0xc1: {  	[tilespmem:s16], [sflag:$0x1] =	stream.indirect.gather [hbm4b:s4+s19], $0x80, s12, s19, $0xb8;
	[tilespmem:$0x1D000] =	vst v63  }
0xc2: {  	_ =	swait.ge [sflag:s22], $0x4000  }
0xc3: {  	[sflag:s22] =	ssyncset.done $0x0  }
0xc4: {  	[sflag:s22] =	ssyncadd.s32 $0xFFFFC000  }
0xc5: {  	[spmem:s2] =	stream.indirect.scatter.add.f32 [tilespmem:s20], [sflag:$0x3], $0x80, s13, s19, $0xb8;
	[tilespmem:$0x1D000] =	vst v63  }
0xc6: {  	_ =	swait.ge [sflag:s17], $0x4000  }
0xc7: {  	[sflag:s17] =	ssyncset.done $0x0  }
0xc8: {  	[sflag:s17] =	ssyncadd.s32 $0xFFFFC000  }
0xc9: {  	[tilespmem:s20], [sflag:$0x2] =	stream.indirect.gather [hbm4b:s4+s19], $0x80, s14, s19, $0xb8;
	[tilespmem:$0x1D000] =	vst v63  }
0xca: {  	_ =	swait.ge [sflag:s21], $0x4000  }
0xcb: {  	[sflag:s21] =	ssyncset.done $0x0  }
0xcc: {  	[sflag:s21] =	ssyncadd.s32 $0xFFFFC000  }
0xcd: {  	[spmem:s2] =	stream.indirect.scatter.add.f32 [tilespmem:s16], [sflag:$0x3], $0x80, s15, s19, $0xb8;
	[tilespmem:$0x1D000] =	vst v63  }
0xce: {  	_ =	swait.ge [sflag:s17], $0x4000  }
0xcf: {  	[sflag:s17] =	ssyncset.done $0x0  }
0xd0: {  	[sflag:s17] =	ssyncadd.s32 $0xFFFFC000  }
0xd1: {  	[tilespmem:s16], [sflag:$0x1] =	stream.indirect.gather [hbm4b:s4+s19], $0x80, s14, s19, $0xb8;
	[tilespmem:$0x1D000] =	vst v63  }
0xd2: {  	_ =	swait.ge [sflag:s22], $0x4000  }
0xd3: {  	[sflag:s22] =	ssyncset.done $0x0  }
0xd4: {  	[sflag:s22] =	ssyncadd.s32 $0xFFFFC000  }
0xd5: {  	[spmem:s2] =	stream.indirect.scatter.add.f32 [tilespmem:s20], [sflag:$0x3], $0x80, s5, s19, $0xb8;
	[tilespmem:$0x1D000] =	vst v63  }
0xd6: {  	_ =	swait.ge [sflag:s17], $0x4000  }
0xd7: {  	[sflag:s17] =	ssyncset.done $0x0  }
0xd8: {  	[sflag:s17] =	ssyncadd.s32 $0xFFFFC000  }
0xd9: {  	s7 =	simm.s32 $0x100;
	_ =	swait.ge [sflag:s21], $0x4000  }
0xda: {  	s8 =	simm.s32 $0x200;
	s9 =	rddreg [dreg:$0x5];
	[sflag:s21] =	ssyncset.done $0x0  }
.LBB2_4:
0xdb: {  	[sflag:s21] =	ssyncadd.s32 $0xFFFFC000;
	s9 =	sadd.s32 s7, s9  }
0xdc: {  	[tilespmem:s3], [sflag:$0x3] =	stream.linear.gather [hbm4b:s9+s3], $0x800, $0x38;
	[tilespmem:$0x1D000] =	vst v63  }
0xdd: {  	_ =	swait.ge [sflag:s17], $0x800  }
0xde: {  	s9 =	rddreg [dreg:$0x4];
	[sflag:s17] =	ssyncset.done $0x0  }
0xdf: {  	[sflag:s17] =	ssyncadd.s32 $0xFFFFF800;
	s9 =	sadd.s32 s7, s9  }
0xe0: {  	[tilespmem:s18], [sflag:$0x3] =	stream.linear.gather [hbm4b:s9+s3], $0x800, $0x38;
	[tilespmem:$0x1D000] =	vst v63  }
0xe1: {  	_ =	swait.ge [sflag:s17], $0x800  }
0xe2: {  	[sflag:s17] =	ssyncset.done $0x0  }
0xe3: {  	[sflag:s17] =	ssyncadd.s32 $0xFFFFF800  }
0xe4: {  	[tilespmem:s16], [sflag:$0x1] =	stream.indirect.gather [hbm4b:s4+s19], $0x80, s3, s19, $0xb8;
	[tilespmem:$0x1D000] =	vst v63  }
0xe5: {  	_ = 	snop  }
0xe6: {  	[tilespmem:s20], [sflag:$0x2] =	stream.indirect.gather [hbm4b:s4+s19], $0x80, s19, s19, $0xb8;
	[tilespmem:$0x1D000] =	vst v63  }
0xe7: {  	_ =	swait.ge [sflag:s21], $0x4000  }
0xe8: {  	[sflag:s21] =	ssyncset.done $0x0  }
0xe9: {  	[sflag:s21] =	ssyncadd.s32 $0xFFFFC000  }
0xea: {  	[spmem:s2] =	stream.indirect.scatter.add.f32 [tilespmem:s16], [sflag:$0x3], $0x80, s18, s19, $0xb8;
	[tilespmem:$0x1D000] =	vst v63  }
0xeb: {  	_ =	swait.ge [sflag:s17], $0x4000  }
0xec: {  	[sflag:s17] =	ssyncset.done $0x0  }
0xed: {  	s9 =	rddreg [dreg:$0x6];
	[sflag:s17] =	ssyncadd.s32 $0xFFFFC000  }
0xee: {  	[tilespmem:s16], [sflag:$0x1] =	stream.indirect.gather [hbm4b:s4+s19], $0x80, s9, s19, $0xb8;
	[tilespmem:$0x1D000] =	vst v63  }
0xef: {  	_ =	swait.ge [sflag:s22], $0x4000  }
0xf0: {  	[sflag:s22] =	ssyncset.done $0x0  }
0xf1: {  	s9 =	rddreg [dreg:$0x7];
	[sflag:s22] =	ssyncadd.s32 $0xFFFFC000  }
0xf2: {  	[spmem:s2] =	stream.indirect.scatter.add.f32 [tilespmem:s20], [sflag:$0x3], $0x80, s9, s19, $0xb8;
	[tilespmem:$0x1D000] =	vst v63  }
0xf3: {  	_ =	swait.ge [sflag:s17], $0x4000  }
0xf4: {  	[sflag:s17] =	ssyncset.done $0x0  }
0xf5: {  	s9 =	rddreg [dreg:$0x8];
	[sflag:s17] =	ssyncadd.s32 $0xFFFFC000  }
0xf6: {  	[tilespmem:s20], [sflag:$0x2] =	stream.indirect.gather [hbm4b:s4+s19], $0x80, s9, s19, $0xb8;
	[tilespmem:$0x1D000] =	vst v63  }
0xf7: {  	_ =	swait.ge [sflag:s21], $0x4000  }
0xf8: {  	[sflag:s21] =	ssyncset.done $0x0  }
0xf9: {  	s9 =	rddreg [dreg:$0x9];
	[sflag:s21] =	ssyncadd.s32 $0xFFFFC000  }
0xfa: {  	[spmem:s2] =	stream.indirect.scatter.add.f32 [tilespmem:s16], [sflag:$0x3], $0x80, s9, s19, $0xb8;
	[tilespmem:$0x1D000] =	vst v63  }
0xfb: {  	_ =	swait.ge [sflag:s17], $0x4000  }
0xfc: {  	[sflag:s17] =	ssyncset.done $0x0  }
0xfd: {  	s9 =	rddreg [dreg:$0xa];
	[sflag:s17] =	ssyncadd.s32 $0xFFFFC000  }
0xfe: {  	[tilespmem:s16], [sflag:$0x1] =	stream.indirect.gather [hbm4b:s4+s19], $0x80, s9, s19, $0xb8;
	[tilespmem:$0x1D000] =	vst v63  }
0xff: {  	_ =	swait.ge [sflag:s22], $0x4000  }
0x100: {  	[sflag:s22] =	ssyncset.done $0x0  }
0x101: {  	s9 =	rddreg [dreg:$0xb];
	[sflag:s22] =	ssyncadd.s32 $0xFFFFC000  }
0x102: {  	[spmem:s2] =	stream.indirect.scatter.add.f32 [tilespmem:s20], [sflag:$0x3], $0x80, s9, s19, $0xb8;
	[tilespmem:$0x1D000] =	vst v63  }
0x103: {  	_ =	swait.ge [sflag:s17], $0x4000  }
0x104: {  	[sflag:s17] =	ssyncset.done $0x0  }
0x105: {  	s9 =	rddreg [dreg:$0xc];
	[sflag:s17] =	ssyncadd.s32 $0xFFFFC000  }
0x106: {  	[tilespmem:s20], [sflag:$0x2] =	stream.indirect.gather [hbm4b:s4+s19], $0x80, s9, s19, $0xb8;
	[tilespmem:$0x1D000] =	vst v63  }
0x107: {  	_ =	swait.ge [sflag:s21], $0x4000  }
0x108: {  	[sflag:s21] =	ssyncset.done $0x0  }
0x109: {  	s9 =	rddreg [dreg:$0xd];
	[sflag:s21] =	ssyncadd.s32 $0xFFFFC000  }
0x10a: {  	[spmem:s2] =	stream.indirect.scatter.add.f32 [tilespmem:s16], [sflag:$0x3], $0x80, s9, s19, $0xb8;
	[tilespmem:$0x1D000] =	vst v63  }
0x10b: {  	_ =	swait.ge [sflag:s17], $0x4000  }
0x10c: {  	[sflag:s17] =	ssyncset.done $0x0  }
0x10d: {  	s9 =	rddreg [dreg:$0xe];
	[sflag:s17] =	ssyncadd.s32 $0xFFFFC000  }
0x10e: {  	[tilespmem:s16], [sflag:$0x1] =	stream.indirect.gather [hbm4b:s4+s19], $0x80, s9, s19, $0xb8;
	[tilespmem:$0x1D000] =	vst v63  }
0x10f: {  	_ =	swait.ge [sflag:s22], $0x4000  }
0x110: {  	[sflag:s22] =	ssyncset.done $0x0  }
0x111: {  	s9 =	rddreg [dreg:$0xf];
	[sflag:s22] =	ssyncadd.s32 $0xFFFFC000  }
0x112: {  	[spmem:s2] =	stream.indirect.scatter.add.f32 [tilespmem:s20], [sflag:$0x3], $0x80, s9, s19, $0xb8;
	[tilespmem:$0x1D000] =	vst v63  }
0x113: {  	_ =	swait.ge [sflag:s17], $0x4000  }
0x114: {  	[sflag:s17] =	ssyncset.done $0x0  }
0x115: {  	s9 =	rddreg [dreg:$0x10];
	[sflag:s17] =	ssyncadd.s32 $0xFFFFC000  }
0x116: {  	[tilespmem:s20], [sflag:$0x2] =	stream.indirect.gather [hbm4b:s4+s19], $0x80, s9, s19, $0xb8;
	[tilespmem:$0x1D000] =	vst v63  }
0x117: {  	_ =	swait.ge [sflag:s21], $0x4000  }
0x118: {  	[sflag:s21] =	ssyncset.done $0x0  }
0x119: {  	s9 =	rddreg [dreg:$0x11];
	[sflag:s21] =	ssyncadd.s32 $0xFFFFC000  }
0x11a: {  	[spmem:s2] =	stream.indirect.scatter.add.f32 [tilespmem:s16], [sflag:$0x3], $0x80, s9, s19, $0xb8;
	[tilespmem:$0x1D000] =	vst v63  }
0x11b: {  	_ =	swait.ge [sflag:s17], $0x4000  }
0x11c: {  	[sflag:s17] =	ssyncset.done $0x0  }
0x11d: {  	[sflag:s17] =	ssyncadd.s32 $0xFFFFC000  }
0x11e: {  	[tilespmem:s16], [sflag:$0x1] =	stream.indirect.gather [hbm4b:s4+s19], $0x80, s23, s19, $0xb8;
	[tilespmem:$0x1D000] =	vst v63  }
0x11f: {  	_ =	swait.ge [sflag:s22], $0x4000  }
0x120: {  	[sflag:s22] =	ssyncset.done $0x0  }
0x121: {  	[sflag:s22] =	ssyncadd.s32 $0xFFFFC000  }
0x122: {  	[spmem:s2] =	stream.indirect.scatter.add.f32 [tilespmem:s20], [sflag:$0x3], $0x80, s24, s19, $0xb8;
	[tilespmem:$0x1D000] =	vst v63  }
0x123: {  	_ =	swait.ge [sflag:s17], $0x4000  }
0x124: {  	[sflag:s17] =	ssyncset.done $0x0  }
0x125: {  	[sflag:s17] =	ssyncadd.s32 $0xFFFFC000  }
0x126: {  	[tilespmem:s20], [sflag:$0x2] =	stream.indirect.gather [hbm4b:s4+s19], $0x80, s25, s19, $0xb8;
	[tilespmem:$0x1D000] =	vst v63  }
0x127: {  	_ =	swait.ge [sflag:s21], $0x4000  }
0x128: {  	[sflag:s21] =	ssyncset.done $0x0  }
0x129: {  	[sflag:s21] =	ssyncadd.s32 $0xFFFFC000  }
0x12a: {  	[spmem:s2] =	stream.indirect.scatter.add.f32 [tilespmem:s16], [sflag:$0x3], $0x80, s26, s19, $0xb8;
	[tilespmem:$0x1D000] =	vst v63  }
0x12b: {  	_ =	swait.ge [sflag:s17], $0x4000  }
0x12c: {  	[sflag:s17] =	ssyncset.done $0x0  }
0x12d: {  	[sflag:s17] =	ssyncadd.s32 $0xFFFFC000  }
0x12e: {  	[tilespmem:s16], [sflag:$0x1] =	stream.indirect.gather [hbm4b:s4+s19], $0x80, s28, s19, $0xb8;
	[tilespmem:$0x1D000] =	vst v63  }
0x12f: {  	_ =	swait.ge [sflag:s22], $0x4000  }
0x130: {  	[sflag:s22] =	ssyncset.done $0x0  }
0x131: {  	[sflag:s22] =	ssyncadd.s32 $0xFFFFC000  }
0x132: {  	[spmem:s2] =	stream.indirect.scatter.add.f32 [tilespmem:s20], [sflag:$0x3], $0x80, s29, s19, $0xb8;
	[tilespmem:$0x1D000] =	vst v63  }
0x133: {  	_ =	swait.ge [sflag:s17], $0x4000  }
0x134: {  	[sflag:s17] =	ssyncset.done $0x0  }
0x135: {  	[sflag:s17] =	ssyncadd.s32 $0xFFFFC000  }
0x136: {  	[tilespmem:s20], [sflag:$0x2] =	stream.indirect.gather [hbm4b:s4+s19], $0x80, s30, s19, $0xb8;
	[tilespmem:$0x1D000] =	vst v63  }
0x137: {  	_ =	swait.ge [sflag:s21], $0x4000  }
0x138: {  	[sflag:s21] =	ssyncset.done $0x0  }
0x139: {  	[sflag:s21] =	ssyncadd.s32 $0xFFFFC000  }
0x13a: {  	[spmem:s2] =	stream.indirect.scatter.add.f32 [tilespmem:s16], [sflag:$0x3], $0x80, s31, s19, $0xb8;
	[tilespmem:$0x1D000] =	vst v63  }
0x13b: {  	_ =	swait.ge [sflag:s17], $0x4000  }
0x13c: {  	[sflag:s17] =	ssyncset.done $0x0  }
0x13d: {  	[sflag:s17] =	ssyncadd.s32 $0xFFFFC000  }
0x13e: {  	[tilespmem:s16], [sflag:$0x1] =	stream.indirect.gather [hbm4b:s4+s19], $0x80, s1, s19, $0xb8;
	[tilespmem:$0x1D000] =	vst v63  }
0x13f: {  	_ =	swait.ge [sflag:s22], $0x4000  }
0x140: {  	[sflag:s22] =	ssyncset.done $0x0  }
0x141: {  	[sflag:s22] =	ssyncadd.s32 $0xFFFFC000  }
0x142: {  	[spmem:s2] =	stream.indirect.scatter.add.f32 [tilespmem:s20], [sflag:$0x3], $0x80, s0, s19, $0xb8;
	[tilespmem:$0x1D000] =	vst v63  }
0x143: {  	_ =	swait.ge [sflag:s17], $0x4000  }
0x144: {  	[sflag:s17] =	ssyncset.done $0x0  }
0x145: {  	[sflag:s17] =	ssyncadd.s32 $0xFFFFC000  }
0x146: {  	[tilespmem:s20], [sflag:$0x2] =	stream.indirect.gather [hbm4b:s4+s19], $0x80, s10, s19, $0xb8;
	[tilespmem:$0x1D000] =	vst v63  }
0x147: {  	_ =	swait.ge [sflag:s21], $0x4000  }
0x148: {  	[sflag:s21] =	ssyncset.done $0x0  }
0x149: {  	[sflag:s21] =	ssyncadd.s32 $0xFFFFC000  }
0x14a: {  	[spmem:s2] =	stream.indirect.scatter.add.f32 [tilespmem:s16], [sflag:$0x3], $0x80, s11, s19, $0xb8;
	[tilespmem:$0x1D000] =	vst v63  }
0x14b: {  	_ =	swait.ge [sflag:s17], $0x4000  }
0x14c: {  	[sflag:s17] =	ssyncset.done $0x0  }
0x14d: {  	[sflag:s17] =	ssyncadd.s32 $0xFFFFC000  }
0x14e: {  	[tilespmem:s16], [sflag:$0x1] =	stream.indirect.gather [hbm4b:s4+s19], $0x80, s12, s19, $0xb8;
	[tilespmem:$0x1D000] =	vst v63  }
0x14f: {  	_ =	swait.ge [sflag:s22], $0x4000  }
0x150: {  	[sflag:s22] =	ssyncset.done $0x0  }
0x151: {  	[sflag:s22] =	ssyncadd.s32 $0xFFFFC000  }
0x152: {  	[spmem:s2] =	stream.indirect.scatter.add.f32 [tilespmem:s20], [sflag:$0x3], $0x80, s13, s19, $0xb8;
	[tilespmem:$0x1D000] =	vst v63  }
0x153: {  	_ =	swait.ge [sflag:s17], $0x4000  }
0x154: {  	[sflag:s17] =	ssyncset.done $0x0  }
0x155: {  	[sflag:s17] =	ssyncadd.s32 $0xFFFFC000  }
0x156: {  	[tilespmem:s20], [sflag:$0x2] =	stream.indirect.gather [hbm4b:s4+s19], $0x80, s14, s19, $0xb8;
	[tilespmem:$0x1D000] =	vst v63  }
0x157: {  	_ =	swait.ge [sflag:s21], $0x4000  }
0x158: {  	[sflag:s21] =	ssyncset.done $0x0  }
0x159: {  	[sflag:s21] =	ssyncadd.s32 $0xFFFFC000  }
0x15a: {  	[spmem:s2] =	stream.indirect.scatter.add.f32 [tilespmem:s16], [sflag:$0x3], $0x80, s15, s19, $0xb8;
	[tilespmem:$0x1D000] =	vst v63  }
0x15b: {  	_ =	swait.ge [sflag:s17], $0x4000  }
0x15c: {  	[sflag:s17] =	ssyncset.done $0x0  }
0x15d: {  	[sflag:s17] =	ssyncadd.s32 $0xFFFFC000  }
0x15e: {  	[tilespmem:s16], [sflag:$0x1] =	stream.indirect.gather [hbm4b:s4+s19], $0x80, s14, s19, $0xb8;
	[tilespmem:$0x1D000] =	vst v63  }
0x15f: {  	_ =	swait.ge [sflag:s22], $0x4000  }
0x160: {  	[sflag:s22] =	ssyncset.done $0x0  }
0x161: {  	p0 =	sne.s32 s8, $0x400;
	[sflag:s22] =	ssyncadd.s32 $0xFFFFC000  }
0x162: {  	[spmem:s2] =	stream.indirect.scatter.add.f32 [tilespmem:s20], [sflag:$0x3], $0x80, s5, s19, $0xb8;
	[tilespmem:$0x1D000] =	vst v63  }
.Ltmp1:
0x163: {  	_ =	swait.ge [sflag:s17], $0x4000;
	(pc) =	sbr.rel @p0 .LBB2_4-.Ltmp1, $4  }
0x164: {  	[sflag:s17] =	ssyncset.done $0x0  }
0x165: {  	[sflag:s17] =	ssyncadd.s32 $0xFFFFC000  }
0x166: {  	s6 =	smov.u32 s8;
	s8 =	sadd.s32 $0x100, s8;
	_ =	swait.ge [sflag:s21], $0x4000  }
0x167: {  	s7 =	smov.u32 s6;
	s9 =	rddreg [dreg:$0x5];
	[sflag:s21] =	ssyncset.done $0x0  }
0x168: {  	[sflag:s21] =	ssyncadd.s32 $0xFFFFC000;
	s6 =	sadd.s32 s7, s9  }
0x169: {  	[tilespmem:s3], [sflag:$0x3] =	stream.linear.gather [hbm4b:s6+s3], $0x800, $0x38;
	[tilespmem:$0x1D000] =	vst v63  }
0x16a: {  	_ =	swait.ge [sflag:s17], $0x800  }
0x16b: {  	s9 =	rddreg [dreg:$0x4];
	[sflag:s17] =	ssyncset.done $0x0  }
0x16c: {  	s6 =	sadd.s32 s7, s9;
	[sflag:s17] =	ssyncadd.s32 $0xFFFFF800  }
0x16d: {  	[tilespmem:s18], [sflag:$0x3] =	stream.linear.gather [hbm4b:s6+s3], $0x800, $0x38;
	[tilespmem:$0x1D000] =	vst v63  }
0x16e: {  	_ =	swait.ge [sflag:s17], $0x800  }
0x16f: {  	[sflag:s17] =	ssyncset.done $0x0  }
0x170: {  	[sflag:s17] =	ssyncadd.s32 $0xFFFFF800  }
0x171: {  	[tilespmem:s16], [sflag:$0x1] =	stream.indirect.gather [hbm4b:s4+s19], $0x80, s3, s19, $0xb8;
	[tilespmem:$0x1D000] =	vst v63  }
0x172: {  	_ = 	snop  }
0x173: {  	[tilespmem:s20], [sflag:$0x2] =	stream.indirect.gather [hbm4b:s4+s19], $0x80, s19, s19, $0xb8;
	[tilespmem:$0x1D000] =	vst v63  }
0x174: {  	_ =	swait.ge [sflag:s21], $0x4000  }
0x175: {  	[sflag:s21] =	ssyncset.done $0x0  }
0x176: {  	[sflag:s21] =	ssyncadd.s32 $0xFFFFC000  }
0x177: {  	[spmem:s2] =	stream.indirect.scatter.add.f32 [tilespmem:s16], [sflag:$0x3], $0x80, s18, s19, $0xb8;
	[tilespmem:$0x1D000] =	vst v63  }
0x178: {  	_ =	swait.ge [sflag:s17], $0x4000  }
0x179: {  	[sflag:s17] =	ssyncset.done $0x0  }
0x17a: {  	s7 =	rddreg [dreg:$0x6];
	[sflag:s17] =	ssyncadd.s32 $0xFFFFC000  }
0x17b: {  	[tilespmem:s16], [sflag:$0x1] =	stream.indirect.gather [hbm4b:s4+s19], $0x80, s7, s19, $0xb8;
	[tilespmem:$0x1D000] =	vst v63  }
0x17c: {  	_ =	swait.ge [sflag:s22], $0x4000  }
0x17d: {  	[sflag:s22] =	ssyncset.done $0x0  }
0x17e: {  	s8 =	rddreg [dreg:$0x7];
	[sflag:s22] =	ssyncadd.s32 $0xFFFFC000  }
0x17f: {  	[spmem:s2] =	stream.indirect.scatter.add.f32 [tilespmem:s20], [sflag:$0x3], $0x80, s8, s19, $0xb8;
	[tilespmem:$0x1D000] =	vst v63  }
0x180: {  	_ =	swait.ge [sflag:s17], $0x4000  }
0x181: {  	[sflag:s17] =	ssyncset.done $0x0  }
0x182: {  	s9 =	rddreg [dreg:$0x8];
	[sflag:s17] =	ssyncadd.s32 $0xFFFFC000  }
0x183: {  	[tilespmem:s20], [sflag:$0x2] =	stream.indirect.gather [hbm4b:s4+s19], $0x80, s9, s19, $0xb8;
	[tilespmem:$0x1D000] =	vst v63  }
0x184: {  	_ =	swait.ge [sflag:s21], $0x4000  }
0x185: {  	[sflag:s21] =	ssyncset.done $0x0  }
0x186: {  	s7 =	rddreg [dreg:$0x9];
	[sflag:s21] =	ssyncadd.s32 $0xFFFFC000  }
0x187: {  	[spmem:s2] =	stream.indirect.scatter.add.f32 [tilespmem:s16], [sflag:$0x3], $0x80, s7, s19, $0xb8;
	[tilespmem:$0x1D000] =	vst v63  }
0x188: {  	_ =	swait.ge [sflag:s17], $0x4000  }
0x189: {  	[sflag:s17] =	ssyncset.done $0x0  }
0x18a: {  	s8 =	rddreg [dreg:$0xa];
	[sflag:s17] =	ssyncadd.s32 $0xFFFFC000  }
0x18b: {  	[tilespmem:s16], [sflag:$0x1] =	stream.indirect.gather [hbm4b:s4+s19], $0x80, s8, s19, $0xb8;
	[tilespmem:$0x1D000] =	vst v63  }
0x18c: {  	_ =	swait.ge [sflag:s22], $0x4000  }
0x18d: {  	[sflag:s22] =	ssyncset.done $0x0  }
0x18e: {  	s9 =	rddreg [dreg:$0xb];
	[sflag:s22] =	ssyncadd.s32 $0xFFFFC000  }
0x18f: {  	[spmem:s2] =	stream.indirect.scatter.add.f32 [tilespmem:s20], [sflag:$0x3], $0x80, s9, s19, $0xb8;
	[tilespmem:$0x1D000] =	vst v63  }
0x190: {  	_ =	swait.ge [sflag:s17], $0x4000  }
0x191: {  	[sflag:s17] =	ssyncset.done $0x0  }
0x192: {  	s7 =	rddreg [dreg:$0xc];
	[sflag:s17] =	ssyncadd.s32 $0xFFFFC000  }
0x193: {  	[tilespmem:s20], [sflag:$0x2] =	stream.indirect.gather [hbm4b:s4+s19], $0x80, s7, s19, $0xb8;
	[tilespmem:$0x1D000] =	vst v63  }
0x194: {  	_ =	swait.ge [sflag:s21], $0x4000  }
0x195: {  	[sflag:s21] =	ssyncset.done $0x0  }
0x196: {  	s8 =	rddreg [dreg:$0xd];
	[sflag:s21] =	ssyncadd.s32 $0xFFFFC000  }
0x197: {  	[spmem:s2] =	stream.indirect.scatter.add.f32 [tilespmem:s16], [sflag:$0x3], $0x80, s8, s19, $0xb8;
	[tilespmem:$0x1D000] =	vst v63  }
0x198: {  	_ =	swait.ge [sflag:s17], $0x4000  }
0x199: {  	[sflag:s17] =	ssyncset.done $0x0  }
0x19a: {  	s9 =	rddreg [dreg:$0xe];
	[sflag:s17] =	ssyncadd.s32 $0xFFFFC000  }
0x19b: {  	[tilespmem:s16], [sflag:$0x1] =	stream.indirect.gather [hbm4b:s4+s19], $0x80, s9, s19, $0xb8;
	[tilespmem:$0x1D000] =	vst v63  }
0x19c: {  	_ =	swait.ge [sflag:s22], $0x4000  }
0x19d: {  	[sflag:s22] =	ssyncset.done $0x0  }
0x19e: {  	s7 =	rddreg [dreg:$0xf];
	[sflag:s22] =	ssyncadd.s32 $0xFFFFC000  }
0x19f: {  	[spmem:s2] =	stream.indirect.scatter.add.f32 [tilespmem:s20], [sflag:$0x3], $0x80, s7, s19, $0xb8;
	[tilespmem:$0x1D000] =	vst v63  }
0x1a0: {  	_ =	swait.ge [sflag:s17], $0x4000  }
0x1a1: {  	[sflag:s17] =	ssyncset.done $0x0  }
0x1a2: {  	s8 =	rddreg [dreg:$0x10];
	[sflag:s17] =	ssyncadd.s32 $0xFFFFC000  }
0x1a3: {  	[tilespmem:s20], [sflag:$0x2] =	stream.indirect.gather [hbm4b:s4+s19], $0x80, s8, s19, $0xb8;
	[tilespmem:$0x1D000] =	vst v63  }
0x1a4: {  	_ =	swait.ge [sflag:s21], $0x4000  }
0x1a5: {  	[sflag:s21] =	ssyncset.done $0x0  }
0x1a6: {  	s9 =	rddreg [dreg:$0x11];
	[sflag:s21] =	ssyncadd.s32 $0xFFFFC000  }
0x1a7: {  	[spmem:s2] =	stream.indirect.scatter.add.f32 [tilespmem:s16], [sflag:$0x3], $0x80, s9, s19, $0xb8;
	[tilespmem:$0x1D000] =	vst v63  }
0x1a8: {  	_ =	swait.ge [sflag:s17], $0x4000  }
0x1a9: {  	[sflag:s17] =	ssyncset.done $0x0  }
0x1aa: {  	[sflag:s17] =	ssyncadd.s32 $0xFFFFC000  }
0x1ab: {  	[tilespmem:s16], [sflag:$0x1] =	stream.indirect.gather [hbm4b:s4+s19], $0x80, s23, s19, $0xb8;
	[tilespmem:$0x1D000] =	vst v63  }
0x1ac: {  	_ =	swait.ge [sflag:s22], $0x4000  }
0x1ad: {  	[sflag:s22] =	ssyncset.done $0x0  }
0x1ae: {  	[sflag:s22] =	ssyncadd.s32 $0xFFFFC000  }
0x1af: {  	[spmem:s2] =	stream.indirect.scatter.add.f32 [tilespmem:s20], [sflag:$0x3], $0x80, s24, s19, $0xb8;
	[tilespmem:$0x1D000] =	vst v63  }
0x1b0: {  	_ =	swait.ge [sflag:s17], $0x4000  }
0x1b1: {  	[sflag:s17] =	ssyncset.done $0x0  }
0x1b2: {  	[sflag:s17] =	ssyncadd.s32 $0xFFFFC000  }
0x1b3: {  	[tilespmem:s20], [sflag:$0x2] =	stream.indirect.gather [hbm4b:s4+s19], $0x80, s25, s19, $0xb8;
	[tilespmem:$0x1D000] =	vst v63  }
0x1b4: {  	_ =	swait.ge [sflag:s21], $0x4000  }
0x1b5: {  	[sflag:s21] =	ssyncset.done $0x0  }
0x1b6: {  	[sflag:s21] =	ssyncadd.s32 $0xFFFFC000  }
0x1b7: {  	[spmem:s2] =	stream.indirect.scatter.add.f32 [tilespmem:s16], [sflag:$0x3], $0x80, s26, s19, $0xb8;
	[tilespmem:$0x1D000] =	vst v63  }
0x1b8: {  	_ =	swait.ge [sflag:s17], $0x4000  }
0x1b9: {  	[sflag:s17] =	ssyncset.done $0x0  }
0x1ba: {  	[sflag:s17] =	ssyncadd.s32 $0xFFFFC000  }
0x1bb: {  	[tilespmem:s16], [sflag:$0x1] =	stream.indirect.gather [hbm4b:s4+s19], $0x80, s28, s19, $0xb8;
	[tilespmem:$0x1D000] =	vst v63  }
0x1bc: {  	_ =	swait.ge [sflag:s22], $0x4000  }
0x1bd: {  	[sflag:s22] =	ssyncset.done $0x0  }
0x1be: {  	[sflag:s22] =	ssyncadd.s32 $0xFFFFC000  }
0x1bf: {  	[spmem:s2] =	stream.indirect.scatter.add.f32 [tilespmem:s20], [sflag:$0x3], $0x80, s29, s19, $0xb8;
	[tilespmem:$0x1D000] =	vst v63  }
0x1c0: {  	_ =	swait.ge [sflag:s17], $0x4000  }
0x1c1: {  	[sflag:s17] =	ssyncset.done $0x0  }
0x1c2: {  	[sflag:s17] =	ssyncadd.s32 $0xFFFFC000  }
0x1c3: {  	[tilespmem:s20], [sflag:$0x2] =	stream.indirect.gather [hbm4b:s4+s19], $0x80, s30, s19, $0xb8;
	[tilespmem:$0x1D000] =	vst v63  }
0x1c4: {  	_ =	swait.ge [sflag:s21], $0x4000  }
0x1c5: {  	[sflag:s21] =	ssyncset.done $0x0  }
0x1c6: {  	[sflag:s21] =	ssyncadd.s32 $0xFFFFC000  }
0x1c7: {  	[spmem:s2] =	stream.indirect.scatter.add.f32 [tilespmem:s16], [sflag:$0x3], $0x80, s31, s19, $0xb8;
	[tilespmem:$0x1D000] =	vst v63  }
0x1c8: {  	_ =	swait.ge [sflag:s17], $0x4000  }
0x1c9: {  	[sflag:s17] =	ssyncset.done $0x0  }
0x1ca: {  	[sflag:s17] =	ssyncadd.s32 $0xFFFFC000  }
0x1cb: {  	[tilespmem:s16], [sflag:$0x1] =	stream.indirect.gather [hbm4b:s4+s19], $0x80, s1, s19, $0xb8;
	[tilespmem:$0x1D000] =	vst v63  }
0x1cc: {  	_ =	swait.ge [sflag:s22], $0x4000  }
0x1cd: {  	[sflag:s22] =	ssyncset.done $0x0  }
0x1ce: {  	[sflag:s22] =	ssyncadd.s32 $0xFFFFC000  }
0x1cf: {  	[spmem:s2] =	stream.indirect.scatter.add.f32 [tilespmem:s20], [sflag:$0x3], $0x80, s0, s19, $0xb8;
	[tilespmem:$0x1D000] =	vst v63  }
0x1d0: {  	_ =	swait.ge [sflag:s17], $0x4000  }
0x1d1: {  	[sflag:s17] =	ssyncset.done $0x0  }
0x1d2: {  	[sflag:s17] =	ssyncadd.s32 $0xFFFFC000  }
0x1d3: {  	[tilespmem:s20], [sflag:$0x2] =	stream.indirect.gather [hbm4b:s4+s19], $0x80, s10, s19, $0xb8;
	[tilespmem:$0x1D000] =	vst v63  }
0x1d4: {  	_ =	swait.ge [sflag:s21], $0x4000  }
0x1d5: {  	[sflag:s21] =	ssyncset.done $0x0  }
0x1d6: {  	[sflag:s21] =	ssyncadd.s32 $0xFFFFC000  }
0x1d7: {  	[spmem:s2] =	stream.indirect.scatter.add.f32 [tilespmem:s16], [sflag:$0x3], $0x80, s11, s19, $0xb8;
	[tilespmem:$0x1D000] =	vst v63  }
0x1d8: {  	_ =	swait.ge [sflag:s17], $0x4000  }
0x1d9: {  	[sflag:s17] =	ssyncset.done $0x0  }
0x1da: {  	[sflag:s17] =	ssyncadd.s32 $0xFFFFC000  }
0x1db: {  	[tilespmem:s16], [sflag:$0x1] =	stream.indirect.gather [hbm4b:s4+s19], $0x80, s12, s19, $0xb8;
	[tilespmem:$0x1D000] =	vst v63  }
0x1dc: {  	_ =	swait.ge [sflag:s22], $0x4000  }
0x1dd: {  	[sflag:s22] =	ssyncset.done $0x0  }
0x1de: {  	[sflag:s22] =	ssyncadd.s32 $0xFFFFC000  }
0x1df: {  	[spmem:s2] =	stream.indirect.scatter.add.f32 [tilespmem:s20], [sflag:$0x3], $0x80, s13, s19, $0xb8;
	[tilespmem:$0x1D000] =	vst v63  }
0x1e0: {  	_ =	swait.ge [sflag:s17], $0x4000  }
0x1e1: {  	[sflag:s17] =	ssyncset.done $0x0  }
0x1e2: {  	[sflag:s17] =	ssyncadd.s32 $0xFFFFC000  }
0x1e3: {  	[tilespmem:s20], [sflag:$0x2] =	stream.indirect.gather [hbm4b:s4+s19], $0x80, s14, s19, $0xb8;
	[tilespmem:$0x1D000] =	vst v63  }
0x1e4: {  	_ =	swait.ge [sflag:s21], $0x4000  }
0x1e5: {  	[sflag:s21] =	ssyncset.done $0x0  }
0x1e6: {  	[sflag:s21] =	ssyncadd.s32 $0xFFFFC000  }
0x1e7: {  	[spmem:s2] =	stream.indirect.scatter.add.f32 [tilespmem:s16], [sflag:$0x3], $0x80, s15, s19, $0xb8;
	[tilespmem:$0x1D000] =	vst v63  }
0x1e8: {  	_ =	swait.ge [sflag:s17], $0x4000  }
0x1e9: {  	[sflag:s17] =	ssyncset.done $0x0  }
0x1ea: {  	[sflag:s17] =	ssyncadd.s32 $0xFFFFC000  }
0x1eb: {  	[tilespmem:s16], [sflag:$0x1] =	stream.indirect.gather [hbm4b:s4+s19], $0x80, s14, s19, $0xb8;
	[tilespmem:$0x1D000] =	vst v63  }
0x1ec: {  	_ =	swait.ge [sflag:s22], $0x4000  }
0x1ed: {  	[sflag:s22] =	ssyncset.done $0x0  }
0x1ee: {  	[sflag:s22] =	ssyncadd.s32 $0xFFFFC000  }
0x1ef: {  	[spmem:s2] =	stream.indirect.scatter.add.f32 [tilespmem:s20], [sflag:$0x3], $0x80, s5, s19, $0xb8;
	[tilespmem:$0x1D000] =	vst v63  }
0x1f0: {  	_ =	swait.ge [sflag:s17], $0x4000  }
0x1f1: {  	[sflag:s17] =	ssyncset.done $0x0  }
0x1f2: {  	[sflag:s17] =	ssyncadd.s32 $0xFFFFC000  }
0x1f3: {  	_ =	swait.ge [sflag:s21], $0x4000  }
0x1f4: {  	[sflag:s21] =	ssyncset.done $0x0  }
0x1f5: {  	[sflag:s21] =	ssyncadd.s32 $0xFFFFC000  }
0x1f6: {  	[bflag:$0x0] =	sbarrier.arrive $0xFFFF  }
0x1f7: {  	s7 =	rddreg [dreg:$0x12]  }
0x1f8: {  	[tilespmem:s16], [sflag:$0x3] =	stream.linear.gather [spmem:s7], $0x4000, $0x38;
	[tilespmem:$0x1D000] =	vst v63  }
0x1f9: {  	_ =	swait.ge [sflag:s17], $0x4000  }
0x1fa: {  	[sflag:s17] =	ssyncset.done $0x0  }
0x1fb: {  	s8 =	rddreg [dreg:$0x17];
	[sflag:s17] =	ssyncadd.s32 $0xFFFFC000  }
0x1fc: {  	[hbm4b:s8+s3] =	stream.linear.scatter [tilespmem:s16], [sflag:$0x3], $0x4000, $0x38;
	[tilespmem:$0x1D000] =	vst v63  }
0x1fd: {  	_ =	swait.ge [sflag:s17], $0x4000  }
0x1fe: {  	[sflag:s17] =	ssyncset.done $0x0  }
0x1ff: {  	s9 =	rddreg [dreg:$0x13];
	[sflag:s17] =	ssyncadd.s32 $0xFFFFC000  }
0x200: {  	[tilespmem:s16], [sflag:$0x3] =	stream.linear.gather [spmem:s9], $0x4000, $0x38;
	[tilespmem:$0x1D000] =	vst v63  }
0x201: {  	_ =	swait.ge [sflag:s17], $0x4000  }
0x202: {  	[sflag:s17] =	ssyncset.done $0x0  }
0x203: {  	s7 =	rddreg [dreg:$0x18];
	[sflag:s17] =	ssyncadd.s32 $0xFFFFC000  }
0x204: {  	[hbm4b:s7+s3] =	stream.linear.scatter [tilespmem:s16], [sflag:$0x3], $0x4000, $0x38;
	[tilespmem:$0x1D000] =	vst v63  }
0x205: {  	_ =	swait.ge [sflag:s17], $0x4000  }
0x206: {  	[sflag:s17] =	ssyncset.done $0x0  }
0x207: {  	s8 =	rddreg [dreg:$0x14];
	[sflag:s17] =	ssyncadd.s32 $0xFFFFC000  }
0x208: {  	[tilespmem:s16], [sflag:$0x3] =	stream.linear.gather [spmem:s8], $0x4000, $0x38;
	[tilespmem:$0x1D000] =	vst v63  }
0x209: {  	_ =	swait.ge [sflag:s17], $0x4000  }
0x20a: {  	[sflag:s17] =	ssyncset.done $0x0  }
0x20b: {  	s9 =	rddreg [dreg:$0x19];
	[sflag:s17] =	ssyncadd.s32 $0xFFFFC000  }
0x20c: {  	[hbm4b:s9+s3] =	stream.linear.scatter [tilespmem:s16], [sflag:$0x3], $0x4000, $0x38;
	[tilespmem:$0x1D000] =	vst v63  }
0x20d: {  	_ =	swait.ge [sflag:s17], $0x4000  }
0x20e: {  	[sflag:s17] =	ssyncset.done $0x0  }
0x20f: {  	s7 =	rddreg [dreg:$0x15];
	[sflag:s17] =	ssyncadd.s32 $0xFFFFC000  }
0x210: {  	[tilespmem:s16], [sflag:$0x3] =	stream.linear.gather [spmem:s7], $0x4000, $0x38;
	[tilespmem:$0x1D000] =	vst v63  }
0x211: {  	_ =	swait.ge [sflag:s17], $0x4000  }
0x212: {  	[sflag:s17] =	ssyncset.done $0x0  }
0x213: {  	s8 =	rddreg [dreg:$0x1a];
	[sflag:s17] =	ssyncadd.s32 $0xFFFFC000  }
0x214: {  	[hbm4b:s8+s3] =	stream.linear.scatter [tilespmem:s16], [sflag:$0x3], $0x4000, $0x38;
	[tilespmem:$0x1D000] =	vst v63  }
0x215: {  	_ =	swait.ge [sflag:s17], $0x4000  }
0x216: {  	[sflag:s17] =	ssyncset.done $0x0  }
0x217: {  	s9 =	rddreg [dreg:$0x16];
	[sflag:s17] =	ssyncadd.s32 $0xFFFFC000  }
0x218: {  	[tilespmem:s16], [sflag:$0x3] =	stream.linear.gather [spmem:s9], $0x4000, $0x38;
	[tilespmem:$0x1D000] =	vst v63  }
0x219: {  	_ =	swait.ge [sflag:s17], $0x4000  }
0x21a: {  	[sflag:s17] =	ssyncset.done $0x0  }
0x21b: {  	s7 =	rddreg [dreg:$0x1b];
	[sflag:s17] =	ssyncadd.s32 $0xFFFFC000  }
0x21c: {  	[hbm4b:s7+s3] =	stream.linear.scatter [tilespmem:s16], [sflag:$0x3], $0x4000, $0x38;
	[tilespmem:$0x1D000] =	vst v63  }
0x21d: {  	_ =	swait.ge [sflag:s17], $0x4000  }
0x21e: {  	s8 =	rddreg [dreg:$0x1d]  }
0x21f: {  	s9 =	rddreg [dreg:$0x1c];
	s7 =	sadd.s32 $0x1, s8  }
0x220: {  	p0 =	sne.s32 s7, s9  }
.Ltmp2:
0x221: {  	_ = 	snop;
	(pc) =	sbr.rel @p0 .LBB2_1-.Ltmp2, $3  }
0x222: {  	_ =	sdelay $0x1  }
0x223: {  	[sflag:s17] =	ssyncset.done $0x0  }
0x224: {  	[sflag:s17] =	ssyncadd.s32 $0xFFFFC000  }
0x225: {  	_ =	sfence.sel $0x180000  }
0x226: {  	[bflag:$0x0] =	sbarrier.arrive $0xFFFF  }
0x227: {  	_ =	strace $0x9000004A  }
0x228: {  	s0 =	stileid.u32;
	[bflag:$0x2] =	sbarrier.arrive $0xFFFF  }
0x229: {  	p0 =	sne.s32 s0, $0x0;
	s0 =	rddreg [dreg:$0x3]  }
0x22a: {  	s0 =	sadd.s32 @!p0 $0x100000, s0  }
0x22b: {  	[sflag:s0] =	ssyncadd.tile.s32 @!p0 $0x1;
	_ =	shalt  }
.Lfunc_end2:
_tile_overlayer_lowered:
.L_overlay_start_2:
0x22c: {  	(tag) =	ssettag $0x2  }
0x22d: {  	s0 =	rddreg [dreg:$0x0];
	s2 =	stileid.u32  }
0x22e: {  	s1 =	rddreg [dreg:$0x1];
	p0 =	sne.s32 s2, $0x0  }
0x22f: {  	s3 =	rddreg [dreg:$0x2];
	[bflag:$0x3] =	sbarrier.arrive $0xFFFF;
	s2 =	simm.s32 @!p0 $0x1C03  }
0x230: {  	[timem:s3], [sflag:s2] =	dma.local @!p0 [hbm:s0], s1  }
0x231: {  	s0 =	simm.s32 @!p0 $0x3  }
0x232: {  	_ =	swait.ge @!p0 [sflag:s0], s1  }
0x233: {  	s1 =	ssub.s32 @!p0 $0x0, s1;
	[sflag:s0] =	ssyncset.done @!p0 $0x0  }
0x234: {  	[sflag:s0] =	ssyncadd.s32 @!p0 s1  }
0x235: {  	[bflag:$0x3] =	sbarrier.arrive $0xFFFF  }
0x236: {  	_ =	shalt  }

// kernel: kernel.14.cloned.1.call-start
scs
__scs_entry_jumppad:
0x0: {  	(pc) =	sbr.rel $0x88, $3  }
0x1: {  	(tag) =	ssettag $0x0;
	lr =	simm.s32 $0x1  }
0x2: {  	[smem:$0x3F9B] =	sst lr;
	_ =	strace $0xD0000000  }
0x3: {  	_ = 	snop  }
0x4: {  	_ = 	snop  }
0x5: {  	_ = 	snop  }
0x6: {  	_ = 	snop  }
0x7: {  	_ = 	snop  }
__scs_overlays_trampoline_lowered:
0x8: {  	[smem:$0x3FAA] =	sst s0  }
0x9: {  	[smem:$0x3FAB] =	sst s1  }
0xa: {  	[smem:$0x3FAC] =	sst s2  }
0xb: {  	[smem:$0x3FAD] =	sst s3  }
0xc: {  	[smem:$0x3FAE] =	sst s4  }
0xd: {  	[smem:$0x3FAF] =	sst s5  }
0xe: {  	[smem:$0x3FB0] =	sst s6  }
0xf: {  	[smem:$0x3FB1] =	sst s7  }
0x10: {  	[smem:$0x3FB2] =	sst s8  }
0x11: {  	[smem:$0x3FB3] =	sst s9;
	s0 =	simm.s32 @!p0 $0x0  }
0x12: {  	s1 =	sld [smem:$0x3F99];
	s0 =	simm.s32 @p0 $0x1  }
0x13: {  	[smem:$0x3FB4] =	sst s0;
	s0 =	simm.s32 @!p1 $0x0  }
0x14: {  	s2 =	sld [smem:$0x3F98];
	s0 =	simm.s32 @p1 $0x1  }
0x15: {  	[smem:$0x3FB5] =	sst s0;
	s0 =	simm.s32 @!p2 $0x0  }
0x16: {  	s3 =	sld [smem:$0x3FDB];
	s0 =	simm.s32 @p2 $0x1  }
0x17: {  	s4 =	simm.s32 $0x1BF5;
	[smem:$0x3FB7] =	sst s0  }
0x18: {  	s0 =	sld [smem:$0x3F9A];
	_ =	swait.ge [sflag:s4], $0x0  }
0x19: {  	s7 =	sld [smem:$0x3F9B]  }
0x1a: {  	s8 =	sadd.s32 $0xFFFFE003, lr  }
0x1b: {  	s9 =	sadd.s32 $0xFFFFFEF7, lr;
	s5 =	simm.s32 $0xFFFFFFFF;
	p2 =	slt.u32 s8, $0xFFFFF086  }
0x1c: {  	p1 =	slt.u32 s9, $0xF7A;
	s5 =	simm.s32 @!p2 $0x0  }
0x1d: {  	s5 =	simm.s32 @p1 $0x1;
	p0 =	seq.s32 s7, s2  }
0x1e: {  	s7 =	smul.u32 @!p0 $0xF7A, s2;
	p2 =	seq.s32 @!p0 s5, $0x0  }
0x1f: {  	s9 =	smul.u32 $0xF7A, s1;
	s8 =	simm.s32 @!p0 $0x1BF5;
	p2 =	por !p2, p0  }
0x20: {  	[sflag:s8] =	ssyncset.s32 @!p0 $0xFFFFF086;
	s6 =	sadd.s32 @!p0 s3, s7;
	s7 =	simm.s32 @!p0 $0x108  }
0x21: {  	s3 =	sadd.s32 s3, s9;
	s6 =	sadd.s32 @!p0 $0x88, s6;
	s7 =	simm.s32 @p2 $0x1082  }
0x22: {  	[simem:s7], [sflag:s8] =	dma.local @!p0 [hbm:s6], $0xF7A  }
0x23: {  	s9 =	sor.u32 $0xD0000000, s2;
	s6 =	simm.s32 $0x108;
	_ =	swait.ge @!p0 [sflag:s8], $0x0  }
0x24: {  	s3 =	sadd.s32 $0x88, s3;
	s6 =	simm.s32 @!p1 $0x1082;
	[sflag:s4] =	ssyncset.s32 $0xFFFFF086  }
0x25: {  	[simem:s6], [sflag:s4] =	dma.local [hbm:s3], $0xF7A  }
0x26: {  	[smem:$0x3F9B] =	sst s1;
	(tag) =	ssettag s2;
	_ =	strace s9  }
0x27: {  	s1 =	sld [smem:$0x3FAB]  }
0x28: {  	s2 =	sld [smem:$0x3FAC]  }
0x29: {  	s4 =	sld [smem:$0x3FAE]  }
0x2a: {  	p0 =	seq.s32 s5, $0x0;
	s5 =	sld [smem:$0x3FAF]  }
0x2b: {  	s6 =	sld [smem:$0x3FB0]  }
0x2c: {  	s7 =	sld [smem:$0x3FB1]  }
0x2d: {  	s3 =	simm.s32 $0x108;
	s8 =	sld [smem:$0x3FB2]  }
0x2e: {  	s3 =	simm.s32 @!p0 $0x1082;
	s9 =	sld [smem:$0x3FB3]  }
0x2f: {  	lr =	sadd.s32 s0, s3;
	s0 =	sld [smem:$0x3FAA]  }
0x30: {  	s3 =	sld [smem:$0x3FAD]  }
0x31: {  	[smem:$0x3FB6] =	sst s10  }
0x32: {  	s10 =	sld [smem:$0x3FB4];
	_ =	sdelay $0x3  }
0x33: {  	p0 =	seq.s32 s10, $0x1;
	s10 =	sld [smem:$0x3FB6];
	_ =	sdelay $0x3  }
0x34: {  	[smem:$0x3FB6] =	sst s10  }
0x35: {  	s10 =	sld [smem:$0x3FB5];
	_ =	sdelay $0x3  }
0x36: {  	p1 =	seq.s32 s10, $0x1;
	s10 =	sld [smem:$0x3FB6];
	_ =	sdelay $0x3  }
0x37: {  	[smem:$0x3FB6] =	sst s10  }
0x38: {  	s10 =	sld [smem:$0x3FB7]  }
0x39: {  	_ = 	snop;
	(pc) =	sbr.ind lr, $3  }
0x3a: {  	_ = 	snop  }
0x3b: {  	_ = 	snop  }
0x3c: {  	p2 =	seq.s32 s10, $0x1;
	s10 =	sld [smem:$0x3FB6]  }
0x3d: {  	_ =	shalt  }
0x3e: {  	_ =	shalt  }
0x3f: {  	_ =	shalt  }
0x40: {  	_ =	shalt  }
0x41: {  	_ =	shalt  }
0x42: {  	_ =	shalt  }
0x43: {  	_ =	shalt  }
0x44: {  	_ =	shalt  }
0x45: {  	_ =	shalt  }
0x46: {  	_ =	shalt  }
0x47: {  	_ =	shalt  }
0x48: {  	_ =	shalt  }
0x49: {  	_ =	shalt  }
0x4a: {  	_ =	shalt  }
0x4b: {  	_ =	shalt  }
0x4c: {  	_ =	shalt  }
0x4d: {  	_ =	shalt  }
0x4e: {  	_ =	shalt  }
0x4f: {  	_ =	shalt  }
0x50: {  	_ =	shalt  }
0x51: {  	_ =	shalt  }
0x52: {  	_ =	shalt  }
0x53: {  	_ =	shalt  }
0x54: {  	_ =	shalt  }
0x55: {  	_ =	shalt  }
0x56: {  	_ =	shalt  }
0x57: {  	_ =	shalt  }
0x58: {  	_ =	shalt  }
0x59: {  	_ =	shalt  }
0x5a: {  	_ =	shalt  }
0x5b: {  	_ =	shalt  }
0x5c: {  	_ =	shalt  }
0x5d: {  	_ =	shalt  }
0x5e: {  	_ =	shalt  }
0x5f: {  	_ =	shalt  }
0x60: {  	_ =	shalt  }
0x61: {  	_ =	shalt  }
0x62: {  	_ =	shalt  }
0x63: {  	_ =	shalt  }
0x64: {  	_ =	shalt  }
0x65: {  	_ =	shalt  }
0x66: {  	_ =	shalt  }
0x67: {  	_ =	shalt  }
0x68: {  	_ =	shalt  }
0x69: {  	_ =	shalt  }
0x6a: {  	_ =	shalt  }
0x6b: {  	_ =	shalt  }
0x6c: {  	_ =	shalt  }
0x6d: {  	_ =	shalt  }
0x6e: {  	_ =	shalt  }
0x6f: {  	_ =	shalt  }
0x70: {  	_ =	shalt  }
0x71: {  	_ =	shalt  }
0x72: {  	_ =	shalt  }
0x73: {  	_ =	shalt  }
0x74: {  	_ =	shalt  }
0x75: {  	_ =	shalt  }
0x76: {  	_ =	shalt  }
0x77: {  	_ =	shalt  }
0x78: {  	_ =	shalt  }
0x79: {  	_ =	shalt  }
0x7a: {  	_ =	shalt  }
0x7b: {  	_ =	shalt  }
0x7c: {  	_ =	shalt  }
0x7d: {  	_ =	shalt  }
0x7e: {  	_ =	shalt  }
0x7f: {  	_ =	shalt  }
0x80: {  	_ =	shalt  }
0x81: {  	_ =	shalt  }
0x82: {  	_ =	shalt  }
0x83: {  	_ =	shalt  }
0x84: {  	_ =	shalt  }
0x85: {  	_ =	shalt  }
0x86: {  	_ =	shalt  }
0x87: {  	_ =	shalt  }
.Lfunc_end0:
.L_simem_size_0:
called_computation.2_lowered:
.L_overlay_start_0:
0x88: {  	s2 =	sld [smem:$0x3FD9]  }
0x89: {  	s3 =	sld [smem:$0x3FFE];
	_ =	sdelay $0x1  }
0x8a: {  	s1 =	srdreg.scid  }
0x8b: {  	s0 =	sand.u32 $0x1, s1  }
0x8c: {  	s17 =	sshll.u32 s0, $0xA;
	s2 =	sadd.s32 s3, s2  }
0x8d: {  	s2 =	sadd.s32 s2, s17  }
0x8e: {  	[smem:$0x3FC2] =	sst s2  }
0x8f: {  	_ = 	snop  }
0x90: {  	s2 =	sld [smem:$0x3FD0];
	(tm) =	ssettm $0x1  }
0x91: {  	s18 =	sld [smem:$0x3FFB];
	_ =	sdelay $0x3  }
0x92: {  	_ =	strace s18  }
0x93: {  	s3 =	sld [smem:$0x3FFC];
	_ =	sdelay $0x3  }
0x94: {  	_ =	strace s3  }
0x95: {  	s3 =	sld [smem:$0x3FFD];
	_ =	sdelay $0x3  }
0x96: {  	_ =	strace s3  }
0x97: {  	_ =	strace $0x8FFFFFFF  }
0x98: {  	s19 =	sld [smem:$0x3FDB];
	_ =	sdelay $0x1  }
0x99: {  	s4 =	simm.s32 $_scs_section_size  }
0x9a: {  	s5 =	simm.s32 $_size__tile_overlayer_lowered;
	s6 =	simm.s32 $_tile_overlayer_lowered  }
0x9b: {  	s22 =	simm.s32 $0x1BFF;
	s21 =	sshll.u32 s6, $0x1;
	s3 =	sadd.s32 s4, s19  }
0x9c: {  	s7 =	simm.s32 $0x0;
	s20 =	sshll.u32 s5, $0x1;
	s5 =	sadd.s32 s21, s3  }
0x9d: {  	[timem:s7], [sflag:s22] =	dma.local [hbm:s5], s20  }
0x9e: {  	_ =	swait.ge [sflag:s22], s20  }
0x9f: {  	s4 =	ssub.s32 $0x0, s20;
	[sflag:s22] =	ssyncset.done $0x0  }
0xa0: {  	[sflag:s22] =	ssyncadd.s32 s4;
	_ =	sdelay $0x1  }
0xa1: {  	s23 =	simm.s32 $0x1B8B  }
0xa2: {  	_ =	swait.ge [sflag:s23], $0x1  }
0xa3: {  	[sflag:s23] =	ssyncset.done $0x0  }
0xa4: {  	s25 =	simm.s32 $0x1B8E;
	s24 =	sld [smem:$0x3FFE];
	[sflag:s23] =	ssyncadd.s32 $0xFFFFFFFF  }
0xa5: {  	s26 =	simm.s32 $execute0_lowered;
	[smem:$0x3FD2] =	sst s25  }
0xa6: {  	s5 =	sshll.u32 s26, $0x1;
	_ =	strace $0x8000004C;
	[dreg:$0x1] =	wrdreg $0xFFFFFFFF  }
0xa7: {  	s28 =	simm.s32 $_size_execute0_lowered;
	s3 =	sadd.s32 s3, s5;
	[dreg:$0x0] =	wrdreg $0x0  }
0xa8: {  	s5 =	sshll.u32 s28, $0x1;
	[dreg:$0x2] =	wrdreg s3  }
0xa9: {  	[dreg:$0x3] =	wrdreg s5  }
0xaa: {  	[dreg:$0x4] =	wrdreg $0xC0  }
0xab: {  	_ =	task [dreg:s7], $0x5FFFF  }
0xac: {  	[dreg:$0x1] =	wrdreg $0xFFFFFFFF  }
0xad: {  	[dreg:$0x0] =	wrdreg $0x60  }
0xae: {  	[dreg:$0x2] =	wrdreg s24  }
0xaf: {  	[dreg:$0x3] =	wrdreg s2  }
0xb0: {  	[dreg:$0x4] =	wrdreg $0x90000  }
0xb1: {  	[dreg:$0x5] =	wrdreg $0x9  }
0xb2: {  	_ =	task.clear_ibuf [dreg:s7], $0x6FFFF;
	_ =	strace $0x9000004C  }
0xb3: {  	s29 =	simm.s32 $0x9;
	_ =	strace $0x8000004E  }
0xb4: {  	_ =	swait.ge [sflag:s29], $0x1  }
0xb5: {  	[sflag:s29] =	ssyncadd.s32 $0xFFFFFFFF  }
0xb6: {  	_ =	strace $0x9000004E  }
0xb7: {  	_ =	sfence  }
0xb8: {  	s30 =	sld [smem:$0x0];
	_ =	sdelay $0x2  }
0xb9: {  	s31 =	sshll.u32 s1, $0xD;
	s1 =	sshrl.u32 s1, $0x2  }
0xba: {  	s3 =	sand.u32 $0x4000, s31;
	s1 =	sadd.s32 s1, s30  }
0xbb: {  	s0 =	sor.u32 s3, s0;
	s1 =	sshll.u32 s1, $0x11  }
0xbc: {  	s0 =	sor.u32 s1, s0  }
0xbd: {  	s0 =	sadd.s32 $0x8F2B, s0  }
0xbe: {  	[sflag:s0] =	ssyncadd.remote.s32 $0x1  }
0xbf: {  	_ =	sfence.sel $0xFFFF  }
0xc0: {  	[dreg:$0x0] =	wrdreg $0xFFFFFFFF;
	(pc) =	sbr.abs _section_cstart, $3  }
0xc1: {  	[dreg:$0x1] =	wrdreg $0xFFFFFFFF  }
0xc2: {  	_ =	task.clear_ibuf [dreg:s7], $0x2FFFF;
	_ =	strace $0x9FFFFFFF  }
0xc3: {  	(tm) =	ssettm $0x7FFFFFFF  }
tec
execute0_lowered:
.L_overlay_start_1:
0x0: {  	(tag) =	ssettag $0x1  }
0x1: {  	s0 =	rddreg [dreg:$0x0];
	s1 =	srdreg.scid  }
0x2: {  	s5 =	rddreg [dreg:$0x1];
	s11 =	stileid.u32  }
0x3: {  	s2 =	rddreg [dreg:$0x2];
	s3 =	simm.s32 $0x0;
	s15 =	simm.s32 $0x880  }
0x4: {  	s16 =	simm.s32 $0x180;
	s17 =	simm.s32 $0x900;
	s18 =	simm.s32 $0x200  }
0x5: {  	s19 =	simm.s32 $0x980;
	s21 =	simm.s32 $0x280;
	s28 =	simm.s32 $0x500  }
0x6: {  	s29 =	simm.s32 $0xC80;
	s30 =	simm.s32 $0x580;
	[smem:$0x7FF] =	sst s3  }
0x7: {  	s6 =	smul.u32 $0x2800, s11;
	_ =	strace $0x8000004D;
	[dreg:$0x7] =	wrdreg s15  }
0x8: {  	s31 =	simm.s32 $0xD00;
	s7 =	smul.u32 $0x50000, s11;
	[dreg:$0x8] =	wrdreg s16  }
0x9: {  	s1 =	sand.u32 $0x1, s1;
	s11 =	smul.u32 $0x14000, s11;
	[dreg:$0x9] =	wrdreg s17  }
0xa: {  	s4 =	smul.u32 $0x28000, s1;
	s9 =	ssub.s32 $0x2, s1;
	[dreg:$0xa] =	wrdreg s18  }
0xb: {  	s1 =	smul.u32 $0x140000, s1;
	[dreg:$0xb] =	wrdreg s19;
	s16 =	simm.s32 $0x1000  }
0xc: {  	[dreg:$0xc] =	wrdreg s21;
	s17 =	simm.s32 $0x3;
	s18 =	simm.s32 $0x800  }
0xd: {  	s19 =	simm.s32 $0x80;
	s21 =	simm.s32 $0x1;
	s15 =	simm.s32 $0xF00  }
0xe: {  	s10 =	sshrl.u32 s9, $0x1;
	s7 =	sshrl.u32 s7, $0x2;
	s22 =	sadd.s32 $0x4000, s11  }
0xf: {  	s23 =	sadd.s32 $0x8000, s11;
	s25 =	sadd.s32 $0xC000, s11;
	s26 =	sadd.s32 $0x10000, s11  }
0x10: {  	s4 =	sadd.s32 s6, s4;
	s9 =	ssub.s32 s9, s10;
	s7 =	sadd.s32 s7, s2  }
0x11: {  	s12 =	sadd.s32 s22, s2;
	s24 =	sadd.s32 s23, s2;
	[dreg:$0x12] =	wrdreg s7  }
0x12: {  	s13 =	sadd.s32 s25, s2;
	s11 =	sadd.s32 s11, s1;
	[dreg:$0x13] =	wrdreg s12  }
0x13: {  	s14 =	sadd.s32 s26, s2;
	s10 =	sadd.s32 s1, s23;
	[dreg:$0x14] =	wrdreg s24  }
0x14: {  	s23 =	simm.s32 $0x300;
	s6 =	sshrl.u32 s4, $0x3;
	[dreg:$0x15] =	wrdreg s13  }
0x15: {  	s4 =	sadd.s32 $0xC200, s0;
	[dreg:$0x16] =	wrdreg s14;
	s11 =	sshrl.u32 s11, $0x3  }
0x16: {  	s7 =	sadd.s32 s1, s22;
	s12 =	sadd.s32 s1, s25;
	s14 =	simm.s32 $0x100  }
0x17: {  	s1 =	sadd.s32 s1, s26;
	s20 =	smax.u32 s9, $0x1;
	s22 =	simm.s32 $0xA00  }
0x18: {  	[dreg:$0xe] =	wrdreg s23;
	s24 =	simm.s32 $0xA80;
	s25 =	simm.s32 $0x380  }
0x19: {  	s26 =	simm.s32 $0xB00;
	s23 =	simm.s32 $0x400;
	[dreg:$0x6] =	wrdreg s14  }
0x1a: {  	s13 =	simm.s32 $0xE80;
	s8 =	sadd.s32 s6, s0;
	[dreg:$0x1c] =	wrdreg s20  }
0x1b: {  	s0 =	sadd.s32 $0x34200, s0;
	s7 =	sshrl.u32 s7, $0x3;
	[dreg:$0xd] =	wrdreg s22  }
0x1c: {  	s5 =	sadd.s32 s6, s5;
	s6 =	sshrl.u32 s12, $0x3;
	[dreg:$0xf] =	wrdreg s24  }
0x1d: {  	s1 =	sshrl.u32 s1, $0x3;
	s20 =	simm.s32 $0x5000;
	[dreg:$0x10] =	wrdreg s25  }
0x1e: {  	s22 =	simm.s32 $0x2;
	[dreg:$0x11] =	wrdreg s26;
	s24 =	simm.s32 $0xB80  }
0x1f: {  	s25 =	simm.s32 $0x480;
	s11 =	sadd.s32 s0, s11;
	[dreg:$0x5] =	wrdreg s5  }
0x20: {  	s26 =	simm.s32 $0xC00;
	s7 =	sadd.s32 s0, s7;
	[dreg:$0x17] =	wrdreg s11  }
0x21: {  	s12 =	simm.s32 $0x700;
	s8 =	sadd.s32 $0x2200, s8;
	[dreg:$0x18] =	wrdreg s7  }
0x22: {  	s14 =	simm.s32 $0x780;
	s6 =	sadd.s32 s0, s6;
	[dreg:$0x4] =	wrdreg s8  }
0x23: {  	s5 =	simm.s32 $0xF80;
	s11 =	sshrl.u32 s10, $0x3;
	[dreg:$0x1a] =	wrdreg s6  }
0x24: {  	s10 =	simm.s32 $0x680;
	s7 =	sadd.s32 s0, s11;
	s0 =	sadd.s32 s0, s1  }
0x25: {  	s1 =	simm.s32 $0x600;
	s11 =	simm.s32 $0xE00;
	[dreg:$0x19] =	wrdreg s7  }
0x26: {  	v0 =	vimm.f32 $0.0e+00;
	[dreg:$0x1b] =	wrdreg s0;
	s0 =	simm.s32 $0xD80;
	s7 =	simm.s32 $0x0  }
.LBB2_1:
0x27: {  	[dreg:$0x1d] =	wrdreg s7;
	s7 =	simm.s32 $0x0;
	s8 =	simm.s32 $0x200  }
.LBB2_2:
0x28: {  	p0 =	sne.s32 s8, $0xFE00;
	[tilespmem:s7+$0x1070] =	vst v0  }
0x29: {  	[tilespmem:s7+$0x1000] =	vst v0  }
0x2a: {  	[tilespmem:s7+$0x1010] =	vst v0  }
.Ltmp0:
0x2b: {  	[tilespmem:s7+$0x1020] =	vst v0;
	(pc) =	sbr.rel @p0 .LBB2_2-.Ltmp0, $4  }
0x2c: {  	[tilespmem:s7+$0x1030] =	vst v0  }
0x2d: {  	[tilespmem:s7+$0x1040] =	vst v0  }
0x2e: {  	[tilespmem:s7+$0x1050] =	vst v0  }
0x2f: {  	[tilespmem:s7+$0x1060] =	vst v0;
	s7 =	sshra.s32 s8, $0x2;
	s8 =	sadd.s32 $0x200, s8  }
0x30: {  	[tilespmem:s7+$0x1070] =	vst v0  }
0x31: {  	[tilespmem:s7+$0x1000] =	vst v0  }
0x32: {  	[tilespmem:s7+$0x1010] =	vst v0  }
0x33: {  	[tilespmem:s7+$0x1020] =	vst v0  }
0x34: {  	[tilespmem:s7+$0x1030] =	vst v0  }
0x35: {  	[tilespmem:s7+$0x1040] =	vst v0  }
0x36: {  	[tilespmem:s7+$0x1050] =	vst v0  }
0x37: {  	[tilespmem:s7+$0x1060] =	vst v0;
	s6 =	rddreg [dreg:$0x12]  }
0x38: {  	[spmem:s6] =	stream.linear.scatter [tilespmem:s16], [sflag:$0x3], $0x4000, $0x38;
	[tilespmem:$0x1D000] =	vst v63  }
0x39: {  	_ =	swait.ge [sflag:s17], $0x4000  }
0x3a: {  	[sflag:s17] =	ssyncset.done $0x0  }
0x3b: {  	s7 =	rddreg [dreg:$0x13];
	[sflag:s17] =	ssyncadd.s32 $0xFFFFC000  }
0x3c: {  	[spmem:s7] =	stream.linear.scatter [tilespmem:s16], [sflag:$0x3], $0x4000, $0x38;
	[tilespmem:$0x1D000] =	vst v63  }
0x3d: {  	_ =	swait.ge [sflag:s17], $0x4000  }
0x3e: {  	[sflag:s17] =	ssyncset.done $0x0  }
0x3f: {  	s8 =	rddreg [dreg:$0x14];
	[sflag:s17] =	ssyncadd.s32 $0xFFFFC000  }
0x40: {  	[spmem:s8] =	stream.linear.scatter [tilespmem:s16], [sflag:$0x3], $0x4000, $0x38;
	[tilespmem:$0x1D000] =	vst v63  }
0x41: {  	_ =	swait.ge [sflag:s17], $0x4000  }
0x42: {  	[sflag:s17] =	ssyncset.done $0x0  }
0x43: {  	s9 =	rddreg [dreg:$0x15];
	[sflag:s17] =	ssyncadd.s32 $0xFFFFC000  }
0x44: {  	[spmem:s9] =	stream.linear.scatter [tilespmem:s16], [sflag:$0x3], $0x4000, $0x38;
	[tilespmem:$0x1D000] =	vst v63  }
0x45: {  	_ =	swait.ge [sflag:s17], $0x4000  }
0x46: {  	[sflag:s17] =	ssyncset.done $0x0  }
0x47: {  	s7 =	rddreg [dreg:$0x16];
	[sflag:s17] =	ssyncadd.s32 $0xFFFFC000  }
0x48: {  	[spmem:s7] =	stream.linear.scatter [tilespmem:s16], [sflag:$0x3], $0x4000, $0x38;
	[tilespmem:$0x1D000] =	vst v63  }
0x49: {  	_ =	swait.ge [sflag:s17], $0x4000  }
0x4a: {  	[sflag:s17] =	ssyncset.done $0x0  }
0x4b: {  	[sflag:s17] =	ssyncadd.s32 $0xFFFFC000  }
0x4c: {  	[bflag:$0x0] =	sbarrier.arrive $0xFFFF  }
0x4d: {  	s8 =	rddreg [dreg:$0x5]  }
0x4e: {  	s7 =	sadd.s32 $0x0, s8  }
0x4f: {  	[tilespmem:s3], [sflag:$0x3] =	stream.linear.gather [hbm4b:s7+s3], $0x800, $0x38;
	[tilespmem:$0x1D000] =	vst v63  }
0x50: {  	_ =	swait.ge [sflag:s17], $0x800  }
0x51: {  	s9 =	rddreg [dreg:$0x4];
	[sflag:s17] =	ssyncset.done $0x0  }
0x52: {  	[sflag:s17] =	ssyncadd.s32 $0xFFFFF800;
	s7 =	sadd.s32 $0x0, s9  }
0x53: {  	[tilespmem:s18], [sflag:$0x3] =	stream.linear.gather [hbm4b:s7+s3], $0x800, $0x38;
	[tilespmem:$0x1D000] =	vst v63  }
0x54: {  	_ =	swait.ge [sflag:s17], $0x800  }
0x55: {  	[sflag:s17] =	ssyncset.done $0x0  }
0x56: {  	[sflag:s17] =	ssyncadd.s32 $0xFFFFF800  }
0x57: {  	[tilespmem:s16], [sflag:$0x1] =	stream.indirect.gather [hbm4b:s4+s19], $0x80, s3, s19, $0xb8;
	[tilespmem:$0x1D000] =	vst v63  }
0x58: {  	_ = 	snop  }
0x59: {  	[tilespmem:s20], [sflag:$0x2] =	stream.indirect.gather [hbm4b:s4+s19], $0x80, s19, s19, $0xb8;
	[tilespmem:$0x1D000] =	vst v63  }
0x5a: {  	_ =	swait.ge [sflag:s21], $0x4000  }
0x5b: {  	[sflag:s21] =	ssyncset.done $0x0  }
0x5c: {  	[sflag:s21] =	ssyncadd.s32 $0xFFFFC000  }
0x5d: {  	[spmem:s2] =	stream.indirect.scatter.add.f32 [tilespmem:s16], [sflag:$0x3], $0x80, s18, s19, $0xb8;
	[tilespmem:$0x1D000] =	vst v63  }
0x5e: {  	_ =	swait.ge [sflag:s17], $0x4000  }
0x5f: {  	[sflag:s17] =	ssyncset.done $0x0  }
0x60: {  	s6 =	rddreg [dreg:$0x6];
	[sflag:s17] =	ssyncadd.s32 $0xFFFFC000  }
0x61: {  	[tilespmem:s16], [sflag:$0x1] =	stream.indirect.gather [hbm4b:s4+s19], $0x80, s6, s19, $0xb8;
	[tilespmem:$0x1D000] =	vst v63  }
0x62: {  	_ =	swait.ge [sflag:s22], $0x4000  }
0x63: {  	[sflag:s22] =	ssyncset.done $0x0  }
0x64: {  	s8 =	rddreg [dreg:$0x7];
	[sflag:s22] =	ssyncadd.s32 $0xFFFFC000  }
0x65: {  	[spmem:s2] =	stream.indirect.scatter.add.f32 [tilespmem:s20], [sflag:$0x3], $0x80, s8, s19, $0xb8;
	[tilespmem:$0x1D000] =	vst v63  }
0x66: {  	_ =	swait.ge [sflag:s17], $0x4000  }
0x67: {  	[sflag:s17] =	ssyncset.done $0x0  }
0x68: {  	s9 =	rddreg [dreg:$0x8];
	[sflag:s17] =	ssyncadd.s32 $0xFFFFC000  }
0x69: {  	[tilespmem:s20], [sflag:$0x2] =	stream.indirect.gather [hbm4b:s4+s19], $0x80, s9, s19, $0xb8;
	[tilespmem:$0x1D000] =	vst v63  }
0x6a: {  	_ =	swait.ge [sflag:s21], $0x4000  }
0x6b: {  	[sflag:s21] =	ssyncset.done $0x0  }
0x6c: {  	s6 =	rddreg [dreg:$0x9];
	[sflag:s21] =	ssyncadd.s32 $0xFFFFC000  }
0x6d: {  	[spmem:s2] =	stream.indirect.scatter.add.f32 [tilespmem:s16], [sflag:$0x3], $0x80, s6, s19, $0xb8;
	[tilespmem:$0x1D000] =	vst v63  }
0x6e: {  	_ =	swait.ge [sflag:s17], $0x4000  }
0x6f: {  	[sflag:s17] =	ssyncset.done $0x0  }
0x70: {  	s8 =	rddreg [dreg:$0xa];
	[sflag:s17] =	ssyncadd.s32 $0xFFFFC000  }
0x71: {  	[tilespmem:s16], [sflag:$0x1] =	stream.indirect.gather [hbm4b:s4+s19], $0x80, s8, s19, $0xb8;
	[tilespmem:$0x1D000] =	vst v63  }
0x72: {  	_ =	swait.ge [sflag:s22], $0x4000  }
0x73: {  	[sflag:s22] =	ssyncset.done $0x0  }
0x74: {  	s9 =	rddreg [dreg:$0xb];
	[sflag:s22] =	ssyncadd.s32 $0xFFFFC000  }
0x75: {  	[spmem:s2] =	stream.indirect.scatter.add.f32 [tilespmem:s20], [sflag:$0x3], $0x80, s9, s19, $0xb8;
	[tilespmem:$0x1D000] =	vst v63  }
0x76: {  	_ =	swait.ge [sflag:s17], $0x4000  }
0x77: {  	[sflag:s17] =	ssyncset.done $0x0  }
0x78: {  	s6 =	rddreg [dreg:$0xc];
	[sflag:s17] =	ssyncadd.s32 $0xFFFFC000  }
0x79: {  	[tilespmem:s20], [sflag:$0x2] =	stream.indirect.gather [hbm4b:s4+s19], $0x80, s6, s19, $0xb8;
	[tilespmem:$0x1D000] =	vst v63  }
0x7a: {  	_ =	swait.ge [sflag:s21], $0x4000  }
0x7b: {  	[sflag:s21] =	ssyncset.done $0x0  }
0x7c: {  	s8 =	rddreg [dreg:$0xd];
	[sflag:s21] =	ssyncadd.s32 $0xFFFFC000  }
0x7d: {  	[spmem:s2] =	stream.indirect.scatter.add.f32 [tilespmem:s16], [sflag:$0x3], $0x80, s8, s19, $0xb8;
	[tilespmem:$0x1D000] =	vst v63  }
0x7e: {  	_ =	swait.ge [sflag:s17], $0x4000  }
0x7f: {  	[sflag:s17] =	ssyncset.done $0x0  }
0x80: {  	s9 =	rddreg [dreg:$0xe];
	[sflag:s17] =	ssyncadd.s32 $0xFFFFC000  }
0x81: {  	[tilespmem:s16], [sflag:$0x1] =	stream.indirect.gather [hbm4b:s4+s19], $0x80, s9, s19, $0xb8;
	[tilespmem:$0x1D000] =	vst v63  }
0x82: {  	_ =	swait.ge [sflag:s22], $0x4000  }
0x83: {  	[sflag:s22] =	ssyncset.done $0x0  }
0x84: {  	s6 =	rddreg [dreg:$0xf];
	[sflag:s22] =	ssyncadd.s32 $0xFFFFC000  }
0x85: {  	[spmem:s2] =	stream.indirect.scatter.add.f32 [tilespmem:s20], [sflag:$0x3], $0x80, s6, s19, $0xb8;
	[tilespmem:$0x1D000] =	vst v63  }
0x86: {  	_ =	swait.ge [sflag:s17], $0x4000  }
0x87: {  	[sflag:s17] =	ssyncset.done $0x0  }
0x88: {  	s8 =	rddreg [dreg:$0x10];
	[sflag:s17] =	ssyncadd.s32 $0xFFFFC000  }
0x89: {  	[tilespmem:s20], [sflag:$0x2] =	stream.indirect.gather [hbm4b:s4+s19], $0x80, s8, s19, $0xb8;
	[tilespmem:$0x1D000] =	vst v63  }
0x8a: {  	_ =	swait.ge [sflag:s21], $0x4000  }
0x8b: {  	[sflag:s21] =	ssyncset.done $0x0  }
0x8c: {  	s9 =	rddreg [dreg:$0x11];
	[sflag:s21] =	ssyncadd.s32 $0xFFFFC000  }
0x8d: {  	[spmem:s2] =	stream.indirect.scatter.add.f32 [tilespmem:s16], [sflag:$0x3], $0x80, s9, s19, $0xb8;
	[tilespmem:$0x1D000] =	vst v63  }
0x8e: {  	_ =	swait.ge [sflag:s17], $0x4000  }
0x8f: {  	[sflag:s17] =	ssyncset.done $0x0  }
0x90: {  	[sflag:s17] =	ssyncadd.s32 $0xFFFFC000  }
0x91: {  	[tilespmem:s16], [sflag:$0x1] =	stream.indirect.gather [hbm4b:s4+s19], $0x80, s23, s19, $0xb8;
	[tilespmem:$0x1D000] =	vst v63  }
0x92: {  	_ =	swait.ge [sflag:s22], $0x4000  }
0x93: {  	[sflag:s22] =	ssyncset.done $0x0  }
0x94: {  	[sflag:s22] =	ssyncadd.s32 $0xFFFFC000  }
0x95: {  	[spmem:s2] =	stream.indirect.scatter.add.f32 [tilespmem:s20], [sflag:$0x3], $0x80, s24, s19, $0xb8;
	[tilespmem:$0x1D000] =	vst v63  }
0x96: {  	_ =	swait.ge [sflag:s17], $0x4000  }
0x97: {  	[sflag:s17] =	ssyncset.done $0x0  }
0x98: {  	[sflag:s17] =	ssyncadd.s32 $0xFFFFC000  }
0x99: {  	[tilespmem:s20], [sflag:$0x2] =	stream.indirect.gather [hbm4b:s4+s19], $0x80, s25, s19, $0xb8;
	[tilespmem:$0x1D000] =	vst v63  }
0x9a: {  	_ =	swait.ge [sflag:s21], $0x4000  }
0x9b: {  	[sflag:s21] =	ssyncset.done $0x0  }
0x9c: {  	[sflag:s21] =	ssyncadd.s32 $0xFFFFC000  }
0x9d: {  	[spmem:s2] =	stream.indirect.scatter.add.f32 [tilespmem:s16], [sflag:$0x3], $0x80, s26, s19, $0xb8;
	[tilespmem:$0x1D000] =	vst v63  }
0x9e: {  	_ =	swait.ge [sflag:s17], $0x4000  }
0x9f: {  	[sflag:s17] =	ssyncset.done $0x0  }
0xa0: {  	[sflag:s17] =	ssyncadd.s32 $0xFFFFC000  }
0xa1: {  	[tilespmem:s16], [sflag:$0x1] =	stream.indirect.gather [hbm4b:s4+s19], $0x80, s28, s19, $0xb8;
	[tilespmem:$0x1D000] =	vst v63  }
0xa2: {  	_ =	swait.ge [sflag:s22], $0x4000  }
0xa3: {  	[sflag:s22] =	ssyncset.done $0x0  }
0xa4: {  	[sflag:s22] =	ssyncadd.s32 $0xFFFFC000  }
0xa5: {  	[spmem:s2] =	stream.indirect.scatter.add.f32 [tilespmem:s20], [sflag:$0x3], $0x80, s29, s19, $0xb8;
	[tilespmem:$0x1D000] =	vst v63  }
0xa6: {  	_ =	swait.ge [sflag:s17], $0x4000  }
0xa7: {  	[sflag:s17] =	ssyncset.done $0x0  }
0xa8: {  	[sflag:s17] =	ssyncadd.s32 $0xFFFFC000  }
0xa9: {  	[tilespmem:s20], [sflag:$0x2] =	stream.indirect.gather [hbm4b:s4+s19], $0x80, s30, s19, $0xb8;
	[tilespmem:$0x1D000] =	vst v63  }
0xaa: {  	_ =	swait.ge [sflag:s21], $0x4000  }
0xab: {  	[sflag:s21] =	ssyncset.done $0x0  }
0xac: {  	[sflag:s21] =	ssyncadd.s32 $0xFFFFC000  }
0xad: {  	[spmem:s2] =	stream.indirect.scatter.add.f32 [tilespmem:s16], [sflag:$0x3], $0x80, s31, s19, $0xb8;
	[tilespmem:$0x1D000] =	vst v63  }
0xae: {  	_ =	swait.ge [sflag:s17], $0x4000  }
0xaf: {  	[sflag:s17] =	ssyncset.done $0x0  }
0xb0: {  	[sflag:s17] =	ssyncadd.s32 $0xFFFFC000  }
0xb1: {  	[tilespmem:s16], [sflag:$0x1] =	stream.indirect.gather [hbm4b:s4+s19], $0x80, s1, s19, $0xb8;
	[tilespmem:$0x1D000] =	vst v63  }
0xb2: {  	_ =	swait.ge [sflag:s22], $0x4000  }
0xb3: {  	[sflag:s22] =	ssyncset.done $0x0  }
0xb4: {  	[sflag:s22] =	ssyncadd.s32 $0xFFFFC000  }
0xb5: {  	[spmem:s2] =	stream.indirect.scatter.add.f32 [tilespmem:s20], [sflag:$0x3], $0x80, s0, s19, $0xb8;
	[tilespmem:$0x1D000] =	vst v63  }
0xb6: {  	_ =	swait.ge [sflag:s17], $0x4000  }
0xb7: {  	[sflag:s17] =	ssyncset.done $0x0  }
0xb8: {  	[sflag:s17] =	ssyncadd.s32 $0xFFFFC000  }
0xb9: {  	[tilespmem:s20], [sflag:$0x2] =	stream.indirect.gather [hbm4b:s4+s19], $0x80, s10, s19, $0xb8;
	[tilespmem:$0x1D000] =	vst v63  }
0xba: {  	_ =	swait.ge [sflag:s21], $0x4000  }
0xbb: {  	[sflag:s21] =	ssyncset.done $0x0  }
0xbc: {  	[sflag:s21] =	ssyncadd.s32 $0xFFFFC000  }
0xbd: {  	[spmem:s2] =	stream.indirect.scatter.add.f32 [tilespmem:s16], [sflag:$0x3], $0x80, s11, s19, $0xb8;
	[tilespmem:$0x1D000] =	vst v63  }
0xbe: {  	_ =	swait.ge [sflag:s17], $0x4000  }
0xbf: {  	[sflag:s17] =	ssyncset.done $0x0  }
0xc0: {  	[sflag:s17] =	ssyncadd.s32 $0xFFFFC000  }
0xc1: {  	[tilespmem:s16], [sflag:$0x1] =	stream.indirect.gather [hbm4b:s4+s19], $0x80, s12, s19, $0xb8;
	[tilespmem:$0x1D000] =	vst v63  }
0xc2: {  	_ =	swait.ge [sflag:s22], $0x4000  }
0xc3: {  	[sflag:s22] =	ssyncset.done $0x0  }
0xc4: {  	[sflag:s22] =	ssyncadd.s32 $0xFFFFC000  }
0xc5: {  	[spmem:s2] =	stream.indirect.scatter.add.f32 [tilespmem:s20], [sflag:$0x3], $0x80, s13, s19, $0xb8;
	[tilespmem:$0x1D000] =	vst v63  }
0xc6: {  	_ =	swait.ge [sflag:s17], $0x4000  }
0xc7: {  	[sflag:s17] =	ssyncset.done $0x0  }
0xc8: {  	[sflag:s17] =	ssyncadd.s32 $0xFFFFC000  }
0xc9: {  	[tilespmem:s20], [sflag:$0x2] =	stream.indirect.gather [hbm4b:s4+s19], $0x80, s14, s19, $0xb8;
	[tilespmem:$0x1D000] =	vst v63  }
0xca: {  	_ =	swait.ge [sflag:s21], $0x4000  }
0xcb: {  	[sflag:s21] =	ssyncset.done $0x0  }
0xcc: {  	[sflag:s21] =	ssyncadd.s32 $0xFFFFC000  }
0xcd: {  	[spmem:s2] =	stream.indirect.scatter.add.f32 [tilespmem:s16], [sflag:$0x3], $0x80, s15, s19, $0xb8;
	[tilespmem:$0x1D000] =	vst v63  }
0xce: {  	_ =	swait.ge [sflag:s17], $0x4000  }
0xcf: {  	[sflag:s17] =	ssyncset.done $0x0  }
0xd0: {  	[sflag:s17] =	ssyncadd.s32 $0xFFFFC000  }
0xd1: {  	[tilespmem:s16], [sflag:$0x1] =	stream.indirect.gather [hbm4b:s4+s19], $0x80, s14, s19, $0xb8;
	[tilespmem:$0x1D000] =	vst v63  }
0xd2: {  	_ =	swait.ge [sflag:s22], $0x4000  }
0xd3: {  	[sflag:s22] =	ssyncset.done $0x0  }
0xd4: {  	[sflag:s22] =	ssyncadd.s32 $0xFFFFC000  }
0xd5: {  	[spmem:s2] =	stream.indirect.scatter.add.f32 [tilespmem:s20], [sflag:$0x3], $0x80, s5, s19, $0xb8;
	[tilespmem:$0x1D000] =	vst v63  }
0xd6: {  	_ =	swait.ge [sflag:s17], $0x4000  }
0xd7: {  	[sflag:s17] =	ssyncset.done $0x0  }
0xd8: {  	[sflag:s17] =	ssyncadd.s32 $0xFFFFC000  }
0xd9: {  	s7 =	simm.s32 $0x100;
	_ =	swait.ge [sflag:s21], $0x4000  }
0xda: {  	s8 =	simm.s32 $0x200;
	s9 =	rddreg [dreg:$0x5];
	[sflag:s21] =	ssyncset.done $0x0  }
.LBB2_4:
0xdb: {  	[sflag:s21] =	ssyncadd.s32 $0xFFFFC000;
	s9 =	sadd.s32 s7, s9  }
0xdc: {  	[tilespmem:s3], [sflag:$0x3] =	stream.linear.gather [hbm4b:s9+s3], $0x800, $0x38;
	[tilespmem:$0x1D000] =	vst v63  }
0xdd: {  	_ =	swait.ge [sflag:s17], $0x800  }
0xde: {  	s9 =	rddreg [dreg:$0x4];
	[sflag:s17] =	ssyncset.done $0x0  }
0xdf: {  	[sflag:s17] =	ssyncadd.s32 $0xFFFFF800;
	s9 =	sadd.s32 s7, s9  }
0xe0: {  	[tilespmem:s18], [sflag:$0x3] =	stream.linear.gather [hbm4b:s9+s3], $0x800, $0x38;
	[tilespmem:$0x1D000] =	vst v63  }
0xe1: {  	_ =	swait.ge [sflag:s17], $0x800  }
0xe2: {  	[sflag:s17] =	ssyncset.done $0x0  }
0xe3: {  	[sflag:s17] =	ssyncadd.s32 $0xFFFFF800  }
0xe4: {  	[tilespmem:s16], [sflag:$0x1] =	stream.indirect.gather [hbm4b:s4+s19], $0x80, s3, s19, $0xb8;
	[tilespmem:$0x1D000] =	vst v63  }
0xe5: {  	_ = 	snop  }
0xe6: {  	[tilespmem:s20], [sflag:$0x2] =	stream.indirect.gather [hbm4b:s4+s19], $0x80, s19, s19, $0xb8;
	[tilespmem:$0x1D000] =	vst v63  }
0xe7: {  	_ =	swait.ge [sflag:s21], $0x4000  }
0xe8: {  	[sflag:s21] =	ssyncset.done $0x0  }
0xe9: {  	[sflag:s21] =	ssyncadd.s32 $0xFFFFC000  }
0xea: {  	[spmem:s2] =	stream.indirect.scatter.add.f32 [tilespmem:s16], [sflag:$0x3], $0x80, s18, s19, $0xb8;
	[tilespmem:$0x1D000] =	vst v63  }
0xeb: {  	_ =	swait.ge [sflag:s17], $0x4000  }
0xec: {  	[sflag:s17] =	ssyncset.done $0x0  }
0xed: {  	s9 =	rddreg [dreg:$0x6];
	[sflag:s17] =	ssyncadd.s32 $0xFFFFC000  }
0xee: {  	[tilespmem:s16], [sflag:$0x1] =	stream.indirect.gather [hbm4b:s4+s19], $0x80, s9, s19, $0xb8;
	[tilespmem:$0x1D000] =	vst v63  }
0xef: {  	_ =	swait.ge [sflag:s22], $0x4000  }
0xf0: {  	[sflag:s22] =	ssyncset.done $0x0  }
0xf1: {  	s9 =	rddreg [dreg:$0x7];
	[sflag:s22] =	ssyncadd.s32 $0xFFFFC000  }
0xf2: {  	[spmem:s2] =	stream.indirect.scatter.add.f32 [tilespmem:s20], [sflag:$0x3], $0x80, s9, s19, $0xb8;
	[tilespmem:$0x1D000] =	vst v63  }
0xf3: {  	_ =	swait.ge [sflag:s17], $0x4000  }
0xf4: {  	[sflag:s17] =	ssyncset.done $0x0  }
0xf5: {  	s9 =	rddreg [dreg:$0x8];
	[sflag:s17] =	ssyncadd.s32 $0xFFFFC000  }
0xf6: {  	[tilespmem:s20], [sflag:$0x2] =	stream.indirect.gather [hbm4b:s4+s19], $0x80, s9, s19, $0xb8;
	[tilespmem:$0x1D000] =	vst v63  }
0xf7: {  	_ =	swait.ge [sflag:s21], $0x4000  }
0xf8: {  	[sflag:s21] =	ssyncset.done $0x0  }
0xf9: {  	s9 =	rddreg [dreg:$0x9];
	[sflag:s21] =	ssyncadd.s32 $0xFFFFC000  }
0xfa: {  	[spmem:s2] =	stream.indirect.scatter.add.f32 [tilespmem:s16], [sflag:$0x3], $0x80, s9, s19, $0xb8;
	[tilespmem:$0x1D000] =	vst v63  }
0xfb: {  	_ =	swait.ge [sflag:s17], $0x4000  }
0xfc: {  	[sflag:s17] =	ssyncset.done $0x0  }
0xfd: {  	s9 =	rddreg [dreg:$0xa];
	[sflag:s17] =	ssyncadd.s32 $0xFFFFC000  }
0xfe: {  	[tilespmem:s16], [sflag:$0x1] =	stream.indirect.gather [hbm4b:s4+s19], $0x80, s9, s19, $0xb8;
	[tilespmem:$0x1D000] =	vst v63  }
0xff: {  	_ =	swait.ge [sflag:s22], $0x4000  }
0x100: {  	[sflag:s22] =	ssyncset.done $0x0  }
0x101: {  	s9 =	rddreg [dreg:$0xb];
	[sflag:s22] =	ssyncadd.s32 $0xFFFFC000  }
0x102: {  	[spmem:s2] =	stream.indirect.scatter.add.f32 [tilespmem:s20], [sflag:$0x3], $0x80, s9, s19, $0xb8;
	[tilespmem:$0x1D000] =	vst v63  }
0x103: {  	_ =	swait.ge [sflag:s17], $0x4000  }
0x104: {  	[sflag:s17] =	ssyncset.done $0x0  }
0x105: {  	s9 =	rddreg [dreg:$0xc];
	[sflag:s17] =	ssyncadd.s32 $0xFFFFC000  }
0x106: {  	[tilespmem:s20], [sflag:$0x2] =	stream.indirect.gather [hbm4b:s4+s19], $0x80, s9, s19, $0xb8;
	[tilespmem:$0x1D000] =	vst v63  }
0x107: {  	_ =	swait.ge [sflag:s21], $0x4000  }
0x108: {  	[sflag:s21] =	ssyncset.done $0x0  }
0x109: {  	s9 =	rddreg [dreg:$0xd];
	[sflag:s21] =	ssyncadd.s32 $0xFFFFC000  }
0x10a: {  	[spmem:s2] =	stream.indirect.scatter.add.f32 [tilespmem:s16], [sflag:$0x3], $0x80, s9, s19, $0xb8;
	[tilespmem:$0x1D000] =	vst v63  }
0x10b: {  	_ =	swait.ge [sflag:s17], $0x4000  }
0x10c: {  	[sflag:s17] =	ssyncset.done $0x0  }
0x10d: {  	s9 =	rddreg [dreg:$0xe];
	[sflag:s17] =	ssyncadd.s32 $0xFFFFC000  }
0x10e: {  	[tilespmem:s16], [sflag:$0x1] =	stream.indirect.gather [hbm4b:s4+s19], $0x80, s9, s19, $0xb8;
	[tilespmem:$0x1D000] =	vst v63  }
0x10f: {  	_ =	swait.ge [sflag:s22], $0x4000  }
0x110: {  	[sflag:s22] =	ssyncset.done $0x0  }
0x111: {  	s9 =	rddreg [dreg:$0xf];
	[sflag:s22] =	ssyncadd.s32 $0xFFFFC000  }
0x112: {  	[spmem:s2] =	stream.indirect.scatter.add.f32 [tilespmem:s20], [sflag:$0x3], $0x80, s9, s19, $0xb8;
	[tilespmem:$0x1D000] =	vst v63  }
0x113: {  	_ =	swait.ge [sflag:s17], $0x4000  }
0x114: {  	[sflag:s17] =	ssyncset.done $0x0  }
0x115: {  	s9 =	rddreg [dreg:$0x10];
	[sflag:s17] =	ssyncadd.s32 $0xFFFFC000  }
0x116: {  	[tilespmem:s20], [sflag:$0x2] =	stream.indirect.gather [hbm4b:s4+s19], $0x80, s9, s19, $0xb8;
	[tilespmem:$0x1D000] =	vst v63  }
0x117: {  	_ =	swait.ge [sflag:s21], $0x4000  }
0x118: {  	[sflag:s21] =	ssyncset.done $0x0  }
0x119: {  	s9 =	rddreg [dreg:$0x11];
	[sflag:s21] =	ssyncadd.s32 $0xFFFFC000  }
0x11a: {  	[spmem:s2] =	stream.indirect.scatter.add.f32 [tilespmem:s16], [sflag:$0x3], $0x80, s9, s19, $0xb8;
	[tilespmem:$0x1D000] =	vst v63  }
0x11b: {  	_ =	swait.ge [sflag:s17], $0x4000  }
0x11c: {  	[sflag:s17] =	ssyncset.done $0x0  }
0x11d: {  	[sflag:s17] =	ssyncadd.s32 $0xFFFFC000  }
0x11e: {  	[tilespmem:s16], [sflag:$0x1] =	stream.indirect.gather [hbm4b:s4+s19], $0x80, s23, s19, $0xb8;
	[tilespmem:$0x1D000] =	vst v63  }
0x11f: {  	_ =	swait.ge [sflag:s22], $0x4000  }
0x120: {  	[sflag:s22] =	ssyncset.done $0x0  }
0x121: {  	[sflag:s22] =	ssyncadd.s32 $0xFFFFC000  }
0x122: {  	[spmem:s2] =	stream.indirect.scatter.add.f32 [tilespmem:s20], [sflag:$0x3], $0x80, s24, s19, $0xb8;
	[tilespmem:$0x1D000] =	vst v63  }
0x123: {  	_ =	swait.ge [sflag:s17], $0x4000  }
0x124: {  	[sflag:s17] =	ssyncset.done $0x0  }
0x125: {  	[sflag:s17] =	ssyncadd.s32 $0xFFFFC000  }
0x126: {  	[tilespmem:s20], [sflag:$0x2] =	stream.indirect.gather [hbm4b:s4+s19], $0x80, s25, s19, $0xb8;
	[tilespmem:$0x1D000] =	vst v63  }
0x127: {  	_ =	swait.ge [sflag:s21], $0x4000  }
0x128: {  	[sflag:s21] =	ssyncset.done $0x0  }
0x129: {  	[sflag:s21] =	ssyncadd.s32 $0xFFFFC000  }
0x12a: {  	[spmem:s2] =	stream.indirect.scatter.add.f32 [tilespmem:s16], [sflag:$0x3], $0x80, s26, s19, $0xb8;
	[tilespmem:$0x1D000] =	vst v63  }
0x12b: {  	_ =	swait.ge [sflag:s17], $0x4000  }
0x12c: {  	[sflag:s17] =	ssyncset.done $0x0  }
0x12d: {  	[sflag:s17] =	ssyncadd.s32 $0xFFFFC000  }
0x12e: {  	[tilespmem:s16], [sflag:$0x1] =	stream.indirect.gather [hbm4b:s4+s19], $0x80, s28, s19, $0xb8;
	[tilespmem:$0x1D000] =	vst v63  }
0x12f: {  	_ =	swait.ge [sflag:s22], $0x4000  }
0x130: {  	[sflag:s22] =	ssyncset.done $0x0  }
0x131: {  	[sflag:s22] =	ssyncadd.s32 $0xFFFFC000  }
0x132: {  	[spmem:s2] =	stream.indirect.scatter.add.f32 [tilespmem:s20], [sflag:$0x3], $0x80, s29, s19, $0xb8;
	[tilespmem:$0x1D000] =	vst v63  }
0x133: {  	_ =	swait.ge [sflag:s17], $0x4000  }
0x134: {  	[sflag:s17] =	ssyncset.done $0x0  }
0x135: {  	[sflag:s17] =	ssyncadd.s32 $0xFFFFC000  }
0x136: {  	[tilespmem:s20], [sflag:$0x2] =	stream.indirect.gather [hbm4b:s4+s19], $0x80, s30, s19, $0xb8;
	[tilespmem:$0x1D000] =	vst v63  }
0x137: {  	_ =	swait.ge [sflag:s21], $0x4000  }
0x138: {  	[sflag:s21] =	ssyncset.done $0x0  }
0x139: {  	[sflag:s21] =	ssyncadd.s32 $0xFFFFC000  }
0x13a: {  	[spmem:s2] =	stream.indirect.scatter.add.f32 [tilespmem:s16], [sflag:$0x3], $0x80, s31, s19, $0xb8;
	[tilespmem:$0x1D000] =	vst v63  }
0x13b: {  	_ =	swait.ge [sflag:s17], $0x4000  }
0x13c: {  	[sflag:s17] =	ssyncset.done $0x0  }
0x13d: {  	[sflag:s17] =	ssyncadd.s32 $0xFFFFC000  }
0x13e: {  	[tilespmem:s16], [sflag:$0x1] =	stream.indirect.gather [hbm4b:s4+s19], $0x80, s1, s19, $0xb8;
	[tilespmem:$0x1D000] =	vst v63  }
0x13f: {  	_ =	swait.ge [sflag:s22], $0x4000  }
0x140: {  	[sflag:s22] =	ssyncset.done $0x0  }
0x141: {  	[sflag:s22] =	ssyncadd.s32 $0xFFFFC000  }
0x142: {  	[spmem:s2] =	stream.indirect.scatter.add.f32 [tilespmem:s20], [sflag:$0x3], $0x80, s0, s19, $0xb8;
	[tilespmem:$0x1D000] =	vst v63  }
0x143: {  	_ =	swait.ge [sflag:s17], $0x4000  }
0x144: {  	[sflag:s17] =	ssyncset.done $0x0  }
0x145: {  	[sflag:s17] =	ssyncadd.s32 $0xFFFFC000  }
0x146: {  	[tilespmem:s20], [sflag:$0x2] =	stream.indirect.gather [hbm4b:s4+s19], $0x80, s10, s19, $0xb8;
	[tilespmem:$0x1D000] =	vst v63  }
0x147: {  	_ =	swait.ge [sflag:s21], $0x4000  }
0x148: {  	[sflag:s21] =	ssyncset.done $0x0  }
0x149: {  	[sflag:s21] =	ssyncadd.s32 $0xFFFFC000  }
0x14a: {  	[spmem:s2] =	stream.indirect.scatter.add.f32 [tilespmem:s16], [sflag:$0x3], $0x80, s11, s19, $0xb8;
	[tilespmem:$0x1D000] =	vst v63  }
0x14b: {  	_ =	swait.ge [sflag:s17], $0x4000  }
0x14c: {  	[sflag:s17] =	ssyncset.done $0x0  }
0x14d: {  	[sflag:s17] =	ssyncadd.s32 $0xFFFFC000  }
0x14e: {  	[tilespmem:s16], [sflag:$0x1] =	stream.indirect.gather [hbm4b:s4+s19], $0x80, s12, s19, $0xb8;
	[tilespmem:$0x1D000] =	vst v63  }
0x14f: {  	_ =	swait.ge [sflag:s22], $0x4000  }
0x150: {  	[sflag:s22] =	ssyncset.done $0x0  }
0x151: {  	[sflag:s22] =	ssyncadd.s32 $0xFFFFC000  }
0x152: {  	[spmem:s2] =	stream.indirect.scatter.add.f32 [tilespmem:s20], [sflag:$0x3], $0x80, s13, s19, $0xb8;
	[tilespmem:$0x1D000] =	vst v63  }
0x153: {  	_ =	swait.ge [sflag:s17], $0x4000  }
0x154: {  	[sflag:s17] =	ssyncset.done $0x0  }
0x155: {  	[sflag:s17] =	ssyncadd.s32 $0xFFFFC000  }
0x156: {  	[tilespmem:s20], [sflag:$0x2] =	stream.indirect.gather [hbm4b:s4+s19], $0x80, s14, s19, $0xb8;
	[tilespmem:$0x1D000] =	vst v63  }
0x157: {  	_ =	swait.ge [sflag:s21], $0x4000  }
0x158: {  	[sflag:s21] =	ssyncset.done $0x0  }
0x159: {  	[sflag:s21] =	ssyncadd.s32 $0xFFFFC000  }
0x15a: {  	[spmem:s2] =	stream.indirect.scatter.add.f32 [tilespmem:s16], [sflag:$0x3], $0x80, s15, s19, $0xb8;
	[tilespmem:$0x1D000] =	vst v63  }
0x15b: {  	_ =	swait.ge [sflag:s17], $0x4000  }
0x15c: {  	[sflag:s17] =	ssyncset.done $0x0  }
0x15d: {  	[sflag:s17] =	ssyncadd.s32 $0xFFFFC000  }
0x15e: {  	[tilespmem:s16], [sflag:$0x1] =	stream.indirect.gather [hbm4b:s4+s19], $0x80, s14, s19, $0xb8;
	[tilespmem:$0x1D000] =	vst v63  }
0x15f: {  	_ =	swait.ge [sflag:s22], $0x4000  }
0x160: {  	[sflag:s22] =	ssyncset.done $0x0  }
0x161: {  	p0 =	sne.s32 s8, $0x400;
	[sflag:s22] =	ssyncadd.s32 $0xFFFFC000  }
0x162: {  	[spmem:s2] =	stream.indirect.scatter.add.f32 [tilespmem:s20], [sflag:$0x3], $0x80, s5, s19, $0xb8;
	[tilespmem:$0x1D000] =	vst v63  }
.Ltmp1:
0x163: {  	_ =	swait.ge [sflag:s17], $0x4000;
	(pc) =	sbr.rel @p0 .LBB2_4-.Ltmp1, $4  }
0x164: {  	[sflag:s17] =	ssyncset.done $0x0  }
0x165: {  	[sflag:s17] =	ssyncadd.s32 $0xFFFFC000  }
0x166: {  	s6 =	smov.u32 s8;
	s8 =	sadd.s32 $0x100, s8;
	_ =	swait.ge [sflag:s21], $0x4000  }
0x167: {  	s7 =	smov.u32 s6;
	s9 =	rddreg [dreg:$0x5];
	[sflag:s21] =	ssyncset.done $0x0  }
0x168: {  	[sflag:s21] =	ssyncadd.s32 $0xFFFFC000;
	s6 =	sadd.s32 s7, s9  }
0x169: {  	[tilespmem:s3], [sflag:$0x3] =	stream.linear.gather [hbm4b:s6+s3], $0x800, $0x38;
	[tilespmem:$0x1D000] =	vst v63  }
0x16a: {  	_ =	swait.ge [sflag:s17], $0x800  }
0x16b: {  	s9 =	rddreg [dreg:$0x4];
	[sflag:s17] =	ssyncset.done $0x0  }
0x16c: {  	s6 =	sadd.s32 s7, s9;
	[sflag:s17] =	ssyncadd.s32 $0xFFFFF800  }
0x16d: {  	[tilespmem:s18], [sflag:$0x3] =	stream.linear.gather [hbm4b:s6+s3], $0x800, $0x38;
	[tilespmem:$0x1D000] =	vst v63  }
0x16e: {  	_ =	swait.ge [sflag:s17], $0x800  }
0x16f: {  	[sflag:s17] =	ssyncset.done $0x0  }
0x170: {  	[sflag:s17] =	ssyncadd.s32 $0xFFFFF800  }
0x171: {  	[tilespmem:s16], [sflag:$0x1] =	stream.indirect.gather [hbm4b:s4+s19], $0x80, s3, s19, $0xb8;
	[tilespmem:$0x1D000] =	vst v63  }
0x172: {  	_ = 	snop  }
0x173: {  	[tilespmem:s20], [sflag:$0x2] =	stream.indirect.gather [hbm4b:s4+s19], $0x80, s19, s19, $0xb8;
	[tilespmem:$0x1D000] =	vst v63  }
0x174: {  	_ =	swait.ge [sflag:s21], $0x4000  }
0x175: {  	[sflag:s21] =	ssyncset.done $0x0  }
0x176: {  	[sflag:s21] =	ssyncadd.s32 $0xFFFFC000  }
0x177: {  	[spmem:s2] =	stream.indirect.scatter.add.f32 [tilespmem:s16], [sflag:$0x3], $0x80, s18, s19, $0xb8;
	[tilespmem:$0x1D000] =	vst v63  }
0x178: {  	_ =	swait.ge [sflag:s17], $0x4000  }
0x179: {  	[sflag:s17] =	ssyncset.done $0x0  }
0x17a: {  	s7 =	rddreg [dreg:$0x6];
	[sflag:s17] =	ssyncadd.s32 $0xFFFFC000  }
0x17b: {  	[tilespmem:s16], [sflag:$0x1] =	stream.indirect.gather [hbm4b:s4+s19], $0x80, s7, s19, $0xb8;
	[tilespmem:$0x1D000] =	vst v63  }
0x17c: {  	_ =	swait.ge [sflag:s22], $0x4000  }
0x17d: {  	[sflag:s22] =	ssyncset.done $0x0  }
0x17e: {  	s8 =	rddreg [dreg:$0x7];
	[sflag:s22] =	ssyncadd.s32 $0xFFFFC000  }
0x17f: {  	[spmem:s2] =	stream.indirect.scatter.add.f32 [tilespmem:s20], [sflag:$0x3], $0x80, s8, s19, $0xb8;
	[tilespmem:$0x1D000] =	vst v63  }
0x180: {  	_ =	swait.ge [sflag:s17], $0x4000  }
0x181: {  	[sflag:s17] =	ssyncset.done $0x0  }
0x182: {  	s9 =	rddreg [dreg:$0x8];
	[sflag:s17] =	ssyncadd.s32 $0xFFFFC000  }
0x183: {  	[tilespmem:s20], [sflag:$0x2] =	stream.indirect.gather [hbm4b:s4+s19], $0x80, s9, s19, $0xb8;
	[tilespmem:$0x1D000] =	vst v63  }
0x184: {  	_ =	swait.ge [sflag:s21], $0x4000  }
0x185: {  	[sflag:s21] =	ssyncset.done $0x0  }
0x186: {  	s7 =	rddreg [dreg:$0x9];
	[sflag:s21] =	ssyncadd.s32 $0xFFFFC000  }
0x187: {  	[spmem:s2] =	stream.indirect.scatter.add.f32 [tilespmem:s16], [sflag:$0x3], $0x80, s7, s19, $0xb8;
	[tilespmem:$0x1D000] =	vst v63  }
0x188: {  	_ =	swait.ge [sflag:s17], $0x4000  }
0x189: {  	[sflag:s17] =	ssyncset.done $0x0  }
0x18a: {  	s8 =	rddreg [dreg:$0xa];
	[sflag:s17] =	ssyncadd.s32 $0xFFFFC000  }
0x18b: {  	[tilespmem:s16], [sflag:$0x1] =	stream.indirect.gather [hbm4b:s4+s19], $0x80, s8, s19, $0xb8;
	[tilespmem:$0x1D000] =	vst v63  }
0x18c: {  	_ =	swait.ge [sflag:s22], $0x4000  }
0x18d: {  	[sflag:s22] =	ssyncset.done $0x0  }
0x18e: {  	s9 =	rddreg [dreg:$0xb];
	[sflag:s22] =	ssyncadd.s32 $0xFFFFC000  }
0x18f: {  	[spmem:s2] =	stream.indirect.scatter.add.f32 [tilespmem:s20], [sflag:$0x3], $0x80, s9, s19, $0xb8;
	[tilespmem:$0x1D000] =	vst v63  }
0x190: {  	_ =	swait.ge [sflag:s17], $0x4000  }
0x191: {  	[sflag:s17] =	ssyncset.done $0x0  }
0x192: {  	s7 =	rddreg [dreg:$0xc];
	[sflag:s17] =	ssyncadd.s32 $0xFFFFC000  }
0x193: {  	[tilespmem:s20], [sflag:$0x2] =	stream.indirect.gather [hbm4b:s4+s19], $0x80, s7, s19, $0xb8;
	[tilespmem:$0x1D000] =	vst v63  }
0x194: {  	_ =	swait.ge [sflag:s21], $0x4000  }
0x195: {  	[sflag:s21] =	ssyncset.done $0x0  }
0x196: {  	s8 =	rddreg [dreg:$0xd];
	[sflag:s21] =	ssyncadd.s32 $0xFFFFC000  }
0x197: {  	[spmem:s2] =	stream.indirect.scatter.add.f32 [tilespmem:s16], [sflag:$0x3], $0x80, s8, s19, $0xb8;
	[tilespmem:$0x1D000] =	vst v63  }
0x198: {  	_ =	swait.ge [sflag:s17], $0x4000  }
0x199: {  	[sflag:s17] =	ssyncset.done $0x0  }
0x19a: {  	s9 =	rddreg [dreg:$0xe];
	[sflag:s17] =	ssyncadd.s32 $0xFFFFC000  }
0x19b: {  	[tilespmem:s16], [sflag:$0x1] =	stream.indirect.gather [hbm4b:s4+s19], $0x80, s9, s19, $0xb8;
	[tilespmem:$0x1D000] =	vst v63  }
0x19c: {  	_ =	swait.ge [sflag:s22], $0x4000  }
0x19d: {  	[sflag:s22] =	ssyncset.done $0x0  }
0x19e: {  	s7 =	rddreg [dreg:$0xf];
	[sflag:s22] =	ssyncadd.s32 $0xFFFFC000  }
0x19f: {  	[spmem:s2] =	stream.indirect.scatter.add.f32 [tilespmem:s20], [sflag:$0x3], $0x80, s7, s19, $0xb8;
	[tilespmem:$0x1D000] =	vst v63  }
0x1a0: {  	_ =	swait.ge [sflag:s17], $0x4000  }
0x1a1: {  	[sflag:s17] =	ssyncset.done $0x0  }
0x1a2: {  	s8 =	rddreg [dreg:$0x10];
	[sflag:s17] =	ssyncadd.s32 $0xFFFFC000  }
0x1a3: {  	[tilespmem:s20], [sflag:$0x2] =	stream.indirect.gather [hbm4b:s4+s19], $0x80, s8, s19, $0xb8;
	[tilespmem:$0x1D000] =	vst v63  }
0x1a4: {  	_ =	swait.ge [sflag:s21], $0x4000  }
0x1a5: {  	[sflag:s21] =	ssyncset.done $0x0  }
0x1a6: {  	s9 =	rddreg [dreg:$0x11];
	[sflag:s21] =	ssyncadd.s32 $0xFFFFC000  }
0x1a7: {  	[spmem:s2] =	stream.indirect.scatter.add.f32 [tilespmem:s16], [sflag:$0x3], $0x80, s9, s19, $0xb8;
	[tilespmem:$0x1D000] =	vst v63  }
0x1a8: {  	_ =	swait.ge [sflag:s17], $0x4000  }
0x1a9: {  	[sflag:s17] =	ssyncset.done $0x0  }
0x1aa: {  	[sflag:s17] =	ssyncadd.s32 $0xFFFFC000  }
0x1ab: {  	[tilespmem:s16], [sflag:$0x1] =	stream.indirect.gather [hbm4b:s4+s19], $0x80, s23, s19, $0xb8;
	[tilespmem:$0x1D000] =	vst v63  }
0x1ac: {  	_ =	swait.ge [sflag:s22], $0x4000  }
0x1ad: {  	[sflag:s22] =	ssyncset.done $0x0  }
0x1ae: {  	[sflag:s22] =	ssyncadd.s32 $0xFFFFC000  }
0x1af: {  	[spmem:s2] =	stream.indirect.scatter.add.f32 [tilespmem:s20], [sflag:$0x3], $0x80, s24, s19, $0xb8;
	[tilespmem:$0x1D000] =	vst v63  }
0x1b0: {  	_ =	swait.ge [sflag:s17], $0x4000  }
0x1b1: {  	[sflag:s17] =	ssyncset.done $0x0  }
0x1b2: {  	[sflag:s17] =	ssyncadd.s32 $0xFFFFC000  }
0x1b3: {  	[tilespmem:s20], [sflag:$0x2] =	stream.indirect.gather [hbm4b:s4+s19], $0x80, s25, s19, $0xb8;
	[tilespmem:$0x1D000] =	vst v63  }
0x1b4: {  	_ =	swait.ge [sflag:s21], $0x4000  }
0x1b5: {  	[sflag:s21] =	ssyncset.done $0x0  }
0x1b6: {  	[sflag:s21] =	ssyncadd.s32 $0xFFFFC000  }
0x1b7: {  	[spmem:s2] =	stream.indirect.scatter.add.f32 [tilespmem:s16], [sflag:$0x3], $0x80, s26, s19, $0xb8;
	[tilespmem:$0x1D000] =	vst v63  }
0x1b8: {  	_ =	swait.ge [sflag:s17], $0x4000  }
0x1b9: {  	[sflag:s17] =	ssyncset.done $0x0  }
0x1ba: {  	[sflag:s17] =	ssyncadd.s32 $0xFFFFC000  }
0x1bb: {  	[tilespmem:s16], [sflag:$0x1] =	stream.indirect.gather [hbm4b:s4+s19], $0x80, s28, s19, $0xb8;
	[tilespmem:$0x1D000] =	vst v63  }
0x1bc: {  	_ =	swait.ge [sflag:s22], $0x4000  }
0x1bd: {  	[sflag:s22] =	ssyncset.done $0x0  }
0x1be: {  	[sflag:s22] =	ssyncadd.s32 $0xFFFFC000  }
0x1bf: {  	[spmem:s2] =	stream.indirect.scatter.add.f32 [tilespmem:s20], [sflag:$0x3], $0x80, s29, s19, $0xb8;
	[tilespmem:$0x1D000] =	vst v63  }
0x1c0: {  	_ =	swait.ge [sflag:s17], $0x4000  }
0x1c1: {  	[sflag:s17] =	ssyncset.done $0x0  }
0x1c2: {  	[sflag:s17] =	ssyncadd.s32 $0xFFFFC000  }
0x1c3: {  	[tilespmem:s20], [sflag:$0x2] =	stream.indirect.gather [hbm4b:s4+s19], $0x80, s30, s19, $0xb8;
	[tilespmem:$0x1D000] =	vst v63  }
0x1c4: {  	_ =	swait.ge [sflag:s21], $0x4000  }
0x1c5: {  	[sflag:s21] =	ssyncset.done $0x0  }
0x1c6: {  	[sflag:s21] =	ssyncadd.s32 $0xFFFFC000  }
0x1c7: {  	[spmem:s2] =	stream.indirect.scatter.add.f32 [tilespmem:s16], [sflag:$0x3], $0x80, s31, s19, $0xb8;
	[tilespmem:$0x1D000] =	vst v63  }
0x1c8: {  	_ =	swait.ge [sflag:s17], $0x4000  }
0x1c9: {  	[sflag:s17] =	ssyncset.done $0x0  }
0x1ca: {  	[sflag:s17] =	ssyncadd.s32 $0xFFFFC000  }
0x1cb: {  	[tilespmem:s16], [sflag:$0x1] =	stream.indirect.gather [hbm4b:s4+s19], $0x80, s1, s19, $0xb8;
	[tilespmem:$0x1D000] =	vst v63  }
0x1cc: {  	_ =	swait.ge [sflag:s22], $0x4000  }
0x1cd: {  	[sflag:s22] =	ssyncset.done $0x0  }
0x1ce: {  	[sflag:s22] =	ssyncadd.s32 $0xFFFFC000  }
0x1cf: {  	[spmem:s2] =	stream.indirect.scatter.add.f32 [tilespmem:s20], [sflag:$0x3], $0x80, s0, s19, $0xb8;
	[tilespmem:$0x1D000] =	vst v63  }
0x1d0: {  	_ =	swait.ge [sflag:s17], $0x4000  }
0x1d1: {  	[sflag:s17] =	ssyncset.done $0x0  }
0x1d2: {  	[sflag:s17] =	ssyncadd.s32 $0xFFFFC000  }
0x1d3: {  	[tilespmem:s20], [sflag:$0x2] =	stream.indirect.gather [hbm4b:s4+s19], $0x80, s10, s19, $0xb8;
	[tilespmem:$0x1D000] =	vst v63  }
0x1d4: {  	_ =	swait.ge [sflag:s21], $0x4000  }
0x1d5: {  	[sflag:s21] =	ssyncset.done $0x0  }
0x1d6: {  	[sflag:s21] =	ssyncadd.s32 $0xFFFFC000  }
0x1d7: {  	[spmem:s2] =	stream.indirect.scatter.add.f32 [tilespmem:s16], [sflag:$0x3], $0x80, s11, s19, $0xb8;
	[tilespmem:$0x1D000] =	vst v63  }
0x1d8: {  	_ =	swait.ge [sflag:s17], $0x4000  }
0x1d9: {  	[sflag:s17] =	ssyncset.done $0x0  }
0x1da: {  	[sflag:s17] =	ssyncadd.s32 $0xFFFFC000  }
0x1db: {  	[tilespmem:s16], [sflag:$0x1] =	stream.indirect.gather [hbm4b:s4+s19], $0x80, s12, s19, $0xb8;
	[tilespmem:$0x1D000] =	vst v63  }
0x1dc: {  	_ =	swait.ge [sflag:s22], $0x4000  }
0x1dd: {  	[sflag:s22] =	ssyncset.done $0x0  }
0x1de: {  	[sflag:s22] =	ssyncadd.s32 $0xFFFFC000  }
0x1df: {  	[spmem:s2] =	stream.indirect.scatter.add.f32 [tilespmem:s20], [sflag:$0x3], $0x80, s13, s19, $0xb8;
	[tilespmem:$0x1D000] =	vst v63  }
0x1e0: {  	_ =	swait.ge [sflag:s17], $0x4000  }
0x1e1: {  	[sflag:s17] =	ssyncset.done $0x0  }
0x1e2: {  	[sflag:s17] =	ssyncadd.s32 $0xFFFFC000  }
0x1e3: {  	[tilespmem:s20], [sflag:$0x2] =	stream.indirect.gather [hbm4b:s4+s19], $0x80, s14, s19, $0xb8;
	[tilespmem:$0x1D000] =	vst v63  }
0x1e4: {  	_ =	swait.ge [sflag:s21], $0x4000  }
0x1e5: {  	[sflag:s21] =	ssyncset.done $0x0  }
0x1e6: {  	[sflag:s21] =	ssyncadd.s32 $0xFFFFC000  }
0x1e7: {  	[spmem:s2] =	stream.indirect.scatter.add.f32 [tilespmem:s16], [sflag:$0x3], $0x80, s15, s19, $0xb8;
	[tilespmem:$0x1D000] =	vst v63  }
0x1e8: {  	_ =	swait.ge [sflag:s17], $0x4000  }
0x1e9: {  	[sflag:s17] =	ssyncset.done $0x0  }
0x1ea: {  	[sflag:s17] =	ssyncadd.s32 $0xFFFFC000  }
0x1eb: {  	[tilespmem:s16], [sflag:$0x1] =	stream.indirect.gather [hbm4b:s4+s19], $0x80, s14, s19, $0xb8;
	[tilespmem:$0x1D000] =	vst v63  }
0x1ec: {  	_ =	swait.ge [sflag:s22], $0x4000  }
0x1ed: {  	[sflag:s22] =	ssyncset.done $0x0  }
0x1ee: {  	[sflag:s22] =	ssyncadd.s32 $0xFFFFC000  }
0x1ef: {  	[spmem:s2] =	stream.indirect.scatter.add.f32 [tilespmem:s20], [sflag:$0x3], $0x80, s5, s19, $0xb8;
	[tilespmem:$0x1D000] =	vst v63  }
0x1f0: {  	_ =	swait.ge [sflag:s17], $0x4000  }
0x1f1: {  	[sflag:s17] =	ssyncset.done $0x0  }
0x1f2: {  	[sflag:s17] =	ssyncadd.s32 $0xFFFFC000  }
0x1f3: {  	_ =	swait.ge [sflag:s21], $0x4000  }
0x1f4: {  	[sflag:s21] =	ssyncset.done $0x0  }
0x1f5: {  	[sflag:s21] =	ssyncadd.s32 $0xFFFFC000  }
0x1f6: {  	[bflag:$0x0] =	sbarrier.arrive $0xFFFF  }
0x1f7: {  	s7 =	rddreg [dreg:$0x12]  }
0x1f8: {  	[tilespmem:s16], [sflag:$0x3] =	stream.linear.gather [spmem:s7], $0x4000, $0x38;
	[tilespmem:$0x1D000] =	vst v63  }
0x1f9: {  	_ =	swait.ge [sflag:s17], $0x4000  }
0x1fa: {  	[sflag:s17] =	ssyncset.done $0x0  }
0x1fb: {  	s8 =	rddreg [dreg:$0x17];
	[sflag:s17] =	ssyncadd.s32 $0xFFFFC000  }
0x1fc: {  	[hbm4b:s8+s3] =	stream.linear.scatter [tilespmem:s16], [sflag:$0x3], $0x4000, $0x38;
	[tilespmem:$0x1D000] =	vst v63  }
0x1fd: {  	_ =	swait.ge [sflag:s17], $0x4000  }
0x1fe: {  	[sflag:s17] =	ssyncset.done $0x0  }
0x1ff: {  	s9 =	rddreg [dreg:$0x13];
	[sflag:s17] =	ssyncadd.s32 $0xFFFFC000  }
0x200: {  	[tilespmem:s16], [sflag:$0x3] =	stream.linear.gather [spmem:s9], $0x4000, $0x38;
	[tilespmem:$0x1D000] =	vst v63  }
0x201: {  	_ =	swait.ge [sflag:s17], $0x4000  }
0x202: {  	[sflag:s17] =	ssyncset.done $0x0  }
0x203: {  	s7 =	rddreg [dreg:$0x18];
	[sflag:s17] =	ssyncadd.s32 $0xFFFFC000  }
0x204: {  	[hbm4b:s7+s3] =	stream.linear.scatter [tilespmem:s16], [sflag:$0x3], $0x4000, $0x38;
	[tilespmem:$0x1D000] =	vst v63  }
0x205: {  	_ =	swait.ge [sflag:s17], $0x4000  }
0x206: {  	[sflag:s17] =	ssyncset.done $0x0  }
0x207: {  	s8 =	rddreg [dreg:$0x14];
	[sflag:s17] =	ssyncadd.s32 $0xFFFFC000  }
0x208: {  	[tilespmem:s16], [sflag:$0x3] =	stream.linear.gather [spmem:s8], $0x4000, $0x38;
	[tilespmem:$0x1D000] =	vst v63  }
0x209: {  	_ =	swait.ge [sflag:s17], $0x4000  }
0x20a: {  	[sflag:s17] =	ssyncset.done $0x0  }
0x20b: {  	s9 =	rddreg [dreg:$0x19];
	[sflag:s17] =	ssyncadd.s32 $0xFFFFC000  }
0x20c: {  	[hbm4b:s9+s3] =	stream.linear.scatter [tilespmem:s16], [sflag:$0x3], $0x4000, $0x38;
	[tilespmem:$0x1D000] =	vst v63  }
0x20d: {  	_ =	swait.ge [sflag:s17], $0x4000  }
0x20e: {  	[sflag:s17] =	ssyncset.done $0x0  }
0x20f: {  	s7 =	rddreg [dreg:$0x15];
	[sflag:s17] =	ssyncadd.s32 $0xFFFFC000  }
0x210: {  	[tilespmem:s16], [sflag:$0x3] =	stream.linear.gather [spmem:s7], $0x4000, $0x38;
	[tilespmem:$0x1D000] =	vst v63  }
0x211: {  	_ =	swait.ge [sflag:s17], $0x4000  }
0x212: {  	[sflag:s17] =	ssyncset.done $0x0  }
0x213: {  	s8 =	rddreg [dreg:$0x1a];
	[sflag:s17] =	ssyncadd.s32 $0xFFFFC000  }
0x214: {  	[hbm4b:s8+s3] =	stream.linear.scatter [tilespmem:s16], [sflag:$0x3], $0x4000, $0x38;
	[tilespmem:$0x1D000] =	vst v63  }
0x215: {  	_ =	swait.ge [sflag:s17], $0x4000  }
0x216: {  	[sflag:s17] =	ssyncset.done $0x0  }
0x217: {  	s9 =	rddreg [dreg:$0x16];
	[sflag:s17] =	ssyncadd.s32 $0xFFFFC000  }
0x218: {  	[tilespmem:s16], [sflag:$0x3] =	stream.linear.gather [spmem:s9], $0x4000, $0x38;
	[tilespmem:$0x1D000] =	vst v63  }
0x219: {  	_ =	swait.ge [sflag:s17], $0x4000  }
0x21a: {  	[sflag:s17] =	ssyncset.done $0x0  }
0x21b: {  	s7 =	rddreg [dreg:$0x1b];
	[sflag:s17] =	ssyncadd.s32 $0xFFFFC000  }
0x21c: {  	[hbm4b:s7+s3] =	stream.linear.scatter [tilespmem:s16], [sflag:$0x3], $0x4000, $0x38;
	[tilespmem:$0x1D000] =	vst v63  }
0x21d: {  	_ =	swait.ge [sflag:s17], $0x4000  }
0x21e: {  	s8 =	rddreg [dreg:$0x1d]  }
0x21f: {  	s9 =	rddreg [dreg:$0x1c];
	s7 =	sadd.s32 $0x1, s8  }
0x220: {  	p0 =	sne.s32 s7, s9  }
.Ltmp2:
0x221: {  	_ = 	snop;
	(pc) =	sbr.rel @p0 .LBB2_1-.Ltmp2, $3  }
0x222: {  	_ =	sdelay $0x1  }
0x223: {  	[sflag:s17] =	ssyncset.done $0x0  }
0x224: {  	[sflag:s17] =	ssyncadd.s32 $0xFFFFC000  }
0x225: {  	_ =	sfence.sel $0x180000  }
0x226: {  	[bflag:$0x0] =	sbarrier.arrive $0xFFFF  }
0x227: {  	_ =	strace $0x9000004D  }
0x228: {  	s0 =	stileid.u32;
	[bflag:$0x2] =	sbarrier.arrive $0xFFFF  }
0x229: {  	p0 =	sne.s32 s0, $0x0;
	s0 =	rddreg [dreg:$0x3]  }
0x22a: {  	s0 =	sadd.s32 @!p0 $0x100000, s0  }
0x22b: {  	[sflag:s0] =	ssyncadd.tile.s32 @!p0 $0x1;
	_ =	shalt  }
.Lfunc_end2:
_tile_overlayer_lowered:
.L_overlay_start_2:
0x22c: {  	(tag) =	ssettag $0x2  }
0x22d: {  	s0 =	rddreg [dreg:$0x0];
	s2 =	stileid.u32  }
0x22e: {  	s1 =	rddreg [dreg:$0x1];
	p0 =	sne.s32 s2, $0x0  }
0x22f: {  	s3 =	rddreg [dreg:$0x2];
	[bflag:$0x3] =	sbarrier.arrive $0xFFFF;
	s2 =	simm.s32 @!p0 $0x1C03  }
0x230: {  	[timem:s3], [sflag:s2] =	dma.local @!p0 [hbm:s0], s1  }
0x231: {  	s0 =	simm.s32 @!p0 $0x3  }
0x232: {  	_ =	swait.ge @!p0 [sflag:s0], s1  }
0x233: {  	s1 =	ssub.s32 @!p0 $0x0, s1;
	[sflag:s0] =	ssyncset.done @!p0 $0x0  }
0x234: {  	[sflag:s0] =	ssyncadd.s32 @!p0 s1  }
0x235: {  	[bflag:$0x3] =	sbarrier.arrive $0xFFFF  }
0x236: {  	_ =	shalt  }

// kernel: kernel.8.cloned.1.call-start
scs
__scs_entry_jumppad:
0x0: {  	(pc) =	sbr.rel $0x88, $3  }
0x1: {  	(tag) =	ssettag $0x0;
	lr =	simm.s32 $0x1  }
0x2: {  	[smem:$0x3F9B] =	sst lr;
	_ =	strace $0xD0000000  }
0x3: {  	_ = 	snop  }
0x4: {  	_ = 	snop  }
0x5: {  	_ = 	snop  }
0x6: {  	_ = 	snop  }
0x7: {  	_ = 	snop  }
__scs_overlays_trampoline_lowered:
0x8: {  	[smem:$0x3FAA] =	sst s0  }
0x9: {  	[smem:$0x3FAB] =	sst s1  }
0xa: {  	[smem:$0x3FAC] =	sst s2  }
0xb: {  	[smem:$0x3FAD] =	sst s3  }
0xc: {  	[smem:$0x3FAE] =	sst s4  }
0xd: {  	[smem:$0x3FAF] =	sst s5  }
0xe: {  	[smem:$0x3FB0] =	sst s6  }
0xf: {  	[smem:$0x3FB1] =	sst s7  }
0x10: {  	[smem:$0x3FB2] =	sst s8  }
0x11: {  	[smem:$0x3FB3] =	sst s9;
	s0 =	simm.s32 @!p0 $0x0  }
0x12: {  	s1 =	sld [smem:$0x3F99];
	s0 =	simm.s32 @p0 $0x1  }
0x13: {  	[smem:$0x3FB4] =	sst s0;
	s0 =	simm.s32 @!p1 $0x0  }
0x14: {  	s2 =	sld [smem:$0x3F98];
	s0 =	simm.s32 @p1 $0x1  }
0x15: {  	[smem:$0x3FB5] =	sst s0;
	s0 =	simm.s32 @!p2 $0x0  }
0x16: {  	s3 =	sld [smem:$0x3FDB];
	s0 =	simm.s32 @p2 $0x1  }
0x17: {  	s4 =	simm.s32 $0x1BF5;
	[smem:$0x3FB7] =	sst s0  }
0x18: {  	s0 =	sld [smem:$0x3F9A];
	_ =	swait.ge [sflag:s4], $0x0  }
0x19: {  	s7 =	sld [smem:$0x3F9B]  }
0x1a: {  	s8 =	sadd.s32 $0xFFFFE003, lr  }
0x1b: {  	s9 =	sadd.s32 $0xFFFFFEF7, lr;
	s5 =	simm.s32 $0xFFFFFFFF;
	p2 =	slt.u32 s8, $0xFFFFF086  }
0x1c: {  	p1 =	slt.u32 s9, $0xF7A;
	s5 =	simm.s32 @!p2 $0x0  }
0x1d: {  	s5 =	simm.s32 @p1 $0x1;
	p0 =	seq.s32 s7, s2  }
0x1e: {  	s7 =	smul.u32 @!p0 $0xF7A, s2;
	p2 =	seq.s32 @!p0 s5, $0x0  }
0x1f: {  	s9 =	smul.u32 $0xF7A, s1;
	s8 =	simm.s32 @!p0 $0x1BF5;
	p2 =	por !p2, p0  }
0x20: {  	[sflag:s8] =	ssyncset.s32 @!p0 $0xFFFFF086;
	s6 =	sadd.s32 @!p0 s3, s7;
	s7 =	simm.s32 @!p0 $0x108  }
0x21: {  	s3 =	sadd.s32 s3, s9;
	s6 =	sadd.s32 @!p0 $0x88, s6;
	s7 =	simm.s32 @p2 $0x1082  }
0x22: {  	[simem:s7], [sflag:s8] =	dma.local @!p0 [hbm:s6], $0xF7A  }
0x23: {  	s9 =	sor.u32 $0xD0000000, s2;
	s6 =	simm.s32 $0x108;
	_ =	swait.ge @!p0 [sflag:s8], $0x0  }
0x24: {  	s3 =	sadd.s32 $0x88, s3;
	s6 =	simm.s32 @!p1 $0x1082;
	[sflag:s4] =	ssyncset.s32 $0xFFFFF086  }
0x25: {  	[simem:s6], [sflag:s4] =	dma.local [hbm:s3], $0xF7A  }
0x26: {  	[smem:$0x3F9B] =	sst s1;
	(tag) =	ssettag s2;
	_ =	strace s9  }
0x27: {  	s1 =	sld [smem:$0x3FAB]  }
0x28: {  	s2 =	sld [smem:$0x3FAC]  }
0x29: {  	s4 =	sld [smem:$0x3FAE]  }
0x2a: {  	p0 =	seq.s32 s5, $0x0;
	s5 =	sld [smem:$0x3FAF]  }
0x2b: {  	s6 =	sld [smem:$0x3FB0]  }
0x2c: {  	s7 =	sld [smem:$0x3FB1]  }
0x2d: {  	s3 =	simm.s32 $0x108;
	s8 =	sld [smem:$0x3FB2]  }
0x2e: {  	s3 =	simm.s32 @!p0 $0x1082;
	s9 =	sld [smem:$0x3FB3]  }
0x2f: {  	lr =	sadd.s32 s0, s3;
	s0 =	sld [smem:$0x3FAA]  }
0x30: {  	s3 =	sld [smem:$0x3FAD]  }
0x31: {  	[smem:$0x3FB6] =	sst s10  }
0x32: {  	s10 =	sld [smem:$0x3FB4];
	_ =	sdelay $0x3  }
0x33: {  	p0 =	seq.s32 s10, $0x1;
	s10 =	sld [smem:$0x3FB6];
	_ =	sdelay $0x3  }
0x34: {  	[smem:$0x3FB6] =	sst s10  }
0x35: {  	s10 =	sld [smem:$0x3FB5];
	_ =	sdelay $0x3  }
0x36: {  	p1 =	seq.s32 s10, $0x1;
	s10 =	sld [smem:$0x3FB6];
	_ =	sdelay $0x3  }
0x37: {  	[smem:$0x3FB6] =	sst s10  }
0x38: {  	s10 =	sld [smem:$0x3FB7]  }
0x39: {  	_ = 	snop;
	(pc) =	sbr.ind lr, $3  }
0x3a: {  	_ = 	snop  }
0x3b: {  	_ = 	snop  }
0x3c: {  	p2 =	seq.s32 s10, $0x1;
	s10 =	sld [smem:$0x3FB6]  }
0x3d: {  	_ =	shalt  }
0x3e: {  	_ =	shalt  }
0x3f: {  	_ =	shalt  }
0x40: {  	_ =	shalt  }
0x41: {  	_ =	shalt  }
0x42: {  	_ =	shalt  }
0x43: {  	_ =	shalt  }
0x44: {  	_ =	shalt  }
0x45: {  	_ =	shalt  }
0x46: {  	_ =	shalt  }
0x47: {  	_ =	shalt  }
0x48: {  	_ =	shalt  }
0x49: {  	_ =	shalt  }
0x4a: {  	_ =	shalt  }
0x4b: {  	_ =	shalt  }
0x4c: {  	_ =	shalt  }
0x4d: {  	_ =	shalt  }
0x4e: {  	_ =	shalt  }
0x4f: {  	_ =	shalt  }
0x50: {  	_ =	shalt  }
0x51: {  	_ =	shalt  }
0x52: {  	_ =	shalt  }
0x53: {  	_ =	shalt  }
0x54: {  	_ =	shalt  }
0x55: {  	_ =	shalt  }
0x56: {  	_ =	shalt  }
0x57: {  	_ =	shalt  }
0x58: {  	_ =	shalt  }
0x59: {  	_ =	shalt  }
0x5a: {  	_ =	shalt  }
0x5b: {  	_ =	shalt  }
0x5c: {  	_ =	shalt  }
0x5d: {  	_ =	shalt  }
0x5e: {  	_ =	shalt  }
0x5f: {  	_ =	shalt  }
0x60: {  	_ =	shalt  }
0x61: {  	_ =	shalt  }
0x62: {  	_ =	shalt  }
0x63: {  	_ =	shalt  }
0x64: {  	_ =	shalt  }
0x65: {  	_ =	shalt  }
0x66: {  	_ =	shalt  }
0x67: {  	_ =	shalt  }
0x68: {  	_ =	shalt  }
0x69: {  	_ =	shalt  }
0x6a: {  	_ =	shalt  }
0x6b: {  	_ =	shalt  }
0x6c: {  	_ =	shalt  }
0x6d: {  	_ =	shalt  }
0x6e: {  	_ =	shalt  }
0x6f: {  	_ =	shalt  }
0x70: {  	_ =	shalt  }
0x71: {  	_ =	shalt  }
0x72: {  	_ =	shalt  }
0x73: {  	_ =	shalt  }
0x74: {  	_ =	shalt  }
0x75: {  	_ =	shalt  }
0x76: {  	_ =	shalt  }
0x77: {  	_ =	shalt  }
0x78: {  	_ =	shalt  }
0x79: {  	_ =	shalt  }
0x7a: {  	_ =	shalt  }
0x7b: {  	_ =	shalt  }
0x7c: {  	_ =	shalt  }
0x7d: {  	_ =	shalt  }
0x7e: {  	_ =	shalt  }
0x7f: {  	_ =	shalt  }
0x80: {  	_ =	shalt  }
0x81: {  	_ =	shalt  }
0x82: {  	_ =	shalt  }
0x83: {  	_ =	shalt  }
0x84: {  	_ =	shalt  }
0x85: {  	_ =	shalt  }
0x86: {  	_ =	shalt  }
0x87: {  	_ =	shalt  }
.Lfunc_end0:
.L_simem_size_0:
called_computation_lowered:
.L_overlay_start_0:
0x88: {  	s2 =	sld [smem:$0x3FD9]  }
0x89: {  	s3 =	sld [smem:$0x3FFE];
	_ =	sdelay $0x1  }
0x8a: {  	s1 =	srdreg.scid  }
0x8b: {  	s0 =	sand.u32 $0x1, s1  }
0x8c: {  	s16 =	sshll.u32 s0, $0xA;
	s2 =	sadd.s32 s3, s2  }
0x8d: {  	s2 =	sadd.s32 s2, s16  }
0x8e: {  	[smem:$0x3FC2] =	sst s2  }
0x8f: {  	_ = 	snop  }
0x90: {  	(tm) =	ssettm $0x1  }
0x91: {  	s17 =	sld [smem:$0x3FFB];
	_ =	sdelay $0x3  }
0x92: {  	_ =	strace s17  }
0x93: {  	s2 =	sld [smem:$0x3FFC];
	_ =	sdelay $0x3  }
0x94: {  	_ =	strace s2  }
0x95: {  	s2 =	sld [smem:$0x3FFD];
	_ =	sdelay $0x3  }
0x96: {  	_ =	strace s2  }
0x97: {  	_ =	strace $0x8FFFFFFF  }
0x98: {  	s18 =	sld [smem:$0x3FDB];
	_ =	sdelay $0x1  }
0x99: {  	s19 =	simm.s32 $_scs_section_size  }
0x9a: {  	s4 =	simm.s32 $_size__tile_overlayer_lowered;
	s5 =	simm.s32 $_tile_overlayer_lowered  }
0x9b: {  	s22 =	simm.s32 $0x1BFF;
	s21 =	sshll.u32 s5, $0x1;
	s2 =	sadd.s32 s19, s18  }
0x9c: {  	s6 =	simm.s32 $0x0;
	s20 =	sshll.u32 s4, $0x1;
	s4 =	sadd.s32 s21, s2  }
0x9d: {  	[timem:s6], [sflag:s22] =	dma.local [hbm:s4], s20  }
0x9e: {  	_ =	swait.ge [sflag:s22], s20  }
0x9f: {  	s3 =	ssub.s32 $0x0, s20;
	[sflag:s22] =	ssyncset.done $0x0  }
0xa0: {  	[sflag:s22] =	ssyncadd.s32 s3;
	_ =	sdelay $0x1  }
0xa1: {  	s23 =	simm.s32 $0x1B8B  }
0xa2: {  	_ =	swait.ge [sflag:s23], $0x1  }
0xa3: {  	[sflag:s23] =	ssyncset.done $0x0  }
0xa4: {  	s25 =	simm.s32 $0x1B8E;
	s24 =	sld [smem:$0x3FFE];
	[sflag:s23] =	ssyncadd.s32 $0xFFFFFFFF  }
0xa5: {  	s26 =	simm.s32 $execute0_lowered;
	[smem:$0x3FD2] =	sst s25  }
0xa6: {  	s4 =	sshll.u32 s26, $0x1;
	_ =	strace $0x80000046;
	[dreg:$0x1] =	wrdreg $0xFFFFFFFF  }
0xa7: {  	s28 =	simm.s32 $_size_execute0_lowered;
	s2 =	sadd.s32 s2, s4;
	[dreg:$0x0] =	wrdreg $0x0  }
0xa8: {  	s4 =	sshll.u32 s28, $0x1;
	[dreg:$0x2] =	wrdreg s2  }
0xa9: {  	[dreg:$0x3] =	wrdreg s4  }
0xaa: {  	[dreg:$0x4] =	wrdreg $0xC0  }
0xab: {  	_ =	task [dreg:s6], $0x5FFFF  }
0xac: {  	[dreg:$0x1] =	wrdreg $0xFFFFFFFF  }
0xad: {  	[dreg:$0x0] =	wrdreg $0x60  }
0xae: {  	[dreg:$0x2] =	wrdreg s24  }
0xaf: {  	[dreg:$0x3] =	wrdreg $0x2B000  }
0xb0: {  	[dreg:$0x4] =	wrdreg $0x9  }
0xb1: {  	_ =	task.clear_ibuf [dreg:s6], $0x5FFFF;
	_ =	strace $0x90000046  }
0xb2: {  	s29 =	simm.s32 $0x9;
	_ =	strace $0x80000048  }
0xb3: {  	_ =	swait.ge [sflag:s29], $0x1  }
0xb4: {  	[sflag:s29] =	ssyncadd.s32 $0xFFFFFFFF  }
0xb5: {  	_ =	strace $0x90000048  }
0xb6: {  	_ =	sfence  }
0xb7: {  	s30 =	sld [smem:$0x0];
	_ =	sdelay $0x2  }
0xb8: {  	s31 =	sshll.u32 s1, $0xD;
	s1 =	sshrl.u32 s1, $0x2  }
0xb9: {  	s3 =	sand.u32 $0x4000, s31;
	s1 =	sadd.s32 s1, s30  }
0xba: {  	s0 =	sor.u32 s3, s0;
	s1 =	sshll.u32 s1, $0x11  }
0xbb: {  	s0 =	sor.u32 s1, s0  }
0xbc: {  	s0 =	sadd.s32 $0x8F2B, s0  }
0xbd: {  	[sflag:s0] =	ssyncadd.remote.s32 $0x1  }
0xbe: {  	_ =	sfence.sel $0xFFFF  }
0xbf: {  	[dreg:$0x0] =	wrdreg $0xFFFFFFFF;
	(pc) =	sbr.abs _section_cstart, $3  }
0xc0: {  	[dreg:$0x1] =	wrdreg $0xFFFFFFFF  }
0xc1: {  	_ =	task.clear_ibuf [dreg:s6], $0x2FFFF;
	_ =	strace $0x9FFFFFFF  }
0xc2: {  	(tm) =	ssettm $0x7FFFFFFF  }
0xc3: {  	_ =	shalt  }
tec
execute0_lowered:
.L_overlay_start_1:
0x0: {  	(tag) =	ssettag $0x1  }
0x1: {  	s4 =	rddreg [dreg:$0x0]  }
0x2: {  	s2 =	rddreg [dreg:$0x1];
	s3 =	srdreg.scid  }
0x3: {  	s1 =	stileid.u32;
	s0 =	rddreg [dreg:$0x2];
	s10 =	simm.s32 $0x80  }
0x4: {  	s11 =	simm.s32 $0x2800;
	s5 =	sand.u32 $0x1, s3;
	s6 =	smul.u32 $0x280, s1  }
0x5: {  	s3 =	simm.s32 $0x0;
	s7 =	sshll.u32 s5, $0x4;
	s8 =	smul.u32 $0x2800, s5  }
0x6: {  	s12 =	simm.s32 $0x0;
	[smem:$0x7FF] =	sst s3;
	s7 =	sor.u32 s1, s7  }
0x7: {  	s5 =	ssub.s32 $0x2, s5;
	s7 =	smul.u32 $0x500, s7;
	s8 =	sadd.s32 s6, s8  }
0x8: {  	_ =	strace $0x80000047;
	s9 =	sshrl.u32 s5, $0x1;
	s8 =	sshrl.u32 s8, $0x3  }
0x9: {  	s9 =	ssub.s32 s5, s9;
	s7 =	sadd.s32 s7, s4;
	s8 =	sadd.s32 s8, s4  }
0xa: {  	s5 =	sadd.s32 s6, s2;
	s4 =	sadd.s32 $0x2200, s7;
	s6 =	sadd.s32 $0xC200, s8  }
0xb: {  	v0 =	vimm.f32 $1.000000000e+00;
	v1 =	vimm.f32 $0.0e+00;
	s7 =	smax.u32 s9, $0x1;
	s8 =	simm.s32 $0x1;
	s9 =	simm.s32 $0x2880  }
.LBB2_1:
0xc: {  	[tilespmem:s3], [sflag:$0x1] =	stream.linear.gather [hbm4b:s4+s3], $0x2800, $0x38;
	[tilespmem:$0x2D80] =	vst v63  }
0xd: {  	_ =	swait.ge [sflag:s8], $0x2800  }
0xe: {  	[sflag:s8] =	ssyncset.done $0x0  }
0xf: {  	[sflag:s8] =	ssyncadd.s32 $0xFFFFD800  }
0x10: {  	[tilespmem:$0x2800] =	vst v0  }
0x11: {  	[tilespmem:$0x2810] =	vst v0  }
0x12: {  	[tilespmem:$0x2820] =	vst v0  }
0x13: {  	[tilespmem:$0x2830] =	vst v0  }
0x14: {  	[tilespmem:$0x2840] =	vst v0  }
0x15: {  	[tilespmem:$0x2850] =	vst v0  }
0x16: {  	[tilespmem:$0x2860] =	vst v0  }
0x17: {  	[tilespmem:$0x2870] =	vst v0  }
0x18: {  	[tilespmem:$0x2880] =	vst v1  }
0x19: {  	[tilespmem:$0x2890] =	vst v1  }
0x1a: {  	[tilespmem:$0x28A0] =	vst v1  }
0x1b: {  	[tilespmem:$0x28B0] =	vst v1  }
0x1c: {  	[tilespmem:$0x28C0] =	vst v1  }
0x1d: {  	[tilespmem:$0x28D0] =	vst v1  }
0x1e: {  	[tilespmem:$0x28E0] =	vst v1  }
0x1f: {  	[tilespmem:$0x28F0] =	vst v1  }
0x20: {  	[tilespmem:$0x2900] =	vst v1  }
0x21: {  	[tilespmem:$0x2910] =	vst v1  }
0x22: {  	[tilespmem:$0x2920] =	vst v1  }
0x23: {  	[tilespmem:$0x2930] =	vst v1  }
0x24: {  	[tilespmem:$0x2940] =	vst v1  }
0x25: {  	[tilespmem:$0x2950] =	vst v1  }
0x26: {  	[tilespmem:$0x2960] =	vst v1  }
0x27: {  	[tilespmem:$0x2970] =	vst v1  }
0x28: {  	[tilespmem:$0x2980] =	vst v1  }
0x29: {  	[tilespmem:$0x2990] =	vst v1  }
0x2a: {  	[tilespmem:$0x29A0] =	vst v1  }
0x2b: {  	[tilespmem:$0x29B0] =	vst v1  }
0x2c: {  	[tilespmem:$0x29C0] =	vst v1  }
0x2d: {  	[tilespmem:$0x29D0] =	vst v1  }
0x2e: {  	[tilespmem:$0x29E0] =	vst v1  }
0x2f: {  	[tilespmem:$0x29F0] =	vst v1  }
0x30: {  	[tilespmem:$0x2A00] =	vst v1  }
0x31: {  	[tilespmem:$0x2A10] =	vst v1  }
0x32: {  	[tilespmem:$0x2A20] =	vst v1  }
0x33: {  	[tilespmem:$0x2A30] =	vst v1  }
0x34: {  	[tilespmem:$0x2A40] =	vst v1  }
0x35: {  	[tilespmem:$0x2A50] =	vst v1  }
0x36: {  	[tilespmem:$0x2A60] =	vst v1  }
0x37: {  	[tilespmem:$0x2A70] =	vst v1  }
0x38: {  	[tilespmem:$0x2A80] =	vst v1  }
0x39: {  	[tilespmem:$0x2A90] =	vst v1  }
0x3a: {  	[tilespmem:$0x2AA0] =	vst v1  }
0x3b: {  	[tilespmem:$0x2AB0] =	vst v1  }
0x3c: {  	[tilespmem:$0x2AC0] =	vst v1  }
0x3d: {  	[tilespmem:$0x2AD0] =	vst v1  }
0x3e: {  	[tilespmem:$0x2AE0] =	vst v1  }
0x3f: {  	[tilespmem:$0x2AF0] =	vst v1  }
0x40: {  	[spmem:s5] =	stream.linear.scatter [tilespmem:s9], [sflag:$0x1], $0x280, $0x38;
	[tilespmem:$0x2D80] =	vst v63  }
0x41: {  	_ =	swait.ge [sflag:s8], $0x280  }
0x42: {  	[sflag:s8] =	ssyncset.done $0x0  }
0x43: {  	[sflag:s8] =	ssyncadd.s32 $0xFFFFFD80  }
0x44: {  	s13 =	simm.s32 $0x0;
	[bflag:$0x0] =	sbarrier.arrive $0xFFFF  }
0x45: {  	[spmem:s2] =	stream.indirect.scatter.add.f32 [tilespmem:s11], [sflag:$0x1], $0x1, s13, s10, $0xb8;
	[tilespmem:$0x2D80] =	vst v63  }
0x46: {  	_ =	swait.ge [sflag:s8], $0x80  }
0x47: {  	s13 =	simm.s32 $0x200;
	[sflag:s8] =	ssyncset.done $0x0  }
.LBB2_2:
0x48: {  	s14 =	sshra.s32 s13, $0x2;
	[sflag:s8] =	ssyncadd.s32 $0xFFFFFF80;
	p0 =	sne.s32 s13, $0x9E00  }
0x49: {  	[spmem:s2] =	stream.indirect.scatter.add.f32 [tilespmem:s11], [sflag:$0x1], $0x1, s14, s10, $0xb8;
	[tilespmem:$0x2D80] =	vst v63  }
.Ltmp0:
0x4a: {  	_ = 	snop;
	(pc) =	sbr.rel @p0 .LBB2_2-.Ltmp0, $4  }
0x4b: {  	_ = 	snop  }
0x4c: {  	s13 =	sadd.s32 $0x200, s13  }
0x4d: {  	_ =	swait.ge [sflag:s8], $0x80  }
0x4e: {  	[sflag:s8] =	ssyncset.done $0x0  }
0x4f: {  	[sflag:s8] =	ssyncadd.s32 $0xFFFFFF80  }
0x50: {  	[bflag:$0x0] =	sbarrier.arrive $0xFFFF  }
0x51: {  	[tilespmem:s9], [sflag:$0x1] =	stream.linear.gather [spmem:s5], $0x280, $0x38;
	[tilespmem:$0x2D80] =	vst v63  }
0x52: {  	s12 =	sadd.s32 $0x1, s12;
	_ =	swait.ge [sflag:s8], $0x280  }
0x53: {  	p0 =	sne.s32 s12, s7;
	[sflag:s8] =	ssyncset.done $0x0  }
.Ltmp1:
0x54: {  	[sflag:s8] =	ssyncadd.s32 $0xFFFFFD80;
	(pc) =	sbr.rel @p0 .LBB2_1-.Ltmp1, $4  }
0x55: {  	[hbm4b:s6+s3] =	stream.linear.scatter [tilespmem:s9], [sflag:$0x1], $0x280, $0x38;
	[tilespmem:$0x2D80] =	vst v63  }
0x56: {  	_ =	swait.ge [sflag:s8], $0x280  }
0x57: {  	[sflag:s8] =	ssyncset.done $0x0  }
0x58: {  	[sflag:s8] =	ssyncadd.s32 $0xFFFFFD80  }
0x59: {  	_ =	sfence.sel $0x180000  }
0x5a: {  	[bflag:$0x0] =	sbarrier.arrive $0xFFFF  }
0x5b: {  	p0 =	sne.s32 s1, $0x0;
	_ =	strace $0x90000047  }
0x5c: {  	s0 =	sadd.s32 @!p0 $0x100000, s0;
	[bflag:$0x2] =	sbarrier.arrive $0xFFFF  }
0x5d: {  	[sflag:s0] =	ssyncadd.tile.s32 @!p0 $0x1;
	_ =	shalt  }
.Lfunc_end2:
_tile_overlayer_lowered:
.L_overlay_start_2:
0x5e: {  	(tag) =	ssettag $0x2  }
0x5f: {  	s0 =	rddreg [dreg:$0x0];
	s2 =	stileid.u32  }
0x60: {  	s1 =	rddreg [dreg:$0x1];
	p0 =	sne.s32 s2, $0x0  }
0x61: {  	s3 =	rddreg [dreg:$0x2];
	[bflag:$0x3] =	sbarrier.arrive $0xFFFF;
	s2 =	simm.s32 @!p0 $0x1C01  }
0x62: {  	[timem:s3], [sflag:s2] =	dma.local @!p0 [hbm:s0], s1  }
0x63: {  	s0 =	simm.s32 @!p0 $0x1  }
0x64: {  	_ =	swait.ge @!p0 [sflag:s0], s1  }
0x65: {  	s1 =	ssub.s32 @!p0 $0x0, s1;
	[sflag:s0] =	ssyncset.done @!p0 $0x0  }
0x66: {  	[sflag:s0] =	ssyncadd.s32 @!p0 s1  }
0x67: {  	[bflag:$0x3] =	sbarrier.arrive $0xFFFF  }
0x68: {  	_ =	shalt  }

</sc_bundles>
